<compile_context>
chip_gen: v7x
topology: tpu7x:2x2x1
jax: 0.10.2.dev20260603
libtpu: 0.0.44.dev20260713+nightly
codegen_flags: <defaults>
</compile_context>

<pallas_src>
import functools

import jax
import jax.numpy as jnp
from jax import lax
from jax.experimental import pallas as pl
from jax.experimental.pallas import tpu as pltpu
from jax.experimental.pallas import tpu_sc as plsc

_N = 10000
_E = 320000
_DIM = 16

_NW = 32
_EPT = _E // _NW
_NM = 5
_MB = _EPT // _NM
_RPT = 632
_ACC_ROWS = _RPT * 16
_DN = 1280

@functools.cache
def _sc_kernels():
    mesh = plsc.VectorSubcoreMesh(
        core_axis_name="c", subcore_axis_name="s", num_cores=2, num_subcores=16
    )

    @functools.partial(
        pl.kernel,
        out_type=jax.ShapeDtypeStruct((2, _DN, 16), jnp.float32),
        mesh=mesh,
        scratch_types=[
            pltpu.VMEM((_EPT + 128,), jnp.int32),
            pltpu.VMEM((_DN, 16), jnp.float32),
            pltpu.VMEM((_DN,), jnp.int32),
            pltpu.VMEM_SHARED((_DN, 16), jnp.float32),
            pltpu.SemaphoreType.DMA,
        ],
        compiler_params=pltpu.CompilerParams(
            needs_layout_passes=False, use_tc_tiling_on_sc=False),
    )
    def sc_degree(e_hbm, out_hbm, didx, deg, idr, deg_s, dsem):
        c = lax.axis_index("c")
        s = lax.axis_index("s")
        wid = c * 16 + s
        zeros = jnp.zeros((16,), jnp.float32)

        def zbody(i, _):
            for u in range(8):
                deg[i * 8 + u, :] = zeros
            return 0

        beg = _E + wid * _EPT
        algn = pl.multiple_of((beg // 128) * 128, 128)
        off = beg - (beg // 128) * 128
        pltpu.make_async_copy(e_hbm.at[pl.ds(algn, _EPT + 128)], didx, dsem).start()
        lax.fori_loop(0, _DN // 8, zbody, 0)
        pltpu.sync_copy(deg.at[pl.ds(0, _DN // 16)], deg_s.at[pl.ds(s * (_DN // 16), _DN // 16)])
        pltpu.make_async_copy(e_hbm.at[pl.ds(algn, _EPT + 128)], didx, dsem).wait()
        ones = jnp.ones((16,), jnp.float32)

        def body(i, _):
            for u in range(25):
                idx = didx[pl.ds(off + (i * 25 + u) * 16, 16)]
                plsc.addupdate_scatter(deg, [idx >> 3, idx & 7], ones)
            return 0

        lax.fori_loop(0, _EPT // 400, body, 0)
        iota = lax.iota(jnp.int32, 16)

        def ibody(i, _):
            idr[pl.ds(i * 16, 16)] = iota + i * 16
            return 0

        lax.fori_loop(0, _DN // 16, ibody, 0)
        plsc.subcore_barrier()
        pltpu.sync_copy(deg, deg_s.at[idr], add=True)
        plsc.subcore_barrier()
        pltpu.sync_copy(deg_s.at[pl.ds(s * (_DN // 16), _DN // 16)], deg.at[pl.ds(0, _DN // 16)])
        pltpu.sync_copy(deg.at[pl.ds(0, _DN // 16)], out_hbm.at[c, pl.ds(s * (_DN // 16), _DN // 16)])

    @functools.partial(
        pl.kernel,
        out_type=jax.ShapeDtypeStruct((2, _ACC_ROWS, _DIM), jnp.float32),
        mesh=mesh,
        scratch_types=[
            pltpu.VMEM((_EPT + 128,), jnp.int32),
            pltpu.VMEM((_EPT + 128,), jnp.int32),
            [pltpu.VMEM((_MB, _DIM), jnp.float32)] * 2,
            pltpu.VMEM((_RPT, _DIM), jnp.float32),
            pltpu.VMEM_SHARED((_ACC_ROWS, _DIM), jnp.float32),
            pltpu.VMEM_SHARED((_ACC_ROWS, _DIM), jnp.float32),
            [pltpu.SemaphoreType.DMA] * 4,
        ],
        compiler_params=pltpu.CompilerParams(use_tc_tiling_on_sc=False),
    )
    def sc_agg(tab_hbm, e_hbm, out_hbm, sidx, didx, rows, buf, acc, tabs, sems):
        c = lax.axis_index("c")
        s = lax.axis_index("s")
        wid = c * 16 + s
        gsem = [sems[0], sems[1]]
        ssem = [sems[2], sems[3]]
        zeros = jnp.zeros((16,), jnp.float32)

        def zbody(i, _):
            for u in range(8):
                buf[i * 8 + u, :] = zeros
            return 0

        sbeg = wid * _EPT
        dbeg = _E + wid * _EPT
        soff = sbeg - (sbeg // 128) * 128
        doff = dbeg - (dbeg // 128) * 128
        pltpu.make_async_copy(
            e_hbm.at[pl.ds(pl.multiple_of((sbeg // 128) * 128, 128), _EPT + 128)],
            sidx, gsem[0]).start()
        pltpu.make_async_copy(
            e_hbm.at[pl.ds(pl.multiple_of((dbeg // 128) * 128, 128), _EPT + 128)],
            didx, gsem[1]).start()
        pltpu.sync_copy(tab_hbm.at[pl.ds(s * _RPT, _RPT)], buf)
        pltpu.sync_copy(buf, tabs.at[pl.ds(s * _RPT, _RPT)])
        lax.fori_loop(0, _RPT // 8, zbody, 0)
        pltpu.sync_copy(buf, acc.at[pl.ds(s * _RPT, _RPT)])
        pltpu.make_async_copy(
            e_hbm.at[pl.ds(pl.multiple_of((sbeg // 128) * 128, 128), _EPT + 128)],
            sidx, gsem[0]).wait()
        pltpu.make_async_copy(
            e_hbm.at[pl.ds(pl.multiple_of((dbeg // 128) * 128, 128), _EPT + 128)],
            didx, gsem[1]).wait()
        plsc.subcore_barrier()

        def gat(m, b):
            return pltpu.make_async_copy(
                tabs.at[sidx.at[pl.ds(soff + m * _MB, _MB)]], rows[b], gsem[b])

        def sca(m, b):
            return pltpu.make_async_copy(
                rows[b], acc.at[didx.at[pl.ds(doff + m * _MB, _MB)]], ssem[b])

        gat(0, 0).start()
        for m in range(_NM):
            b = m % 2
            gat(m, b).wait()
            if m + 1 < _NM:
                if m >= 1:
                    sca(m - 1, 1 - b).wait()
                gat(m + 1, 1 - b).start()
            pltpu.async_copy(rows[b], acc.at[didx.at[pl.ds(doff + m * _MB, _MB)]],
                             ssem[b], add=True)
        sca(_NM - 2, (_NM - 2) % 2).wait()
        sca(_NM - 1, (_NM - 1) % 2).wait()
        plsc.subcore_barrier()
        pltpu.sync_copy(acc.at[pl.ds(s * _RPT, _RPT)], buf)
        pltpu.sync_copy(buf, out_hbm.at[c, pl.ds(s * _RPT, _RPT)])

    return sc_degree, sc_agg


_VR = _ACC_ROWS * _DIM // 128


def _tc1a_body(x_ref, w1_ref, hv_ref):
    h = jnp.dot(x_ref[...], w1_ref[...], preferred_element_type=jnp.float32)
    hp = jnp.concatenate([h, jnp.zeros((_ACC_ROWS - _N, _DIM), jnp.float32)], 0)
    h3 = hp.reshape(_VR, 8, _DIM)
    kk = lax.broadcasted_iota(jnp.int32, (_DIM, 128), 0)
    cc = lax.broadcasted_iota(jnp.int32, (_DIM, 128), 1)
    hv = jnp.zeros((_VR, 128), jnp.float32)
    for j in range(8):
        ej = jnp.where(cc == kk + _DIM * j, 1.0, 0.0)
        hv = hv + jnp.dot(h3[:, j, :], ej, preferred_element_type=jnp.float32)
    hv_ref[...] = hv


_tc1a = pl.pallas_call(
    _tc1a_body,
    out_shape=jax.ShapeDtypeStruct((_VR, 128), jnp.float32),
)


def _tc1b_body(degp_ref, hv_ref, dis16_ref, hs_ref, hself_ref):
    degp = degp_ref[0] + degp_ref[1]
    disp = lax.rsqrt(degp + 1.0)[:, 0:8]
    r8 = lax.broadcasted_iota(jnp.int32, (8, 128), 0)
    c8 = lax.broadcasted_iota(jnp.int32, (8, 128), 1) // _DIM
    expand = jnp.where(r8 == c8, 1.0, 0.0)
    dis16 = jnp.dot(disp, expand, preferred_element_type=jnp.float32)[0:_VR, :]
    hs = hv_ref[...] * dis16
    dis16_ref[...] = dis16
    hs_ref[...] = hs
    hself_ref[...] = hs * dis16


_tc1b = pl.pallas_call(
    _tc1b_body,
    out_shape=(
        jax.ShapeDtypeStruct((_VR, 128), jnp.float32),
        jax.ShapeDtypeStruct((_VR, 128), jnp.float32),
        jax.ShapeDtypeStruct((_VR, 128), jnp.float32),
    ),
)


def _tile8(mat):
    r = lax.broadcasted_iota(jnp.int32, (128, 128), 0)
    c = lax.broadcasted_iota(jnp.int32, (128, 128), 1)
    tiled = jnp.tile(mat, (8, 8))
    return jnp.where(r // _DIM == c // _DIM, tiled, 0.0)


def _tc2_body(acc_ref, dis16_ref, hself_ref, b1_ref, w2_ref, gs_ref, gself_ref):
    av = acc_ref[0:_VR, :] + acc_ref[_VR:2 * _VR, :]
    dis16 = dis16_ref[...]
    b1v = jnp.tile(b1_ref[...], (8,))
    z = av * dis16 + hself_ref[...] + b1v[None, :]
    h2 = jnp.maximum(z, 0.0)
    g = jnp.dot(h2, _tile8(w2_ref[...]), preferred_element_type=jnp.float32)
    gs = g * dis16
    gs_ref[...] = gs
    gself_ref[...] = gs * dis16


_tc2 = pl.pallas_call(
    _tc2_body,
    out_shape=(
        jax.ShapeDtypeStruct((_VR, 128), jnp.float32),
        jax.ShapeDtypeStruct((_VR, 128), jnp.float32),
    ),
)


def _tc3_body(acc_ref, dis16_ref, gself_ref, b2_ref, out_ref):
    av = acc_ref[0:_VR, :] + acc_ref[_VR:2 * _VR, :]
    b2v = jnp.tile(b2_ref[...], (8,))
    logitsv = av * dis16_ref[...] + gself_ref[...] + b2v[None, :]
    m = jnp.concatenate(
        [jnp.broadcast_to(
            jnp.max(logitsv[:, _DIM * j:_DIM * (j + 1)], axis=1, keepdims=True),
            (_VR, _DIM)) for j in range(8)], axis=1)
    ex = jnp.exp(logitsv - m)
    lse = jnp.concatenate(
        [jnp.broadcast_to(
            jnp.log(jnp.sum(ex[:, _DIM * j:_DIM * (j + 1)], axis=1, keepdims=True)),
            (_VR, _DIM)) for j in range(8)], axis=1) + m
    out_ref[...] = (logitsv - lse)[0:_N * _DIM // 128, :]


_tc3 = pl.pallas_call(
    _tc3_body,
    out_shape=jax.ShapeDtypeStruct((_N * _DIM // 128, 128), jnp.float32),
)


def kernel(x, edge_index, W1, b1, W2, b2):
    ei = edge_index.astype(jnp.int32).reshape(-1)

    sc_degree, sc_agg = _sc_kernels()
    hvr = _tc1a(x, W1)
    degp = sc_degree(ei)
    dis16, hsv, hselfv = _tc1b(degp, hvr)
    acc1 = sc_agg(hsv.reshape(_ACC_ROWS, _DIM), ei).reshape(2 * _VR, 128)
    gsv, gselfv = _tc2(acc1, dis16, hselfv, b1, W2)
    acc2 = sc_agg(gsv.reshape(_ACC_ROWS, _DIM), ei).reshape(2 * _VR, 128)
    predv = _tc3(acc2, dis16, gselfv, b2)
    return predv.reshape(_N, _DIM)

# --- scband reference (transcript-rebuilt; emitter-appended) ---
"""Pipeline reference for scband-gcn-54477365182993 (READ-ONLY COPY).

The authoritative reference and input builder live on the scoring server;
editing this copy changes nothing except your own understanding.
"""

import jax, jax.numpy as jnp
import numpy as np

N = 10000
E = 320000
D_IN = 128
DIM = 16
NUM_CLASSES = 16


def setup_inputs(seed: int = 0) -> dict:
    key = jax.random.key(seed)
    k_x, k_e, k_w1, k_b1, k_w2, k_b2 = jax.random.split(key, 6)
    x = jax.random.normal(k_x, (N, D_IN), dtype=jnp.float32)
    edge_index = jax.random.randint(k_e, (2, E), 0, N, dtype=jnp.int64)
    W1 = jax.random.normal(k_w1, (D_IN, DIM), dtype=jnp.float32) * 0.1
    b1 = jnp.zeros((DIM,), dtype=jnp.float32)
    W2 = jax.random.normal(k_w2, (DIM, NUM_CLASSES), dtype=jnp.float32) * 0.1
    b2 = jnp.zeros((NUM_CLASSES,), dtype=jnp.float32)
    return {"x": x, "edge_index": edge_index, "W1": W1, "b1": b1, "W2": W2, "b2": b2}


def _gcn_conv(x, src, dst, W, b, n_nodes):
    # PyG GCNConv: x' = D^{-1/2} (A + I) D^{-1/2} (X W) + b
    h = x @ W
    ones = jnp.ones(src.shape[0], dtype=h.dtype)
    deg = jnp.zeros(n_nodes, dtype=h.dtype).at[dst].add(ones)
    deg_inv_sqrt = jnp.where(deg > 0, deg ** -0.5, 0.0)
    norm = deg_inv_sqrt[src] * deg_inv_sqrt[dst]
    msg = h[src] * norm[:, None]
    out = jnp.zeros((n_nodes, h.shape[1]), dtype=h.dtype).at[dst].add(msg)
    return out + b


def reference(x, edge_index, W1, b1, W2, b2):
    # add self-loops once (same augmented graph used by every conv)
    loop = jnp.arange(N, dtype=edge_index.dtype)
    src = jnp.concatenate([edge_index[0], loop])
    dst = jnp.concatenate([edge_index[1], loop])
    h = jax.nn.relu(_gcn_conv(x, src, dst, W1, b1, N))
    # F.dropout with training=False is identity (eval mode)
    logits = _gcn_conv(h, src, dst, W2, b2, N)
    pred = jax.nn.log_softmax(logits, axis=-1)
    return pred

if __name__ == "__main__":
    import jax
    _d = setup_inputs()
    print(jax.jit(kernel)(*tuple(_d.values())))

</pallas_src>

<mosaic_0001>
#map = affine_map<(d0, d1) -> (0)>
#map1 = affine_map<(d0, d1) -> (0, 0, 0)>
module attributes {stable_mosaic.version = 14 : i64} {
  func.func @sc_degree(%arg0: i32, %arg1: i32, %arg2: memref<640000xi32, #tpu.memory_space<hbm>>, %arg3: memref<2x1280x16xf32, #tpu.memory_space<hbm>>, %arg4: memref<10128xi32, #tpu.memory_space<vmem>>, %arg5: memref<1280x16xf32, #tpu.memory_space<vmem>>, %arg6: memref<1280xi32, #tpu.memory_space<vmem>>, %arg7: memref<1280x16xf32, #tpu.memory_space<vmem_shared>>, %arg8: memref<!tpu.dma_semaphore, #tpu.memory_space<semaphore_mem>>) attributes {dimension_semantics = [#tpu.dimension_semantics<core_parallel>, #tpu.dimension_semantics<subcore_parallel>], iteration_bounds = array<i64: 2, 16>, scalar_prefetch = 0 : i64, scratch_operands = 5 : i64, tpu.core_type = #tpu.core_type<sc_vector_subcore>, window_params = [{transform_indices = #map}, {transform_indices = #map1}]} {
    %mul3A = arith.constant 16 : i32
    %mul3A_0 = arith.muli %arg0, %mul3A : i32
    %add3A = arith.addi %mul3A_0, %arg1 : i32
    %broadcast_in_dim3A = arith.constant 0.000000e+00 : f32
    %broadcast_in_dim3A_1 = vector.broadcast %broadcast_in_dim3A : f32 to vector<16xf32>
    %mul3A_2 = arith.constant 10000 : i32
    %mul3A_3 = arith.muli %add3A, %mul3A_2 : i32
    %add3A_4 = arith.constant 320000 : i32
    %add3A_5 = arith.addi %add3A_4, %mul3A_3 : i32
    %jit3A = arith.constant 128 : i32
    %div3A = arith.divsi %add3A_5, %jit3A : i32
    %sign3A = arith.constant 0 : i32
    %sign3A_6 = arith.cmpi sgt, %add3A_5, %sign3A : i32
    %sign3A_7 = arith.extui %sign3A_6 : i1 to i32
    %sign3A_8 = arith.constant 0 : i32
    %sign3A_9 = arith.cmpi slt, %add3A_5, %sign3A_8 : i32
    %sign3A_10 = arith.extui %sign3A_9 : i1 to i32
    %sign3A_11 = arith.subi %sign3A_7, %sign3A_10 : i32
    %sign3A_12 = arith.constant 0 : i32
    %sign3A_13 = arith.cmpi sgt, %jit3A, %sign3A_12 : i32
    %sign3A_14 = arith.extui %sign3A_13 : i1 to i32
    %sign3A_15 = arith.constant 0 : i32
    %sign3A_16 = arith.cmpi slt, %jit3A, %sign3A_15 : i32
    %sign3A_17 = arith.extui %sign3A_16 : i1 to i32
    %sign3A_18 = arith.subi %sign3A_14, %sign3A_17 : i32
    %ne3A = arith.cmpi ne, %sign3A_11, %sign3A_18 : i32
    %rem3A = arith.remsi %add3A_5, %jit3A : i32
    %ne3A_19 = arith.constant 0 : i32
    %ne3A_20 = arith.cmpi ne, %rem3A, %ne3A_19 : i32
    %and3A = arith.andi %ne3A, %ne3A_20 : i1
    %sub3A = arith.constant 1 : i32
    %sub3A_21 = arith.subi %div3A, %sub3A : i32
    %select_n3A = arith.select %and3A, %sub3A_21, %div3A : i32
    %mul3A_22 = arith.constant 128 : i32
    %mul3A_23 = arith.muli %select_n3A, %mul3A_22 : i32
    %multiple_of3A = tpu.assume_multiple %mul3A_23, 128 : i32
    %jit3A_24 = arith.constant 128 : i32
    %div3A_25 = arith.divsi %add3A_5, %jit3A_24 : i32
    %sign3A_26 = arith.constant 0 : i32
    %sign3A_27 = arith.cmpi sgt, %add3A_5, %sign3A_26 : i32
    %sign3A_28 = arith.extui %sign3A_27 : i1 to i32
    %sign3A_29 = arith.constant 0 : i32
    %sign3A_30 = arith.cmpi slt, %add3A_5, %sign3A_29 : i32
    %sign3A_31 = arith.extui %sign3A_30 : i1 to i32
    %sign3A_32 = arith.subi %sign3A_28, %sign3A_31 : i32
    %sign3A_33 = arith.constant 0 : i32
    %sign3A_34 = arith.cmpi sgt, %jit3A_24, %sign3A_33 : i32
    %sign3A_35 = arith.extui %sign3A_34 : i1 to i32
    %sign3A_36 = arith.constant 0 : i32
    %sign3A_37 = arith.cmpi slt, %jit3A_24, %sign3A_36 : i32
    %sign3A_38 = arith.extui %sign3A_37 : i1 to i32
    %sign3A_39 = arith.subi %sign3A_35, %sign3A_38 : i32
    %ne3A_40 = arith.cmpi ne, %sign3A_32, %sign3A_39 : i32
    %rem3A_41 = arith.remsi %add3A_5, %jit3A_24 : i32
    %ne3A_42 = arith.constant 0 : i32
    %ne3A_43 = arith.cmpi ne, %rem3A_41, %ne3A_42 : i32
    %and3A_44 = arith.andi %ne3A_40, %ne3A_43 : i1
    %sub3A_45 = arith.constant 1 : i32
    %sub3A_46 = arith.subi %div3A_25, %sub3A_45 : i32
    %select_n3A_47 = arith.select %and3A_44, %sub3A_46, %div3A_25 : i32
    %mul3A_48 = arith.constant 128 : i32
    %mul3A_49 = arith.muli %select_n3A_47, %mul3A_48 : i32
    %sub3A_50 = arith.subi %add3A_5, %mul3A_49 : i32
    %dma_start3A = tpu.memref_slice %arg2[%multiple_of3A] : memref<640000xi32, #tpu.memory_space<hbm>> -> memref<10128xi32, #tpu.memory_space<hbm>>
    %dma_start3A_51 = tpu.memref_slice %arg2[%multiple_of3A] : memref<640000xi32, #tpu.memory_space<hbm>> -> memref<10128xi32, #tpu.memory_space<hbm>>
    tpu.enqueue_dma source(%dma_start3A_51 : memref<10128xi32, #tpu.memory_space<hbm>>) target(%arg4 : memref<10128xi32, #tpu.memory_space<vmem>>) target_semaphore(%arg8 : memref<!tpu.dma_semaphore, #tpu.memory_space<semaphore_mem>>)
    %scan3A = arith.constant 0 : i32
    %scan3A_52 = arith.constant 0 : i32
    %scan3A_53 = arith.constant 160 : i32
    %scan3A_54 = arith.addi %scan3A_52, %scan3A_53 : i32
    %scan3A_55 = arith.constant 1 : i32
    %scan3A_56 = scf.for %scan3A_82 = %scan3A_52 to %scan3A_54 step %scan3A_55 iter_args(%scan3A_83 = %scan3A) -> (i32)  : i32 {
      %mul3A_84 = arith.constant 8 : i32
      %mul3A_85 = arith.muli %scan3A_82, %mul3A_84 : i32
      %add3A_86 = arith.constant 0 : i32
      %add3A_87 = arith.addi %mul3A_85, %add3A_86 : i32
      %swap3A = arith.index_cast %add3A_87 : i32 to index
      %swap3A_88 = arith.constant 0 : index
      %swap3A_89 = tpu.vector_load %arg5[%swap3A, %swap3A_88] {strides = array<i32>} : memref<1280x16xf32, #tpu.memory_space<vmem>>, vector<16xf32>,
      tpu.vector_store %arg5[%swap3A, %swap3A_88], %broadcast_in_dim3A_1 {strides = array<i32>} : memref<1280x16xf32, #tpu.memory_space<vmem>>, vector<16xf32>,
      %mul3A_90 = arith.constant 8 : i32
      %mul3A_91 = arith.muli %scan3A_82, %mul3A_90 : i32
      %add3A_92 = arith.constant 1 : i32
      %add3A_93 = arith.addi %mul3A_91, %add3A_92 : i32
      %swap3A_94 = arith.index_cast %add3A_93 : i32 to index
      %swap3A_95 = arith.constant 0 : index
      %swap3A_96 = tpu.vector_load %arg5[%swap3A_94, %swap3A_95] {strides = array<i32>} : memref<1280x16xf32, #tpu.memory_space<vmem>>, vector<16xf32>,
      tpu.vector_store %arg5[%swap3A_94, %swap3A_95], %broadcast_in_dim3A_1 {strides = array<i32>} : memref<1280x16xf32, #tpu.memory_space<vmem>>, vector<16xf32>,
      %mul3A_97 = arith.constant 8 : i32
      %mul3A_98 = arith.muli %scan3A_82, %mul3A_97 : i32
      %add3A_99 = arith.constant 2 : i32
      %add3A_100 = arith.addi %mul3A_98, %add3A_99 : i32
      %swap3A_101 = arith.index_cast %add3A_100 : i32 to index
      %swap3A_102 = arith.constant 0 : index
      %swap3A_103 = tpu.vector_load %arg5[%swap3A_101, %swap3A_102] {strides = array<i32>} : memref<1280x16xf32, #tpu.memory_space<vmem>>, vector<16xf32>,
      tpu.vector_store %arg5[%swap3A_101, %swap3A_102], %broadcast_in_dim3A_1 {strides = array<i32>} : memref<1280x16xf32, #tpu.memory_space<vmem>>, vector<16xf32>,
      %mul3A_104 = arith.constant 8 : i32
      %mul3A_105 = arith.muli %scan3A_82, %mul3A_104 : i32
      %add3A_106 = arith.constant 3 : i32
      %add3A_107 = arith.addi %mul3A_105, %add3A_106 : i32
      %swap3A_108 = arith.index_cast %add3A_107 : i32 to index
      %swap3A_109 = arith.constant 0 : index
      %swap3A_110 = tpu.vector_load %arg5[%swap3A_108, %swap3A_109] {strides = array<i32>} : memref<1280x16xf32, #tpu.memory_space<vmem>>, vector<16xf32>,
      tpu.vector_store %arg5[%swap3A_108, %swap3A_109], %broadcast_in_dim3A_1 {strides = array<i32>} : memref<1280x16xf32, #tpu.memory_space<vmem>>, vector<16xf32>,
      %mul3A_111 = arith.constant 8 : i32
      %mul3A_112 = arith.muli %scan3A_82, %mul3A_111 : i32
      %add3A_113 = arith.constant 4 : i32
      %add3A_114 = arith.addi %mul3A_112, %add3A_113 : i32
      %swap3A_115 = arith.index_cast %add3A_114 : i32 to index
      %swap3A_116 = arith.constant 0 : index
      %swap3A_117 = tpu.vector_load %arg5[%swap3A_115, %swap3A_116] {strides = array<i32>} : memref<1280x16xf32, #tpu.memory_space<vmem>>, vector<16xf32>,
      tpu.vector_store %arg5[%swap3A_115, %swap3A_116], %broadcast_in_dim3A_1 {strides = array<i32>} : memref<1280x16xf32, #tpu.memory_space<vmem>>, vector<16xf32>,
      %mul3A_118 = arith.constant 8 : i32
      %mul3A_119 = arith.muli %scan3A_82, %mul3A_118 : i32
      %add3A_120 = arith.constant 5 : i32
      %add3A_121 = arith.addi %mul3A_119, %add3A_120 : i32
      %swap3A_122 = arith.index_cast %add3A_121 : i32 to index
      %swap3A_123 = arith.constant 0 : index
      %swap3A_124 = tpu.vector_load %arg5[%swap3A_122, %swap3A_123] {strides = array<i32>} : memref<1280x16xf32, #tpu.memory_space<vmem>>, vector<16xf32>,
      tpu.vector_store %arg5[%swap3A_122, %swap3A_123], %broadcast_in_dim3A_1 {strides = array<i32>} : memref<1280x16xf32, #tpu.memory_space<vmem>>, vector<16xf32>,
      %mul3A_125 = arith.constant 8 : i32
      %mul3A_126 = arith.muli %scan3A_82, %mul3A_125 : i32
      %add3A_127 = arith.constant 6 : i32
      %add3A_128 = arith.addi %mul3A_126, %add3A_127 : i32
      %swap3A_129 = arith.index_cast %add3A_128 : i32 to index
      %swap3A_130 = arith.constant 0 : index
      %swap3A_131 = tpu.vector_load %arg5[%swap3A_129, %swap3A_130] {strides = array<i32>} : memref<1280x16xf32, #tpu.memory_space<vmem>>, vector<16xf32>,
      tpu.vector_store %arg5[%swap3A_129, %swap3A_130], %broadcast_in_dim3A_1 {strides = array<i32>} : memref<1280x16xf32, #tpu.memory_space<vmem>>, vector<16xf32>,
      %mul3A_132 = arith.constant 8 : i32
      %mul3A_133 = arith.muli %scan3A_82, %mul3A_132 : i32
      %add3A_134 = arith.constant 7 : i32
      %add3A_135 = arith.addi %mul3A_133, %add3A_134 : i32
      %swap3A_136 = arith.index_cast %add3A_135 : i32 to index
      %swap3A_137 = arith.constant 0 : index
      %swap3A_138 = tpu.vector_load %arg5[%swap3A_136, %swap3A_137] {strides = array<i32>} : memref<1280x16xf32, #tpu.memory_space<vmem>>, vector<16xf32>,
      tpu.vector_store %arg5[%swap3A_136, %swap3A_137], %broadcast_in_dim3A_1 {strides = array<i32>} : memref<1280x16xf32, #tpu.memory_space<vmem>>, vector<16xf32>,
      %scan3A_139 = arith.constant 0 : i32
      scf.yield %scan3A_139 : i32
    }
    %scan3A_57 = arith.constant 160 : i32
    %mul3A_58 = arith.constant 80 : i32
    %mul3A_59 = arith.muli %arg1, %mul3A_58 : i32
    "tpu.region"() ({
      %run_scoped3A = tpu.sem_alloc : memref<!tpu.dma_semaphore, #tpu.memory_space<semaphore_mem>>
      %dma_start3A_82 = arith.constant 0 : i32
      %dma_start3A_83 = arith.constant 0 : i32
      %dma_start3A_84 = tpu.memref_slice %arg5[%dma_start3A_82, %dma_start3A_83] : memref<1280x16xf32, #tpu.memory_space<vmem>> -> memref<80x16xf32, #tpu.memory_space<vmem>>
      %dma_start3A_85 = arith.constant 0 : i32
      %dma_start3A_86 = tpu.memref_slice %arg7[%mul3A_59, %dma_start3A_85] : memref<1280x16xf32, #tpu.memory_space<vmem_shared>> -> memref<80x16xf32, #tpu.memory_space<vmem_shared>>
      %dma_start3A_87 = arith.constant 0 : i32
      %dma_start3A_88 = tpu.memref_slice %arg7[%mul3A_59, %dma_start3A_87] : memref<1280x16xf32, #tpu.memory_space<vmem_shared>> -> memref<80x16xf32, #tpu.memory_space<vmem_shared>>
      %dma_start3A_89 = arith.constant 0 : i32
      %dma_start3A_90 = arith.constant 0 : i32
      %dma_start3A_91 = tpu.memref_slice %arg5[%dma_start3A_89, %dma_start3A_90] : memref<1280x16xf32, #tpu.memory_space<vmem>> -> memref<80x16xf32, #tpu.memory_space<vmem>>
      tpu.enqueue_dma source(%dma_start3A_91 : memref<80x16xf32, #tpu.memory_space<vmem>>) target(%dma_start3A_88 : memref<80x16xf32, #tpu.memory_space<vmem_shared>>) target_semaphore(%run_scoped3A : memref<!tpu.dma_semaphore, #tpu.memory_space<semaphore_mem>>)
      %dma_wait3A_92 = arith.constant 0 : i32
      %dma_wait3A_93 = arith.constant 0 : i32
      %dma_wait3A_94 = tpu.memref_slice %arg5[%dma_wait3A_92, %dma_wait3A_93] : memref<1280x16xf32, #tpu.memory_space<vmem>> -> memref<80x16xf32, #tpu.memory_space<vmem>>
      %dma_wait3A_95 = arith.constant 0 : i32
      %dma_wait3A_96 = tpu.memref_slice %arg7[%mul3A_59, %dma_wait3A_95] : memref<1280x16xf32, #tpu.memory_space<vmem_shared>> -> memref<80x16xf32, #tpu.memory_space<vmem_shared>>
      %dma_wait3A_97 = arith.constant 0 : i32
      %dma_wait3A_98 = tpu.memref_slice %arg7[%mul3A_59, %dma_wait3A_97] : memref<1280x16xf32, #tpu.memory_space<vmem_shared>> -> memref<80x16xf32, #tpu.memory_space<vmem_shared>>
      %dma_wait3A_99 = arith.constant 0 : i32
      %dma_wait3A_100 = arith.constant 0 : i32
      %dma_wait3A_101 = tpu.memref_slice %arg5[%dma_wait3A_99, %dma_wait3A_100] : memref<1280x16xf32, #tpu.memory_space<vmem>> -> memref<80x16xf32, #tpu.memory_space<vmem>>
      tpu.wait_dma2 semaphore(%run_scoped3A : memref<!tpu.dma_semaphore, #tpu.memory_space<semaphore_mem>>) src(%dma_wait3A_101 : memref<80x16xf32, #tpu.memory_space<vmem>>) dst(%dma_wait3A_98 : memref<80x16xf32, #tpu.memory_space<vmem_shared>>)
      tpu.yield
    }) : () -> ()
    %dma_wait3A = tpu.memref_slice %arg2[%multiple_of3A] : memref<640000xi32, #tpu.memory_space<hbm>> -> memref<10128xi32, #tpu.memory_space<hbm>>
    %dma_wait3A_60 = tpu.memref_slice %arg2[%multiple_of3A] : memref<640000xi32, #tpu.memory_space<hbm>> -> memref<10128xi32, #tpu.memory_space<hbm>>
    tpu.wait_dma2 semaphore(%arg8 : memref<!tpu.dma_semaphore, #tpu.memory_space<semaphore_mem>>) src(%dma_wait3A_60 : memref<10128xi32, #tpu.memory_space<hbm>>) dst(%arg4 : memref<10128xi32, #tpu.memory_space<vmem>>)
    %broadcast_in_dim3A_61 = arith.constant 1.000000e+00 : f32
    %broadcast_in_dim3A_62 = vector.broadcast %broadcast_in_dim3A_61 : f32 to vector<16xf32>
    %scan3A_63 = arith.constant 0 : i32
    %scan3A_64 = arith.constant 0 : i32
    %scan3A_65 = arith.constant 25 : i32
    %scan3A_66 = arith.addi %scan3A_64, %scan3A_65 : i32
    %scan3A_67 = arith.constant 1 : i32
    %scan3A_68 = scf.for %scan3A_82 = %scan3A_64 to %scan3A_66 step %scan3A_67 iter_args(%scan3A_83 = %scan3A_63) -> (i32)  : i32 {
      %mul3A_84 = arith.constant 25 : i32
      %mul3A_85 = arith.muli %scan3A_82, %mul3A_84 : i32
      %add3A_86 = arith.constant 0 : i32
      %add3A_87 = arith.addi %mul3A_85, %add3A_86 : i32
      %mul3A_88 = arith.constant 16 : i32
      %mul3A_89 = arith.muli %add3A_87, %mul3A_88 : i32
      %add3A_90 = arith.addi %sub3A_50, %mul3A_89 : i32
      %get3A = arith.index_cast %add3A_90 : i32 to index
      %get3A_91 = tpu.vector_load %arg4[%get3A] {strides = array<i32>} : memref<10128xi32, #tpu.memory_space<vmem>>, vector<16xi32>,
      %shift_right_arithmetic3A = arith.constant 3 : i32
      %shift_right_arithmetic3A_92 = vector.broadcast %shift_right_arithmetic3A : i32 to vector<16xi32>
      %shift_right_arithmetic3A_93 = arith.shrsi %get3A_91, %shift_right_arithmetic3A_92 : vector<16xi32>
      %and3A_94 = arith.constant 7 : i32
      %and3A_95 = vector.broadcast %and3A_94 : i32 to vector<16xi32>
      %and3A_96 = arith.andi %get3A_91, %and3A_95 : vector<16xi32>
      tpu.vector_store_idx %arg5[%shift_right_arithmetic3A_93, %and3A_96], %broadcast_in_dim3A_62 {add = true} : memref<1280x16xf32, #tpu.memory_space<vmem>>[vector<16xi32>, vector<16xi32>], vector<16xf32>,
      %mul3A_97 = arith.constant 25 : i32
      %mul3A_98 = arith.muli %scan3A_82, %mul3A_97 : i32
      %add3A_99 = arith.constant 1 : i32
      %add3A_100 = arith.addi %mul3A_98, %add3A_99 : i32
      %mul3A_101 = arith.constant 16 : i32
      %mul3A_102 = arith.muli %add3A_100, %mul3A_101 : i32
      %add3A_103 = arith.addi %sub3A_50, %mul3A_102 : i32
      %get3A_104 = arith.index_cast %add3A_103 : i32 to index
      %get3A_105 = tpu.vector_load %arg4[%get3A_104] {strides = array<i32>} : memref<10128xi32, #tpu.memory_space<vmem>>, vector<16xi32>,
      %shift_right_arithmetic3A_106 = arith.constant 3 : i32
      %shift_right_arithmetic3A_107 = vector.broadcast %shift_right_arithmetic3A_106 : i32 to vector<16xi32>
      %shift_right_arithmetic3A_108 = arith.shrsi %get3A_105, %shift_right_arithmetic3A_107 : vector<16xi32>
      %and3A_109 = arith.constant 7 : i32
      %and3A_110 = vector.broadcast %and3A_109 : i32 to vector<16xi32>
      %and3A_111 = arith.andi %get3A_105, %and3A_110 : vector<16xi32>
      tpu.vector_store_idx %arg5[%shift_right_arithmetic3A_108, %and3A_111], %broadcast_in_dim3A_62 {add = true} : memref<1280x16xf32, #tpu.memory_space<vmem>>[vector<16xi32>, vector<16xi32>], vector<16xf32>,
      %mul3A_112 = arith.constant 25 : i32
      %mul3A_113 = arith.muli %scan3A_82, %mul3A_112 : i32
      %add3A_114 = arith.constant 2 : i32
      %add3A_115 = arith.addi %mul3A_113, %add3A_114 : i32
      %mul3A_116 = arith.constant 16 : i32
      %mul3A_117 = arith.muli %add3A_115, %mul3A_116 : i32
      %add3A_118 = arith.addi %sub3A_50, %mul3A_117 : i32
      %get3A_119 = arith.index_cast %add3A_118 : i32 to index
      %get3A_120 = tpu.vector_load %arg4[%get3A_119] {strides = array<i32>} : memref<10128xi32, #tpu.memory_space<vmem>>, vector<16xi32>,
      %shift_right_arithmetic3A_121 = arith.constant 3 : i32
      %shift_right_arithmetic3A_122 = vector.broadcast %shift_right_arithmetic3A_121 : i32 to vector<16xi32>
      %shift_right_arithmetic3A_123 = arith.shrsi %get3A_120, %shift_right_arithmetic3A_122 : vector<16xi32>
      %and3A_124 = arith.constant 7 : i32
      %and3A_125 = vector.broadcast %and3A_124 : i32 to vector<16xi32>
      %and3A_126 = arith.andi %get3A_120, %and3A_125 : vector<16xi32>
      tpu.vector_store_idx %arg5[%shift_right_arithmetic3A_123, %and3A_126], %broadcast_in_dim3A_62 {add = true} : memref<1280x16xf32, #tpu.memory_space<vmem>>[vector<16xi32>, vector<16xi32>], vector<16xf32>,
      %mul3A_127 = arith.constant 25 : i32
      %mul3A_128 = arith.muli %scan3A_82, %mul3A_127 : i32
      %add3A_129 = arith.constant 3 : i32
      %add3A_130 = arith.addi %mul3A_128, %add3A_129 : i32
      %mul3A_131 = arith.constant 16 : i32
      %mul3A_132 = arith.muli %add3A_130, %mul3A_131 : i32
      %add3A_133 = arith.addi %sub3A_50, %mul3A_132 : i32
      %get3A_134 = arith.index_cast %add3A_133 : i32 to index
      %get3A_135 = tpu.vector_load %arg4[%get3A_134] {strides = array<i32>} : memref<10128xi32, #tpu.memory_space<vmem>>, vector<16xi32>,
      %shift_right_arithmetic3A_136 = arith.constant 3 : i32
      %shift_right_arithmetic3A_137 = vector.broadcast %shift_right_arithmetic3A_136 : i32 to vector<16xi32>
      %shift_right_arithmetic3A_138 = arith.shrsi %get3A_135, %shift_right_arithmetic3A_137 : vector<16xi32>
      %and3A_139 = arith.constant 7 : i32
      %and3A_140 = vector.broadcast %and3A_139 : i32 to vector<16xi32>
      %and3A_141 = arith.andi %get3A_135, %and3A_140 : vector<16xi32>
      tpu.vector_store_idx %arg5[%shift_right_arithmetic3A_138, %and3A_141], %broadcast_in_dim3A_62 {add = true} : memref<1280x16xf32, #tpu.memory_space<vmem>>[vector<16xi32>, vector<16xi32>], vector<16xf32>,
      %mul3A_142 = arith.constant 25 : i32
      %mul3A_143 = arith.muli %scan3A_82, %mul3A_142 : i32
      %add3A_144 = arith.constant 4 : i32
      %add3A_145 = arith.addi %mul3A_143, %add3A_144 : i32
      %mul3A_146 = arith.constant 16 : i32
      %mul3A_147 = arith.muli %add3A_145, %mul3A_146 : i32
      %add3A_148 = arith.addi %sub3A_50, %mul3A_147 : i32
      %get3A_149 = arith.index_cast %add3A_148 : i32 to index
      %get3A_150 = tpu.vector_load %arg4[%get3A_149] {strides = array<i32>} : memref<10128xi32, #tpu.memory_space<vmem>>, vector<16xi32>,
      %shift_right_arithmetic3A_151 = arith.constant 3 : i32
      %shift_right_arithmetic3A_152 = vector.broadcast %shift_right_arithmetic3A_151 : i32 to vector<16xi32>
      %shift_right_arithmetic3A_153 = arith.shrsi %get3A_150, %shift_right_arithmetic3A_152 : vector<16xi32>
      %and3A_154 = arith.constant 7 : i32
      %and3A_155 = vector.broadcast %and3A_154 : i32 to vector<16xi32>
      %and3A_156 = arith.andi %get3A_150, %and3A_155 : vector<16xi32>
      tpu.vector_store_idx %arg5[%shift_right_arithmetic3A_153, %and3A_156], %broadcast_in_dim3A_62 {add = true} : memref<1280x16xf32, #tpu.memory_space<vmem>>[vector<16xi32>, vector<16xi32>], vector<16xf32>,
      %mul3A_157 = arith.constant 25 : i32
      %mul3A_158 = arith.muli %scan3A_82, %mul3A_157 : i32
      %add3A_159 = arith.constant 5 : i32
      %add3A_160 = arith.addi %mul3A_158, %add3A_159 : i32
      %mul3A_161 = arith.constant 16 : i32
      %mul3A_162 = arith.muli %add3A_160, %mul3A_161 : i32
      %add3A_163 = arith.addi %sub3A_50, %mul3A_162 : i32
      %get3A_164 = arith.index_cast %add3A_163 : i32 to index
      %get3A_165 = tpu.vector_load %arg4[%get3A_164] {strides = array<i32>} : memref<10128xi32, #tpu.memory_space<vmem>>, vector<16xi32>,
      %shift_right_arithmetic3A_166 = arith.constant 3 : i32
      %shift_right_arithmetic3A_167 = vector.broadcast %shift_right_arithmetic3A_166 : i32 to vector<16xi32>
      %shift_right_arithmetic3A_168 = arith.shrsi %get3A_165, %shift_right_arithmetic3A_167 : vector<16xi32>
      %and3A_169 = arith.constant 7 : i32
      %and3A_170 = vector.broadcast %and3A_169 : i32 to vector<16xi32>
      %and3A_171 = arith.andi %get3A_165, %and3A_170 : vector<16xi32>
      tpu.vector_store_idx %arg5[%shift_right_arithmetic3A_168, %and3A_171], %broadcast_in_dim3A_62 {add = true} : memref<1280x16xf32, #tpu.memory_space<vmem>>[vector<16xi32>, vector<16xi32>], vector<16xf32>,
      %mul3A_172 = arith.constant 25 : i32
      %mul3A_173 = arith.muli %scan3A_82, %mul3A_172 : i32
      %add3A_174 = arith.constant 6 : i32
      %add3A_175 = arith.addi %mul3A_173, %add3A_174 : i32
      %mul3A_176 = arith.constant 16 : i32
      %mul3A_177 = arith.muli %add3A_175, %mul3A_176 : i32
      %add3A_178 = arith.addi %sub3A_50, %mul3A_177 : i32
      %get3A_179 = arith.index_cast %add3A_178 : i32 to index
      %get3A_180 = tpu.vector_load %arg4[%get3A_179] {strides = array<i32>} : memref<10128xi32, #tpu.memory_space<vmem>>, vector<16xi32>,
      %shift_right_arithmetic3A_181 = arith.constant 3 : i32
      %shift_right_arithmetic3A_182 = vector.broadcast %shift_right_arithmetic3A_181 : i32 to vector<16xi32>
      %shift_right_arithmetic3A_183 = arith.shrsi %get3A_180, %shift_right_arithmetic3A_182 : vector<16xi32>
      %and3A_184 = arith.constant 7 : i32
      %and3A_185 = vector.broadcast %and3A_184 : i32 to vector<16xi32>
      %and3A_186 = arith.andi %get3A_180, %and3A_185 : vector<16xi32>
      tpu.vector_store_idx %arg5[%shift_right_arithmetic3A_183, %and3A_186], %broadcast_in_dim3A_62 {add = true} : memref<1280x16xf32, #tpu.memory_space<vmem>>[vector<16xi32>, vector<16xi32>], vector<16xf32>,
      %mul3A_187 = arith.constant 25 : i32
      %mul3A_188 = arith.muli %scan3A_82, %mul3A_187 : i32
      %add3A_189 = arith.constant 7 : i32
      %add3A_190 = arith.addi %mul3A_188, %add3A_189 : i32
      %mul3A_191 = arith.constant 16 : i32
      %mul3A_192 = arith.muli %add3A_190, %mul3A_191 : i32
      %add3A_193 = arith.addi %sub3A_50, %mul3A_192 : i32
      %get3A_194 = arith.index_cast %add3A_193 : i32 to index
      %get3A_195 = tpu.vector_load %arg4[%get3A_194] {strides = array<i32>} : memref<10128xi32, #tpu.memory_space<vmem>>, vector<16xi32>,
      %shift_right_arithmetic3A_196 = arith.constant 3 : i32
      %shift_right_arithmetic3A_197 = vector.broadcast %shift_right_arithmetic3A_196 : i32 to vector<16xi32>
      %shift_right_arithmetic3A_198 = arith.shrsi %get3A_195, %shift_right_arithmetic3A_197 : vector<16xi32>
      %and3A_199 = arith.constant 7 : i32
      %and3A_200 = vector.broadcast %and3A_199 : i32 to vector<16xi32>
      %and3A_201 = arith.andi %get3A_195, %and3A_200 : vector<16xi32>
      tpu.vector_store_idx %arg5[%shift_right_arithmetic3A_198, %and3A_201], %broadcast_in_dim3A_62 {add = true} : memref<1280x16xf32, #tpu.memory_space<vmem>>[vector<16xi32>, vector<16xi32>], vector<16xf32>,
      %mul3A_202 = arith.constant 25 : i32
      %mul3A_203 = arith.muli %scan3A_82, %mul3A_202 : i32
      %add3A_204 = arith.constant 8 : i32
      %add3A_205 = arith.addi %mul3A_203, %add3A_204 : i32
      %mul3A_206 = arith.constant 16 : i32
      %mul3A_207 = arith.muli %add3A_205, %mul3A_206 : i32
      %add3A_208 = arith.addi %sub3A_50, %mul3A_207 : i32
      %get3A_209 = arith.index_cast %add3A_208 : i32 to index
      %get3A_210 = tpu.vector_load %arg4[%get3A_209] {strides = array<i32>} : memref<10128xi32, #tpu.memory_space<vmem>>, vector<16xi32>,
      %shift_right_arithmetic3A_211 = arith.constant 3 : i32
      %shift_right_arithmetic3A_212 = vector.broadcast %shift_right_arithmetic3A_211 : i32 to vector<16xi32>
      %shift_right_arithmetic3A_213 = arith.shrsi %get3A_210, %shift_right_arithmetic3A_212 : vector<16xi32>
      %and3A_214 = arith.constant 7 : i32
      %and3A_215 = vector.broadcast %and3A_214 : i32 to vector<16xi32>
      %and3A_216 = arith.andi %get3A_210, %and3A_215 : vector<16xi32>
      tpu.vector_store_idx %arg5[%shift_right_arithmetic3A_213, %and3A_216], %broadcast_in_dim3A_62 {add = true} : memref<1280x16xf32, #tpu.memory_space<vmem>>[vector<16xi32>, vector<16xi32>], vector<16xf32>,
      %mul3A_217 = arith.constant 25 : i32
      %mul3A_218 = arith.muli %scan3A_82, %mul3A_217 : i32
      %add3A_219 = arith.constant 9 : i32
      %add3A_220 = arith.addi %mul3A_218, %add3A_219 : i32
      %mul3A_221 = arith.constant 16 : i32
      %mul3A_222 = arith.muli %add3A_220, %mul3A_221 : i32
      %add3A_223 = arith.addi %sub3A_50, %mul3A_222 : i32
      %get3A_224 = arith.index_cast %add3A_223 : i32 to index
      %get3A_225 = tpu.vector_load %arg4[%get3A_224] {strides = array<i32>} : memref<10128xi32, #tpu.memory_space<vmem>>, vector<16xi32>,
      %shift_right_arithmetic3A_226 = arith.constant 3 : i32
      %shift_right_arithmetic3A_227 = vector.broadcast %shift_right_arithmetic3A_226 : i32 to vector<16xi32>
      %shift_right_arithmetic3A_228 = arith.shrsi %get3A_225, %shift_right_arithmetic3A_227 : vector<16xi32>
      %and3A_229 = arith.constant 7 : i32
      %and3A_230 = vector.broadcast %and3A_229 : i32 to vector<16xi32>
      %and3A_231 = arith.andi %get3A_225, %and3A_230 : vector<16xi32>
      tpu.vector_store_idx %arg5[%shift_right_arithmetic3A_228, %and3A_231], %broadcast_in_dim3A_62 {add = true} : memref<1280x16xf32, #tpu.memory_space<vmem>>[vector<16xi32>, vector<16xi32>], vector<16xf32>,
      %mul3A_232 = arith.constant 25 : i32
      %mul3A_233 = arith.muli %scan3A_82, %mul3A_232 : i32
      %add3A_234 = arith.constant 10 : i32
      %add3A_235 = arith.addi %mul3A_233, %add3A_234 : i32
      %mul3A_236 = arith.constant 16 : i32
      %mul3A_237 = arith.muli %add3A_235, %mul3A_236 : i32
      %add3A_238 = arith.addi %sub3A_50, %mul3A_237 : i32
      %get3A_239 = arith.index_cast %add3A_238 : i32 to index
      %get3A_240 = tpu.vector_load %arg4[%get3A_239] {strides = array<i32>} : memref<10128xi32, #tpu.memory_space<vmem>>, vector<16xi32>,
      %shift_right_arithmetic3A_241 = arith.constant 3 : i32
      %shift_right_arithmetic3A_242 = vector.broadcast %shift_right_arithmetic3A_241 : i32 to vector<16xi32>
      %shift_right_arithmetic3A_243 = arith.shrsi %get3A_240, %shift_right_arithmetic3A_242 : vector<16xi32>
      %and3A_244 = arith.constant 7 : i32
      %and3A_245 = vector.broadcast %and3A_244 : i32 to vector<16xi32>
      %and3A_246 = arith.andi %get3A_240, %and3A_245 : vector<16xi32>
      tpu.vector_store_idx %arg5[%shift_right_arithmetic3A_243, %and3A_246], %broadcast_in_dim3A_62 {add = true} : memref<1280x16xf32, #tpu.memory_space<vmem>>[vector<16xi32>, vector<16xi32>], vector<16xf32>,
      %mul3A_247 = arith.constant 25 : i32
      %mul3A_248 = arith.muli %scan3A_82, %mul3A_247 : i32
      %add3A_249 = arith.constant 11 : i32
      %add3A_250 = arith.addi %mul3A_248, %add3A_249 : i32
      %mul3A_251 = arith.constant 16 : i32
      %mul3A_252 = arith.muli %add3A_250, %mul3A_251 : i32
      %add3A_253 = arith.addi %sub3A_50, %mul3A_252 : i32
      %get3A_254 = arith.index_cast %add3A_253 : i32 to index
      %get3A_255 = tpu.vector_load %arg4[%get3A_254] {strides = array<i32>} : memref<10128xi32, #tpu.memory_space<vmem>>, vector<16xi32>,
      %shift_right_arithmetic3A_256 = arith.constant 3 : i32
      %shift_right_arithmetic3A_257 = vector.broadcast %shift_right_arithmetic3A_256 : i32 to vector<16xi32>
      %shift_right_arithmetic3A_258 = arith.shrsi %get3A_255, %shift_right_arithmetic3A_257 : vector<16xi32>
      %and3A_259 = arith.constant 7 : i32
      %and3A_260 = vector.broadcast %and3A_259 : i32 to vector<16xi32>
      %and3A_261 = arith.andi %get3A_255, %and3A_260 : vector<16xi32>
      tpu.vector_store_idx %arg5[%shift_right_arithmetic3A_258, %and3A_261], %broadcast_in_dim3A_62 {add = true} : memref<1280x16xf32, #tpu.memory_space<vmem>>[vector<16xi32>, vector<16xi32>], vector<16xf32>,
      %mul3A_262 = arith.constant 25 : i32
      %mul3A_263 = arith.muli %scan3A_82, %mul3A_262 : i32
      %add3A_264 = arith.constant 12 : i32
      %add3A_265 = arith.addi %mul3A_263, %add3A_264 : i32
      %mul3A_266 = arith.constant 16 : i32
      %mul3A_267 = arith.muli %add3A_265, %mul3A_266 : i32
      %add3A_268 = arith.addi %sub3A_50, %mul3A_267 : i32
      %get3A_269 = arith.index_cast %add3A_268 : i32 to index
      %get3A_270 = tpu.vector_load %arg4[%get3A_269] {strides = array<i32>} : memref<10128xi32, #tpu.memory_space<vmem>>, vector<16xi32>,
      %shift_right_arithmetic3A_271 = arith.constant 3 : i32
      %shift_right_arithmetic3A_272 = vector.broadcast %shift_right_arithmetic3A_271 : i32 to vector<16xi32>
      %shift_right_arithmetic3A_273 = arith.shrsi %get3A_270, %shift_right_arithmetic3A_272 : vector<16xi32>
      %and3A_274 = arith.constant 7 : i32
      %and3A_275 = vector.broadcast %and3A_274 : i32 to vector<16xi32>
      %and3A_276 = arith.andi %get3A_270, %and3A_275 : vector<16xi32>
      tpu.vector_store_idx %arg5[%shift_right_arithmetic3A_273, %and3A_276], %broadcast_in_dim3A_62 {add = true} : memref<1280x16xf32, #tpu.memory_space<vmem>>[vector<16xi32>, vector<16xi32>], vector<16xf32>,
      %mul3A_277 = arith.constant 25 : i32
      %mul3A_278 = arith.muli %scan3A_82, %mul3A_277 : i32
      %add3A_279 = arith.constant 13 : i32
      %add3A_280 = arith.addi %mul3A_278, %add3A_279 : i32
      %mul3A_281 = arith.constant 16 : i32
      %mul3A_282 = arith.muli %add3A_280, %mul3A_281 : i32
      %add3A_283 = arith.addi %sub3A_50, %mul3A_282 : i32
      %get3A_284 = arith.index_cast %add3A_283 : i32 to index
      %get3A_285 = tpu.vector_load %arg4[%get3A_284] {strides = array<i32>} : memref<10128xi32, #tpu.memory_space<vmem>>, vector<16xi32>,
      %shift_right_arithmetic3A_286 = arith.constant 3 : i32
      %shift_right_arithmetic3A_287 = vector.broadcast %shift_right_arithmetic3A_286 : i32 to vector<16xi32>
      %shift_right_arithmetic3A_288 = arith.shrsi %get3A_285, %shift_right_arithmetic3A_287 : vector<16xi32>
      %and3A_289 = arith.constant 7 : i32
      %and3A_290 = vector.broadcast %and3A_289 : i32 to vector<16xi32>
      %and3A_291 = arith.andi %get3A_285, %and3A_290 : vector<16xi32>
      tpu.vector_store_idx %arg5[%shift_right_arithmetic3A_288, %and3A_291], %broadcast_in_dim3A_62 {add = true} : memref<1280x16xf32, #tpu.memory_space<vmem>>[vector<16xi32>, vector<16xi32>], vector<16xf32>,
      %mul3A_292 = arith.constant 25 : i32
      %mul3A_293 = arith.muli %scan3A_82, %mul3A_292 : i32
      %add3A_294 = arith.constant 14 : i32
      %add3A_295 = arith.addi %mul3A_293, %add3A_294 : i32
      %mul3A_296 = arith.constant 16 : i32
      %mul3A_297 = arith.muli %add3A_295, %mul3A_296 : i32
      %add3A_298 = arith.addi %sub3A_50, %mul3A_297 : i32
      %get3A_299 = arith.index_cast %add3A_298 : i32 to index
      %get3A_300 = tpu.vector_load %arg4[%get3A_299] {strides = array<i32>} : memref<10128xi32, #tpu.memory_space<vmem>>, vector<16xi32>,
      %shift_right_arithmetic3A_301 = arith.constant 3 : i32
      %shift_right_arithmetic3A_302 = vector.broadcast %shift_right_arithmetic3A_301 : i32 to vector<16xi32>
      %shift_right_arithmetic3A_303 = arith.shrsi %get3A_300, %shift_right_arithmetic3A_302 : vector<16xi32>
      %and3A_304 = arith.constant 7 : i32
      %and3A_305 = vector.broadcast %and3A_304 : i32 to vector<16xi32>
      %and3A_306 = arith.andi %get3A_300, %and3A_305 : vector<16xi32>
      tpu.vector_store_idx %arg5[%shift_right_arithmetic3A_303, %and3A_306], %broadcast_in_dim3A_62 {add = true} : memref<1280x16xf32, #tpu.memory_space<vmem>>[vector<16xi32>, vector<16xi32>], vector<16xf32>,
      %mul3A_307 = arith.constant 25 : i32
      %mul3A_308 = arith.muli %scan3A_82, %mul3A_307 : i32
      %add3A_309 = arith.constant 15 : i32
      %add3A_310 = arith.addi %mul3A_308, %add3A_309 : i32
      %mul3A_311 = arith.constant 16 : i32
      %mul3A_312 = arith.muli %add3A_310, %mul3A_311 : i32
      %add3A_313 = arith.addi %sub3A_50, %mul3A_312 : i32
      %get3A_314 = arith.index_cast %add3A_313 : i32 to index
      %get3A_315 = tpu.vector_load %arg4[%get3A_314] {strides = array<i32>} : memref<10128xi32, #tpu.memory_space<vmem>>, vector<16xi32>,
      %shift_right_arithmetic3A_316 = arith.constant 3 : i32
      %shift_right_arithmetic3A_317 = vector.broadcast %shift_right_arithmetic3A_316 : i32 to vector<16xi32>
      %shift_right_arithmetic3A_318 = arith.shrsi %get3A_315, %shift_right_arithmetic3A_317 : vector<16xi32>
      %and3A_319 = arith.constant 7 : i32
      %and3A_320 = vector.broadcast %and3A_319 : i32 to vector<16xi32>
      %and3A_321 = arith.andi %get3A_315, %and3A_320 : vector<16xi32>
      tpu.vector_store_idx %arg5[%shift_right_arithmetic3A_318, %and3A_321], %broadcast_in_dim3A_62 {add = true} : memref<1280x16xf32, #tpu.memory_space<vmem>>[vector<16xi32>, vector<16xi32>], vector<16xf32>,
      %mul3A_322 = arith.constant 25 : i32
      %mul3A_323 = arith.muli %scan3A_82, %mul3A_322 : i32
      %add3A_324 = arith.constant 16 : i32
      %add3A_325 = arith.addi %mul3A_323, %add3A_324 : i32
      %mul3A_326 = arith.constant 16 : i32
      %mul3A_327 = arith.muli %add3A_325, %mul3A_326 : i32
      %add3A_328 = arith.addi %sub3A_50, %mul3A_327 : i32
      %get3A_329 = arith.index_cast %add3A_328 : i32 to index
      %get3A_330 = tpu.vector_load %arg4[%get3A_329] {strides = array<i32>} : memref<10128xi32, #tpu.memory_space<vmem>>, vector<16xi32>,
      %shift_right_arithmetic3A_331 = arith.constant 3 : i32
      %shift_right_arithmetic3A_332 = vector.broadcast %shift_right_arithmetic3A_331 : i32 to vector<16xi32>
      %shift_right_arithmetic3A_333 = arith.shrsi %get3A_330, %shift_right_arithmetic3A_332 : vector<16xi32>
      %and3A_334 = arith.constant 7 : i32
      %and3A_335 = vector.broadcast %and3A_334 : i32 to vector<16xi32>
      %and3A_336 = arith.andi %get3A_330, %and3A_335 : vector<16xi32>
      tpu.vector_store_idx %arg5[%shift_right_arithmetic3A_333, %and3A_336], %broadcast_in_dim3A_62 {add = true} : memref<1280x16xf32, #tpu.memory_space<vmem>>[vector<16xi32>, vector<16xi32>], vector<16xf32>,
      %mul3A_337 = arith.constant 25 : i32
      %mul3A_338 = arith.muli %scan3A_82, %mul3A_337 : i32
      %add3A_339 = arith.constant 17 : i32
      %add3A_340 = arith.addi %mul3A_338, %add3A_339 : i32
      %mul3A_341 = arith.constant 16 : i32
      %mul3A_342 = arith.muli %add3A_340, %mul3A_341 : i32
      %add3A_343 = arith.addi %sub3A_50, %mul3A_342 : i32
      %get3A_344 = arith.index_cast %add3A_343 : i32 to index
      %get3A_345 = tpu.vector_load %arg4[%get3A_344] {strides = array<i32>} : memref<10128xi32, #tpu.memory_space<vmem>>, vector<16xi32>,
      %shift_right_arithmetic3A_346 = arith.constant 3 : i32
      %shift_right_arithmetic3A_347 = vector.broadcast %shift_right_arithmetic3A_346 : i32 to vector<16xi32>
      %shift_right_arithmetic3A_348 = arith.shrsi %get3A_345, %shift_right_arithmetic3A_347 : vector<16xi32>
      %and3A_349 = arith.constant 7 : i32
      %and3A_350 = vector.broadcast %and3A_349 : i32 to vector<16xi32>
      %and3A_351 = arith.andi %get3A_345, %and3A_350 : vector<16xi32>
      tpu.vector_store_idx %arg5[%shift_right_arithmetic3A_348, %and3A_351], %broadcast_in_dim3A_62 {add = true} : memref<1280x16xf32, #tpu.memory_space<vmem>>[vector<16xi32>, vector<16xi32>], vector<16xf32>,
      %mul3A_352 = arith.constant 25 : i32
      %mul3A_353 = arith.muli %scan3A_82, %mul3A_352 : i32
      %add3A_354 = arith.constant 18 : i32
      %add3A_355 = arith.addi %mul3A_353, %add3A_354 : i32
      %mul3A_356 = arith.constant 16 : i32
      %mul3A_357 = arith.muli %add3A_355, %mul3A_356 : i32
      %add3A_358 = arith.addi %sub3A_50, %mul3A_357 : i32
      %get3A_359 = arith.index_cast %add3A_358 : i32 to index
      %get3A_360 = tpu.vector_load %arg4[%get3A_359] {strides = array<i32>} : memref<10128xi32, #tpu.memory_space<vmem>>, vector<16xi32>,
      %shift_right_arithmetic3A_361 = arith.constant 3 : i32
      %shift_right_arithmetic3A_362 = vector.broadcast %shift_right_arithmetic3A_361 : i32 to vector<16xi32>
      %shift_right_arithmetic3A_363 = arith.shrsi %get3A_360, %shift_right_arithmetic3A_362 : vector<16xi32>
      %and3A_364 = arith.constant 7 : i32
      %and3A_365 = vector.broadcast %and3A_364 : i32 to vector<16xi32>
      %and3A_366 = arith.andi %get3A_360, %and3A_365 : vector<16xi32>
      tpu.vector_store_idx %arg5[%shift_right_arithmetic3A_363, %and3A_366], %broadcast_in_dim3A_62 {add = true} : memref<1280x16xf32, #tpu.memory_space<vmem>>[vector<16xi32>, vector<16xi32>], vector<16xf32>,
      %mul3A_367 = arith.constant 25 : i32
      %mul3A_368 = arith.muli %scan3A_82, %mul3A_367 : i32
      %add3A_369 = arith.constant 19 : i32
      %add3A_370 = arith.addi %mul3A_368, %add3A_369 : i32
      %mul3A_371 = arith.constant 16 : i32
      %mul3A_372 = arith.muli %add3A_370, %mul3A_371 : i32
      %add3A_373 = arith.addi %sub3A_50, %mul3A_372 : i32
      %get3A_374 = arith.index_cast %add3A_373 : i32 to index
      %get3A_375 = tpu.vector_load %arg4[%get3A_374] {strides = array<i32>} : memref<10128xi32, #tpu.memory_space<vmem>>, vector<16xi32>,
      %shift_right_arithmetic3A_376 = arith.constant 3 : i32
      %shift_right_arithmetic3A_377 = vector.broadcast %shift_right_arithmetic3A_376 : i32 to vector<16xi32>
      %shift_right_arithmetic3A_378 = arith.shrsi %get3A_375, %shift_right_arithmetic3A_377 : vector<16xi32>
      %and3A_379 = arith.constant 7 : i32
      %and3A_380 = vector.broadcast %and3A_379 : i32 to vector<16xi32>
      %and3A_381 = arith.andi %get3A_375, %and3A_380 : vector<16xi32>
      tpu.vector_store_idx %arg5[%shift_right_arithmetic3A_378, %and3A_381], %broadcast_in_dim3A_62 {add = true} : memref<1280x16xf32, #tpu.memory_space<vmem>>[vector<16xi32>, vector<16xi32>], vector<16xf32>,
      %mul3A_382 = arith.constant 25 : i32
      %mul3A_383 = arith.muli %scan3A_82, %mul3A_382 : i32
      %add3A_384 = arith.constant 20 : i32
      %add3A_385 = arith.addi %mul3A_383, %add3A_384 : i32
      %mul3A_386 = arith.constant 16 : i32
      %mul3A_387 = arith.muli %add3A_385, %mul3A_386 : i32
      %add3A_388 = arith.addi %sub3A_50, %mul3A_387 : i32
      %get3A_389 = arith.index_cast %add3A_388 : i32 to index
      %get3A_390 = tpu.vector_load %arg4[%get3A_389] {strides = array<i32>} : memref<10128xi32, #tpu.memory_space<vmem>>, vector<16xi32>,
      %shift_right_arithmetic3A_391 = arith.constant 3 : i32
      %shift_right_arithmetic3A_392 = vector.broadcast %shift_right_arithmetic3A_391 : i32 to vector<16xi32>
      %shift_right_arithmetic3A_393 = arith.shrsi %get3A_390, %shift_right_arithmetic3A_392 : vector<16xi32>
      %and3A_394 = arith.constant 7 : i32
      %and3A_395 = vector.broadcast %and3A_394 : i32 to vector<16xi32>
      %and3A_396 = arith.andi %get3A_390, %and3A_395 : vector<16xi32>
      tpu.vector_store_idx %arg5[%shift_right_arithmetic3A_393, %and3A_396], %broadcast_in_dim3A_62 {add = true} : memref<1280x16xf32, #tpu.memory_space<vmem>>[vector<16xi32>, vector<16xi32>], vector<16xf32>,
      %mul3A_397 = arith.constant 25 : i32
      %mul3A_398 = arith.muli %scan3A_82, %mul3A_397 : i32
      %add3A_399 = arith.constant 21 : i32
      %add3A_400 = arith.addi %mul3A_398, %add3A_399 : i32
      %mul3A_401 = arith.constant 16 : i32
      %mul3A_402 = arith.muli %add3A_400, %mul3A_401 : i32
      %add3A_403 = arith.addi %sub3A_50, %mul3A_402 : i32
      %get3A_404 = arith.index_cast %add3A_403 : i32 to index
      %get3A_405 = tpu.vector_load %arg4[%get3A_404] {strides = array<i32>} : memref<10128xi32, #tpu.memory_space<vmem>>, vector<16xi32>,
      %shift_right_arithmetic3A_406 = arith.constant 3 : i32
      %shift_right_arithmetic3A_407 = vector.broadcast %shift_right_arithmetic3A_406 : i32 to vector<16xi32>
      %shift_right_arithmetic3A_408 = arith.shrsi %get3A_405, %shift_right_arithmetic3A_407 : vector<16xi32>
      %and3A_409 = arith.constant 7 : i32
      %and3A_410 = vector.broadcast %and3A_409 : i32 to vector<16xi32>
      %and3A_411 = arith.andi %get3A_405, %and3A_410 : vector<16xi32>
      tpu.vector_store_idx %arg5[%shift_right_arithmetic3A_408, %and3A_411], %broadcast_in_dim3A_62 {add = true} : memref<1280x16xf32, #tpu.memory_space<vmem>>[vector<16xi32>, vector<16xi32>], vector<16xf32>,
      %mul3A_412 = arith.constant 25 : i32
      %mul3A_413 = arith.muli %scan3A_82, %mul3A_412 : i32
      %add3A_414 = arith.constant 22 : i32
      %add3A_415 = arith.addi %mul3A_413, %add3A_414 : i32
      %mul3A_416 = arith.constant 16 : i32
      %mul3A_417 = arith.muli %add3A_415, %mul3A_416 : i32
      %add3A_418 = arith.addi %sub3A_50, %mul3A_417 : i32
      %get3A_419 = arith.index_cast %add3A_418 : i32 to index
      %get3A_420 = tpu.vector_load %arg4[%get3A_419] {strides = array<i32>} : memref<10128xi32, #tpu.memory_space<vmem>>, vector<16xi32>,
      %shift_right_arithmetic3A_421 = arith.constant 3 : i32
      %shift_right_arithmetic3A_422 = vector.broadcast %shift_right_arithmetic3A_421 : i32 to vector<16xi32>
      %shift_right_arithmetic3A_423 = arith.shrsi %get3A_420, %shift_right_arithmetic3A_422 : vector<16xi32>
      %and3A_424 = arith.constant 7 : i32
      %and3A_425 = vector.broadcast %and3A_424 : i32 to vector<16xi32>
      %and3A_426 = arith.andi %get3A_420, %and3A_425 : vector<16xi32>
      tpu.vector_store_idx %arg5[%shift_right_arithmetic3A_423, %and3A_426], %broadcast_in_dim3A_62 {add = true} : memref<1280x16xf32, #tpu.memory_space<vmem>>[vector<16xi32>, vector<16xi32>], vector<16xf32>,
      %mul3A_427 = arith.constant 25 : i32
      %mul3A_428 = arith.muli %scan3A_82, %mul3A_427 : i32
      %add3A_429 = arith.constant 23 : i32
      %add3A_430 = arith.addi %mul3A_428, %add3A_429 : i32
      %mul3A_431 = arith.constant 16 : i32
      %mul3A_432 = arith.muli %add3A_430, %mul3A_431 : i32
      %add3A_433 = arith.addi %sub3A_50, %mul3A_432 : i32
      %get3A_434 = arith.index_cast %add3A_433 : i32 to index
      %get3A_435 = tpu.vector_load %arg4[%get3A_434] {strides = array<i32>} : memref<10128xi32, #tpu.memory_space<vmem>>, vector<16xi32>,
      %shift_right_arithmetic3A_436 = arith.constant 3 : i32
      %shift_right_arithmetic3A_437 = vector.broadcast %shift_right_arithmetic3A_436 : i32 to vector<16xi32>
      %shift_right_arithmetic3A_438 = arith.shrsi %get3A_435, %shift_right_arithmetic3A_437 : vector<16xi32>
      %and3A_439 = arith.constant 7 : i32
      %and3A_440 = vector.broadcast %and3A_439 : i32 to vector<16xi32>
      %and3A_441 = arith.andi %get3A_435, %and3A_440 : vector<16xi32>
      tpu.vector_store_idx %arg5[%shift_right_arithmetic3A_438, %and3A_441], %broadcast_in_dim3A_62 {add = true} : memref<1280x16xf32, #tpu.memory_space<vmem>>[vector<16xi32>, vector<16xi32>], vector<16xf32>,
      %mul3A_442 = arith.constant 25 : i32
      %mul3A_443 = arith.muli %scan3A_82, %mul3A_442 : i32
      %add3A_444 = arith.constant 24 : i32
      %add3A_445 = arith.addi %mul3A_443, %add3A_444 : i32
      %mul3A_446 = arith.constant 16 : i32
      %mul3A_447 = arith.muli %add3A_445, %mul3A_446 : i32
      %add3A_448 = arith.addi %sub3A_50, %mul3A_447 : i32
      %get3A_449 = arith.index_cast %add3A_448 : i32 to index
      %get3A_450 = tpu.vector_load %arg4[%get3A_449] {strides = array<i32>} : memref<10128xi32, #tpu.memory_space<vmem>>, vector<16xi32>,
      %shift_right_arithmetic3A_451 = arith.constant 3 : i32
      %shift_right_arithmetic3A_452 = vector.broadcast %shift_right_arithmetic3A_451 : i32 to vector<16xi32>
      %shift_right_arithmetic3A_453 = arith.shrsi %get3A_450, %shift_right_arithmetic3A_452 : vector<16xi32>
      %and3A_454 = arith.constant 7 : i32
      %and3A_455 = vector.broadcast %and3A_454 : i32 to vector<16xi32>
      %and3A_456 = arith.andi %get3A_450, %and3A_455 : vector<16xi32>
      tpu.vector_store_idx %arg5[%shift_right_arithmetic3A_453, %and3A_456], %broadcast_in_dim3A_62 {add = true} : memref<1280x16xf32, #tpu.memory_space<vmem>>[vector<16xi32>, vector<16xi32>], vector<16xf32>,
      %scan3A_457 = arith.constant 0 : i32
      scf.yield %scan3A_457 : i32
    }
    %scan3A_69 = arith.constant 25 : i32
    %iota3A = tpu.iota {dimensions = array<i32: 0>} : vector<16xi32>
    %scan3A_70 = arith.constant 0 : i32
    %scan3A_71 = arith.constant 0 : i32
    %scan3A_72 = arith.constant 80 : i32
    %scan3A_73 = arith.addi %scan3A_71, %scan3A_72 : i32
    %scan3A_74 = arith.constant 1 : i32
    %scan3A_75 = scf.for %scan3A_82 = %scan3A_71 to %scan3A_73 step %scan3A_74 iter_args(%scan3A_83 = %scan3A_70) -> (i32)  : i32 {
      %mul3A_84 = arith.constant 16 : i32
      %mul3A_85 = arith.muli %scan3A_82, %mul3A_84 : i32
      %add3A_86 = vector.broadcast %mul3A_85 : i32 to vector<16xi32>
      %add3A_87 = arith.addi %iota3A, %add3A_86 : vector<16xi32>
      %mul3A_88 = arith.constant 16 : i32
      %mul3A_89 = arith.muli %scan3A_82, %mul3A_88 : i32
      %swap3A = arith.index_cast %mul3A_89 : i32 to index
      %swap3A_90 = tpu.vector_load %arg6[%swap3A] {strides = array<i32>} : memref<1280xi32, #tpu.memory_space<vmem>>, vector<16xi32>,
      tpu.vector_store %arg6[%swap3A], %add3A_87 {strides = array<i32>} : memref<1280xi32, #tpu.memory_space<vmem>>, vector<16xi32>,
      %scan3A_91 = arith.constant 0 : i32
      scf.yield %scan3A_91 : i32
    }
    %scan3A_76 = arith.constant 80 : i32
    %barrier3A = arith.constant 0 : index
    tpu.barrier barrier_id(%barrier3A)
    "tpu.region"() ({
      %run_scoped3A = tpu.sem_alloc : memref<!tpu.dma_semaphore, #tpu.memory_space<semaphore_mem>>
      %dma_start3A_82 = arith.constant 0 : i32
      %dma_start3A_83 = arith.constant 0 : i32
      %dma_start3A_84 = tpu.memref_slice %arg7[%dma_start3A_82, %dma_start3A_83] : memref<1280x16xf32, #tpu.memory_space<vmem_shared>> -> memref<1280x16xf32, #tpu.memory_space<vmem_shared>>
      tpu.enqueue_indirect_dma source(%arg5 : memref<1280x16xf32, #tpu.memory_space<vmem>>) target(%dma_start3A_84 : memref<1280x16xf32, #tpu.memory_space<vmem_shared>>) offsets(%arg6 : memref<1280xi32, #tpu.memory_space<vmem>>) semaphore(%run_scoped3A : memref<!tpu.dma_semaphore, #tpu.memory_space<semaphore_mem>>) {add = true}
      %dma_wait3A_85 = arith.constant 0 : i32
      %dma_wait3A_86 = arith.constant 0 : i32
      %dma_wait3A_87 = tpu.memref_slice %arg7[%dma_wait3A_85, %dma_wait3A_86] : memref<1280x16xf32, #tpu.memory_space<vmem_shared>> -> memref<1280x16xf32, #tpu.memory_space<vmem_shared>>
      tpu.wait_indirect_dma semaphore(%run_scoped3A : memref<!tpu.dma_semaphore, #tpu.memory_space<semaphore_mem>>) src(%arg5 : memref<1280x16xf32, #tpu.memory_space<vmem>>) dst(%dma_wait3A_87 : memref<1280x16xf32, #tpu.memory_space<vmem_shared>>)
      tpu.yield
    }) : () -> ()
    %barrier3A_77 = arith.constant 0 : index
    tpu.barrier barrier_id(%barrier3A_77)
    %mul3A_78 = arith.constant 80 : i32
    %mul3A_79 = arith.muli %arg1, %mul3A_78 : i32
    "tpu.region"() ({
      %run_scoped3A = tpu.sem_alloc : memref<!tpu.dma_semaphore, #tpu.memory_space<semaphore_mem>>
      %dma_start3A_82 = arith.constant 0 : i32
      %dma_start3A_83 = arith.constant 0 : i32
      %dma_start3A_84 = tpu.memref_slice %arg5[%dma_start3A_82, %dma_start3A_83] : memref<1280x16xf32, #tpu.memory_space<vmem>> -> memref<80x16xf32, #tpu.memory_space<vmem>>
      %dma_start3A_85 = arith.constant 0 : i32
      %dma_start3A_86 = tpu.memref_slice %arg7[%mul3A_79, %dma_start3A_85] : memref<1280x16xf32, #tpu.memory_space<vmem_shared>> -> memref<80x16xf32, #tpu.memory_space<vmem_shared>>
      %dma_start3A_87 = arith.constant 0 : i32
      %dma_start3A_88 = arith.constant 0 : i32
      %dma_start3A_89 = tpu.memref_slice %arg5[%dma_start3A_87, %dma_start3A_88] : memref<1280x16xf32, #tpu.memory_space<vmem>> -> memref<80x16xf32, #tpu.memory_space<vmem>>
      %dma_start3A_90 = arith.constant 0 : i32
      %dma_start3A_91 = tpu.memref_slice %arg7[%mul3A_79, %dma_start3A_90] : memref<1280x16xf32, #tpu.memory_space<vmem_shared>> -> memref<80x16xf32, #tpu.memory_space<vmem_shared>>
      tpu.enqueue_dma source(%dma_start3A_91 : memref<80x16xf32, #tpu.memory_space<vmem_shared>>) target(%dma_start3A_89 : memref<80x16xf32, #tpu.memory_space<vmem>>) target_semaphore(%run_scoped3A : memref<!tpu.dma_semaphore, #tpu.memory_space<semaphore_mem>>)
      %dma_wait3A_92 = arith.constant 0 : i32
      %dma_wait3A_93 = arith.constant 0 : i32
      %dma_wait3A_94 = tpu.memref_slice %arg5[%dma_wait3A_92, %dma_wait3A_93] : memref<1280x16xf32, #tpu.memory_space<vmem>> -> memref<80x16xf32, #tpu.memory_space<vmem>>
      %dma_wait3A_95 = arith.constant 0 : i32
      %dma_wait3A_96 = tpu.memref_slice %arg7[%mul3A_79, %dma_wait3A_95] : memref<1280x16xf32, #tpu.memory_space<vmem_shared>> -> memref<80x16xf32, #tpu.memory_space<vmem_shared>>
      %dma_wait3A_97 = arith.constant 0 : i32
      %dma_wait3A_98 = arith.constant 0 : i32
      %dma_wait3A_99 = tpu.memref_slice %arg5[%dma_wait3A_97, %dma_wait3A_98] : memref<1280x16xf32, #tpu.memory_space<vmem>> -> memref<80x16xf32, #tpu.memory_space<vmem>>
      %dma_wait3A_100 = arith.constant 0 : i32
      %dma_wait3A_101 = tpu.memref_slice %arg7[%mul3A_79, %dma_wait3A_100] : memref<1280x16xf32, #tpu.memory_space<vmem_shared>> -> memref<80x16xf32, #tpu.memory_space<vmem_shared>>
      tpu.wait_dma2 semaphore(%run_scoped3A : memref<!tpu.dma_semaphore, #tpu.memory_space<semaphore_mem>>) src(%dma_wait3A_101 : memref<80x16xf32, #tpu.memory_space<vmem_shared>>) dst(%dma_wait3A_99 : memref<80x16xf32, #tpu.memory_space<vmem>>)
      tpu.yield
    }) : () -> ()
    %mul3A_80 = arith.constant 80 : i32
    %mul3A_81 = arith.muli %arg1, %mul3A_80 : i32
    "tpu.region"() ({
      %run_scoped3A = tpu.sem_alloc : memref<!tpu.dma_semaphore, #tpu.memory_space<semaphore_mem>>
      %dma_start3A_82 = arith.constant 0 : i32
      %dma_start3A_83 = arith.constant 0 : i32
      %dma_start3A_84 = tpu.memref_slice %arg5[%dma_start3A_82, %dma_start3A_83] : memref<1280x16xf32, #tpu.memory_space<vmem>> -> memref<80x16xf32, #tpu.memory_space<vmem>>
      %dma_start3A_85 = arith.constant 0 : i32
      %dma_start3A_86 = tpu.memref_slice %arg3[%arg0, %mul3A_81, %dma_start3A_85] : memref<2x1280x16xf32, #tpu.memory_space<hbm>> -> memref<1x80x16xf32, #tpu.memory_space<hbm>>
      %dma_start3A_87 = tpu.memref_squeeze %dma_start3A_86 : memref<1x80x16xf32, #tpu.memory_space<hbm>> -> memref<80x16xf32, #tpu.memory_space<hbm>>
      %dma_start3A_88 = arith.constant 0 : i32
      %dma_start3A_89 = tpu.memref_slice %arg3[%arg0, %mul3A_81, %dma_start3A_88] : memref<2x1280x16xf32, #tpu.memory_space<hbm>> -> memref<1x80x16xf32, #tpu.memory_space<hbm>>
      %dma_start3A_90 = tpu.memref_squeeze %dma_start3A_89 : memref<1x80x16xf32, #tpu.memory_space<hbm>> -> memref<80x16xf32, #tpu.memory_space<hbm>>
      %dma_start3A_91 = arith.constant 0 : i32
      %dma_start3A_92 = arith.constant 0 : i32
      %dma_start3A_93 = tpu.memref_slice %arg5[%dma_start3A_91, %dma_start3A_92] : memref<1280x16xf32, #tpu.memory_space<vmem>> -> memref<80x16xf32, #tpu.memory_space<vmem>>
      tpu.enqueue_dma source(%dma_start3A_93 : memref<80x16xf32, #tpu.memory_space<vmem>>) target(%dma_start3A_90 : memref<80x16xf32, #tpu.memory_space<hbm>>) target_semaphore(%run_scoped3A : memref<!tpu.dma_semaphore, #tpu.memory_space<semaphore_mem>>)
      %dma_wait3A_94 = arith.constant 0 : i32
      %dma_wait3A_95 = arith.constant 0 : i32
      %dma_wait3A_96 = tpu.memref_slice %arg5[%dma_wait3A_94, %dma_wait3A_95] : memref<1280x16xf32, #tpu.memory_space<vmem>> -> memref<80x16xf32, #tpu.memory_space<vmem>>
      %dma_wait3A_97 = arith.constant 0 : i32
      %dma_wait3A_98 = tpu.memref_slice %arg3[%arg0, %mul3A_81, %dma_wait3A_97] : memref<2x1280x16xf32, #tpu.memory_space<hbm>> -> memref<1x80x16xf32, #tpu.memory_space<hbm>>
      %dma_wait3A_99 = tpu.memref_squeeze %dma_wait3A_98 : memref<1x80x16xf32, #tpu.memory_space<hbm>> -> memref<80x16xf32, #tpu.memory_space<hbm>>
      %dma_wait3A_100 = arith.constant 0 : i32
      %dma_wait3A_101 = tpu.memref_slice %arg3[%arg0, %mul3A_81, %dma_wait3A_100] : memref<2x1280x16xf32, #tpu.memory_space<hbm>> -> memref<1x80x16xf32, #tpu.memory_space<hbm>>
      %dma_wait3A_102 = tpu.memref_squeeze %dma_wait3A_101 : memref<1x80x16xf32, #tpu.memory_space<hbm>> -> memref<80x16xf32, #tpu.memory_space<hbm>>
      %dma_wait3A_103 = arith.constant 0 : i32
      %dma_wait3A_104 = arith.constant 0 : i32
      %dma_wait3A_105 = tpu.memref_slice %arg5[%dma_wait3A_103, %dma_wait3A_104] : memref<1280x16xf32, #tpu.memory_space<vmem>> -> memref<80x16xf32, #tpu.memory_space<vmem>>
      tpu.wait_dma2 semaphore(%run_scoped3A : memref<!tpu.dma_semaphore, #tpu.memory_space<semaphore_mem>>) src(%dma_wait3A_105 : memref<80x16xf32, #tpu.memory_space<vmem>>) dst(%dma_wait3A_102 : memref<80x16xf32, #tpu.memory_space<hbm>>)
      tpu.yield
    }) : () -> ()
    return
  }
}

#map = affine_map<(d0, d1) -> (0, 0)>
#map1 = affine_map<(d0, d1) -> (0)>
#map2 = affine_map<(d0, d1) -> (0, 0, 0)>
module attributes {stable_mosaic.version = 14 : i64} {
  func.func @sc_agg(%arg0: i32, %arg1: i32, %arg2: memref<10112x16xf32, #tpu.memory_space<hbm>>, %arg3: memref<640000xi32, #tpu.memory_space<hbm>>, %arg4: memref<2x10112x16xf32, #tpu.memory_space<hbm>>, %arg5: memref<10128xi32, #tpu.memory_space<vmem>>, %arg6: memref<10128xi32, #tpu.memory_space<vmem>>, %arg7: memref<2000x16xf32, #tpu.memory_space<vmem>>, %arg8: memref<2000x16xf32, #tpu.memory_space<vmem>>, %arg9: memref<632x16xf32, #tpu.memory_space<vmem>>, %arg10: memref<10112x16xf32, #tpu.memory_space<vmem_shared>>, %arg11: memref<10112x16xf32, #tpu.memory_space<vmem_shared>>, %arg12: memref<!tpu.dma_semaphore, #tpu.memory_space<semaphore_mem>>, %arg13: memref<!tpu.dma_semaphore, #tpu.memory_space<semaphore_mem>>, %arg14: memref<!tpu.dma_semaphore, #tpu.memory_space<semaphore_mem>>, %arg15: memref<!tpu.dma_semaphore, #tpu.memory_space<semaphore_mem>>) attributes {dimension_semantics = [#tpu.dimension_semantics<core_parallel>, #tpu.dimension_semantics<subcore_parallel>], iteration_bounds = array<i64: 2, 16>, scalar_prefetch = 0 : i64, scratch_operands = 11 : i64, tpu.core_type = #tpu.core_type<sc_vector_subcore>, window_params = [{transform_indices = #map}, {transform_indices = #map1}, {transform_indices = #map2}]} {
    %mul3A = arith.constant 16 : i32
    %mul3A_0 = arith.muli %arg0, %mul3A : i32
    %add3A = arith.addi %mul3A_0, %arg1 : i32
    %broadcast_in_dim3A = arith.constant 0.000000e+00 : f32
    %broadcast_in_dim3A_1 = vector.broadcast %broadcast_in_dim3A : f32 to vector<16xf32>
    %mul3A_2 = arith.constant 10000 : i32
    %mul3A_3 = arith.muli %add3A, %mul3A_2 : i32
    %mul3A_4 = arith.constant 10000 : i32
    %mul3A_5 = arith.muli %add3A, %mul3A_4 : i32
    %add3A_6 = arith.constant 320000 : i32
    %add3A_7 = arith.addi %add3A_6, %mul3A_5 : i32
    %jit3A = arith.constant 128 : i32
    %div3A = arith.divsi %mul3A_3, %jit3A : i32
    %sign3A = arith.constant 0 : i32
    %sign3A_8 = arith.cmpi sgt, %mul3A_3, %sign3A : i32
    %sign3A_9 = arith.extui %sign3A_8 : i1 to i32
    %sign3A_10 = arith.constant 0 : i32
    %sign3A_11 = arith.cmpi slt, %mul3A_3, %sign3A_10 : i32
    %sign3A_12 = arith.extui %sign3A_11 : i1 to i32
    %sign3A_13 = arith.subi %sign3A_9, %sign3A_12 : i32
    %sign3A_14 = arith.constant 0 : i32
    %sign3A_15 = arith.cmpi sgt, %jit3A, %sign3A_14 : i32
    %sign3A_16 = arith.extui %sign3A_15 : i1 to i32
    %sign3A_17 = arith.constant 0 : i32
    %sign3A_18 = arith.cmpi slt, %jit3A, %sign3A_17 : i32
    %sign3A_19 = arith.extui %sign3A_18 : i1 to i32
    %sign3A_20 = arith.subi %sign3A_16, %sign3A_19 : i32
    %ne3A = arith.cmpi ne, %sign3A_13, %sign3A_20 : i32
    %rem3A = arith.remsi %mul3A_3, %jit3A : i32
    %ne3A_21 = arith.constant 0 : i32
    %ne3A_22 = arith.cmpi ne, %rem3A, %ne3A_21 : i32
    %and3A = arith.andi %ne3A, %ne3A_22 : i1
    %sub3A = arith.constant 1 : i32
    %sub3A_23 = arith.subi %div3A, %sub3A : i32
    %select_n3A = arith.select %and3A, %sub3A_23, %div3A : i32
    %mul3A_24 = arith.constant 128 : i32
    %mul3A_25 = arith.muli %select_n3A, %mul3A_24 : i32
    %sub3A_26 = arith.subi %mul3A_3, %mul3A_25 : i32
    %jit3A_27 = arith.constant 128 : i32
    %div3A_28 = arith.divsi %add3A_7, %jit3A_27 : i32
    %sign3A_29 = arith.constant 0 : i32
    %sign3A_30 = arith.cmpi sgt, %add3A_7, %sign3A_29 : i32
    %sign3A_31 = arith.extui %sign3A_30 : i1 to i32
    %sign3A_32 = arith.constant 0 : i32
    %sign3A_33 = arith.cmpi slt, %add3A_7, %sign3A_32 : i32
    %sign3A_34 = arith.extui %sign3A_33 : i1 to i32
    %sign3A_35 = arith.subi %sign3A_31, %sign3A_34 : i32
    %sign3A_36 = arith.constant 0 : i32
    %sign3A_37 = arith.cmpi sgt, %jit3A_27, %sign3A_36 : i32
    %sign3A_38 = arith.extui %sign3A_37 : i1 to i32
    %sign3A_39 = arith.constant 0 : i32
    %sign3A_40 = arith.cmpi slt, %jit3A_27, %sign3A_39 : i32
    %sign3A_41 = arith.extui %sign3A_40 : i1 to i32
    %sign3A_42 = arith.subi %sign3A_38, %sign3A_41 : i32
    %ne3A_43 = arith.cmpi ne, %sign3A_35, %sign3A_42 : i32
    %rem3A_44 = arith.remsi %add3A_7, %jit3A_27 : i32
    %ne3A_45 = arith.constant 0 : i32
    %ne3A_46 = arith.cmpi ne, %rem3A_44, %ne3A_45 : i32
    %and3A_47 = arith.andi %ne3A_43, %ne3A_46 : i1
    %sub3A_48 = arith.constant 1 : i32
    %sub3A_49 = arith.subi %div3A_28, %sub3A_48 : i32
    %select_n3A_50 = arith.select %and3A_47, %sub3A_49, %div3A_28 : i32
    %mul3A_51 = arith.constant 128 : i32
    %mul3A_52 = arith.muli %select_n3A_50, %mul3A_51 : i32
    %sub3A_53 = arith.subi %add3A_7, %mul3A_52 : i32
    %jit3A_54 = arith.constant 128 : i32
    %div3A_55 = arith.divsi %mul3A_3, %jit3A_54 : i32
    %sign3A_56 = arith.constant 0 : i32
    %sign3A_57 = arith.cmpi sgt, %mul3A_3, %sign3A_56 : i32
    %sign3A_58 = arith.extui %sign3A_57 : i1 to i32
    %sign3A_59 = arith.constant 0 : i32
    %sign3A_60 = arith.cmpi slt, %mul3A_3, %sign3A_59 : i32
    %sign3A_61 = arith.extui %sign3A_60 : i1 to i32
    %sign3A_62 = arith.subi %sign3A_58, %sign3A_61 : i32
    %sign3A_63 = arith.constant 0 : i32
    %sign3A_64 = arith.cmpi sgt, %jit3A_54, %sign3A_63 : i32
    %sign3A_65 = arith.extui %sign3A_64 : i1 to i32
    %sign3A_66 = arith.constant 0 : i32
    %sign3A_67 = arith.cmpi slt, %jit3A_54, %sign3A_66 : i32
    %sign3A_68 = arith.extui %sign3A_67 : i1 to i32
    %sign3A_69 = arith.subi %sign3A_65, %sign3A_68 : i32
    %ne3A_70 = arith.cmpi ne, %sign3A_62, %sign3A_69 : i32
    %rem3A_71 = arith.remsi %mul3A_3, %jit3A_54 : i32
    %ne3A_72 = arith.constant 0 : i32
    %ne3A_73 = arith.cmpi ne, %rem3A_71, %ne3A_72 : i32
    %and3A_74 = arith.andi %ne3A_70, %ne3A_73 : i1
    %sub3A_75 = arith.constant 1 : i32
    %sub3A_76 = arith.subi %div3A_55, %sub3A_75 : i32
    %select_n3A_77 = arith.select %and3A_74, %sub3A_76, %div3A_55 : i32
    %mul3A_78 = arith.constant 128 : i32
    %mul3A_79 = arith.muli %select_n3A_77, %mul3A_78 : i32
    %multiple_of3A = tpu.assume_multiple %mul3A_79, 128 : i32
    %dma_start3A = tpu.memref_slice %arg3[%multiple_of3A] : memref<640000xi32, #tpu.memory_space<hbm>> -> memref<10128xi32, #tpu.memory_space<hbm>>
    %dma_start3A_80 = tpu.memref_slice %arg3[%multiple_of3A] : memref<640000xi32, #tpu.memory_space<hbm>> -> memref<10128xi32, #tpu.memory_space<hbm>>
    tpu.enqueue_dma source(%dma_start3A_80 : memref<10128xi32, #tpu.memory_space<hbm>>) target(%arg5 : memref<10128xi32, #tpu.memory_space<vmem>>) target_semaphore(%arg12 : memref<!tpu.dma_semaphore, #tpu.memory_space<semaphore_mem>>)
    %jit3A_81 = arith.constant 128 : i32
    %div3A_82 = arith.divsi %add3A_7, %jit3A_81 : i32
    %sign3A_83 = arith.constant 0 : i32
    %sign3A_84 = arith.cmpi sgt, %add3A_7, %sign3A_83 : i32
    %sign3A_85 = arith.extui %sign3A_84 : i1 to i32
    %sign3A_86 = arith.constant 0 : i32
    %sign3A_87 = arith.cmpi slt, %add3A_7, %sign3A_86 : i32
    %sign3A_88 = arith.extui %sign3A_87 : i1 to i32
    %sign3A_89 = arith.subi %sign3A_85, %sign3A_88 : i32
    %sign3A_90 = arith.constant 0 : i32
    %sign3A_91 = arith.cmpi sgt, %jit3A_81, %sign3A_90 : i32
    %sign3A_92 = arith.extui %sign3A_91 : i1 to i32
    %sign3A_93 = arith.constant 0 : i32
    %sign3A_94 = arith.cmpi slt, %jit3A_81, %sign3A_93 : i32
    %sign3A_95 = arith.extui %sign3A_94 : i1 to i32
    %sign3A_96 = arith.subi %sign3A_92, %sign3A_95 : i32
    %ne3A_97 = arith.cmpi ne, %sign3A_89, %sign3A_96 : i32
    %rem3A_98 = arith.remsi %add3A_7, %jit3A_81 : i32
    %ne3A_99 = arith.constant 0 : i32
    %ne3A_100 = arith.cmpi ne, %rem3A_98, %ne3A_99 : i32
    %and3A_101 = arith.andi %ne3A_97, %ne3A_100 : i1
    %sub3A_102 = arith.constant 1 : i32
    %sub3A_103 = arith.subi %div3A_82, %sub3A_102 : i32
    %select_n3A_104 = arith.select %and3A_101, %sub3A_103, %div3A_82 : i32
    %mul3A_105 = arith.constant 128 : i32
    %mul3A_106 = arith.muli %select_n3A_104, %mul3A_105 : i32
    %multiple_of3A_107 = tpu.assume_multiple %mul3A_106, 128 : i32
    %dma_start3A_108 = tpu.memref_slice %arg3[%multiple_of3A_107] : memref<640000xi32, #tpu.memory_space<hbm>> -> memref<10128xi32, #tpu.memory_space<hbm>>
    %dma_start3A_109 = tpu.memref_slice %arg3[%multiple_of3A_107] : memref<640000xi32, #tpu.memory_space<hbm>> -> memref<10128xi32, #tpu.memory_space<hbm>>
    tpu.enqueue_dma source(%dma_start3A_109 : memref<10128xi32, #tpu.memory_space<hbm>>) target(%arg6 : memref<10128xi32, #tpu.memory_space<vmem>>) target_semaphore(%arg13 : memref<!tpu.dma_semaphore, #tpu.memory_space<semaphore_mem>>)
    %mul3A_110 = arith.constant 632 : i32
    %mul3A_111 = arith.muli %arg1, %mul3A_110 : i32
    "tpu.region"() ({
      %run_scoped3A = tpu.sem_alloc : memref<!tpu.dma_semaphore, #tpu.memory_space<semaphore_mem>>
      %dma_start3A_304 = arith.constant 0 : i32
      %dma_start3A_305 = tpu.memref_slice %arg2[%mul3A_111, %dma_start3A_304] : memref<10112x16xf32, #tpu.memory_space<hbm>> -> memref<632x16xf32, #tpu.memory_space<hbm>>
      %dma_start3A_306 = arith.constant 0 : i32
      %dma_start3A_307 = tpu.memref_slice %arg2[%mul3A_111, %dma_start3A_306] : memref<10112x16xf32, #tpu.memory_space<hbm>> -> memref<632x16xf32, #tpu.memory_space<hbm>>
      tpu.enqueue_dma source(%dma_start3A_307 : memref<632x16xf32, #tpu.memory_space<hbm>>) target(%arg9 : memref<632x16xf32, #tpu.memory_space<vmem>>) target_semaphore(%run_scoped3A : memref<!tpu.dma_semaphore, #tpu.memory_space<semaphore_mem>>)
      %dma_wait3A_308 = arith.constant 0 : i32
      %dma_wait3A_309 = tpu.memref_slice %arg2[%mul3A_111, %dma_wait3A_308] : memref<10112x16xf32, #tpu.memory_space<hbm>> -> memref<632x16xf32, #tpu.memory_space<hbm>>
      %dma_wait3A_310 = arith.constant 0 : i32
      %dma_wait3A_311 = tpu.memref_slice %arg2[%mul3A_111, %dma_wait3A_310] : memref<10112x16xf32, #tpu.memory_space<hbm>> -> memref<632x16xf32, #tpu.memory_space<hbm>>
      tpu.wait_dma2 semaphore(%run_scoped3A : memref<!tpu.dma_semaphore, #tpu.memory_space<semaphore_mem>>) src(%dma_wait3A_311 : memref<632x16xf32, #tpu.memory_space<hbm>>) dst(%arg9 : memref<632x16xf32, #tpu.memory_space<vmem>>)
      tpu.yield
    }) : () -> ()
    %mul3A_112 = arith.constant 632 : i32
    %mul3A_113 = arith.muli %arg1, %mul3A_112 : i32
    "tpu.region"() ({
      %run_scoped3A = tpu.sem_alloc : memref<!tpu.dma_semaphore, #tpu.memory_space<semaphore_mem>>
      %dma_start3A_304 = arith.constant 0 : i32
      %dma_start3A_305 = tpu.memref_slice %arg11[%mul3A_113, %dma_start3A_304] : memref<10112x16xf32, #tpu.memory_space<vmem_shared>> -> memref<632x16xf32, #tpu.memory_space<vmem_shared>>
      %dma_start3A_306 = arith.constant 0 : i32
      %dma_start3A_307 = tpu.memref_slice %arg11[%mul3A_113, %dma_start3A_306] : memref<10112x16xf32, #tpu.memory_space<vmem_shared>> -> memref<632x16xf32, #tpu.memory_space<vmem_shared>>
      tpu.enqueue_dma source(%arg9 : memref<632x16xf32, #tpu.memory_space<vmem>>) target(%dma_start3A_307 : memref<632x16xf32, #tpu.memory_space<vmem_shared>>) target_semaphore(%run_scoped3A : memref<!tpu.dma_semaphore, #tpu.memory_space<semaphore_mem>>)
      %dma_wait3A_308 = arith.constant 0 : i32
      %dma_wait3A_309 = tpu.memref_slice %arg11[%mul3A_113, %dma_wait3A_308] : memref<10112x16xf32, #tpu.memory_space<vmem_shared>> -> memref<632x16xf32, #tpu.memory_space<vmem_shared>>
      %dma_wait3A_310 = arith.constant 0 : i32
      %dma_wait3A_311 = tpu.memref_slice %arg11[%mul3A_113, %dma_wait3A_310] : memref<10112x16xf32, #tpu.memory_space<vmem_shared>> -> memref<632x16xf32, #tpu.memory_space<vmem_shared>>
      tpu.wait_dma2 semaphore(%run_scoped3A : memref<!tpu.dma_semaphore, #tpu.memory_space<semaphore_mem>>) src(%arg9 : memref<632x16xf32, #tpu.memory_space<vmem>>) dst(%dma_wait3A_311 : memref<632x16xf32, #tpu.memory_space<vmem_shared>>)
      tpu.yield
    }) : () -> ()
    %scan3A = arith.constant 0 : i32
    %scan3A_114 = arith.constant 0 : i32
    %scan3A_115 = arith.constant 79 : i32
    %scan3A_116 = arith.addi %scan3A_114, %scan3A_115 : i32
    %scan3A_117 = arith.constant 1 : i32
    %scan3A_118 = scf.for %scan3A_304 = %scan3A_114 to %scan3A_116 step %scan3A_117 iter_args(%scan3A_305 = %scan3A) -> (i32)  : i32 {
      %mul3A_306 = arith.constant 8 : i32
      %mul3A_307 = arith.muli %scan3A_304, %mul3A_306 : i32
      %add3A_308 = arith.constant 0 : i32
      %add3A_309 = arith.addi %mul3A_307, %add3A_308 : i32
      %swap3A = arith.index_cast %add3A_309 : i32 to index
      %swap3A_310 = arith.constant 0 : index
      %swap3A_311 = tpu.vector_load %arg9[%swap3A, %swap3A_310] {strides = array<i32>} : memref<632x16xf32, #tpu.memory_space<vmem>>, vector<1x16xf32>,
      %swap3A_312 = vector.shape_cast %swap3A_311 : vector<1x16xf32> to vector<16xf32>
      %swap3A_313 = vector.shape_cast %broadcast_in_dim3A_1 : vector<16xf32> to vector<1x16xf32>
      tpu.vector_store %arg9[%swap3A, %swap3A_310], %swap3A_313 {strides = array<i32>} : memref<632x16xf32, #tpu.memory_space<vmem>>, vector<1x16xf32>,
      %mul3A_314 = arith.constant 8 : i32
      %mul3A_315 = arith.muli %scan3A_304, %mul3A_314 : i32
      %add3A_316 = arith.constant 1 : i32
      %add3A_317 = arith.addi %mul3A_315, %add3A_316 : i32
      %swap3A_318 = arith.index_cast %add3A_317 : i32 to index
      %swap3A_319 = arith.constant 0 : index
      %swap3A_320 = tpu.vector_load %arg9[%swap3A_318, %swap3A_319] {strides = array<i32>} : memref<632x16xf32, #tpu.memory_space<vmem>>, vector<1x16xf32>,
      %swap3A_321 = vector.shape_cast %swap3A_320 : vector<1x16xf32> to vector<16xf32>
      %swap3A_322 = vector.shape_cast %broadcast_in_dim3A_1 : vector<16xf32> to vector<1x16xf32>
      tpu.vector_store %arg9[%swap3A_318, %swap3A_319], %swap3A_322 {strides = array<i32>} : memref<632x16xf32, #tpu.memory_space<vmem>>, vector<1x16xf32>,
      %mul3A_323 = arith.constant 8 : i32
      %mul3A_324 = arith.muli %scan3A_304, %mul3A_323 : i32
      %add3A_325 = arith.constant 2 : i32
      %add3A_326 = arith.addi %mul3A_324, %add3A_325 : i32
      %swap3A_327 = arith.index_cast %add3A_326 : i32 to index
      %swap3A_328 = arith.constant 0 : index
      %swap3A_329 = tpu.vector_load %arg9[%swap3A_327, %swap3A_328] {strides = array<i32>} : memref<632x16xf32, #tpu.memory_space<vmem>>, vector<1x16xf32>,
      %swap3A_330 = vector.shape_cast %swap3A_329 : vector<1x16xf32> to vector<16xf32>
      %swap3A_331 = vector.shape_cast %broadcast_in_dim3A_1 : vector<16xf32> to vector<1x16xf32>
      tpu.vector_store %arg9[%swap3A_327, %swap3A_328], %swap3A_331 {strides = array<i32>} : memref<632x16xf32, #tpu.memory_space<vmem>>, vector<1x16xf32>,
      %mul3A_332 = arith.constant 8 : i32
      %mul3A_333 = arith.muli %scan3A_304, %mul3A_332 : i32
      %add3A_334 = arith.constant 3 : i32
      %add3A_335 = arith.addi %mul3A_333, %add3A_334 : i32
      %swap3A_336 = arith.index_cast %add3A_335 : i32 to index
      %swap3A_337 = arith.constant 0 : index
      %swap3A_338 = tpu.vector_load %arg9[%swap3A_336, %swap3A_337] {strides = array<i32>} : memref<632x16xf32, #tpu.memory_space<vmem>>, vector<1x16xf32>,
      %swap3A_339 = vector.shape_cast %swap3A_338 : vector<1x16xf32> to vector<16xf32>
      %swap3A_340 = vector.shape_cast %broadcast_in_dim3A_1 : vector<16xf32> to vector<1x16xf32>
      tpu.vector_store %arg9[%swap3A_336, %swap3A_337], %swap3A_340 {strides = array<i32>} : memref<632x16xf32, #tpu.memory_space<vmem>>, vector<1x16xf32>,
      %mul3A_341 = arith.constant 8 : i32
      %mul3A_342 = arith.muli %scan3A_304, %mul3A_341 : i32
      %add3A_343 = arith.constant 4 : i32
      %add3A_344 = arith.addi %mul3A_342, %add3A_343 : i32
      %swap3A_345 = arith.index_cast %add3A_344 : i32 to index
      %swap3A_346 = arith.constant 0 : index
      %swap3A_347 = tpu.vector_load %arg9[%swap3A_345, %swap3A_346] {strides = array<i32>} : memref<632x16xf32, #tpu.memory_space<vmem>>, vector<1x16xf32>,
      %swap3A_348 = vector.shape_cast %swap3A_347 : vector<1x16xf32> to vector<16xf32>
      %swap3A_349 = vector.shape_cast %broadcast_in_dim3A_1 : vector<16xf32> to vector<1x16xf32>
      tpu.vector_store %arg9[%swap3A_345, %swap3A_346], %swap3A_349 {strides = array<i32>} : memref<632x16xf32, #tpu.memory_space<vmem>>, vector<1x16xf32>,
      %mul3A_350 = arith.constant 8 : i32
      %mul3A_351 = arith.muli %scan3A_304, %mul3A_350 : i32
      %add3A_352 = arith.constant 5 : i32
      %add3A_353 = arith.addi %mul3A_351, %add3A_352 : i32
      %swap3A_354 = arith.index_cast %add3A_353 : i32 to index
      %swap3A_355 = arith.constant 0 : index
      %swap3A_356 = tpu.vector_load %arg9[%swap3A_354, %swap3A_355] {strides = array<i32>} : memref<632x16xf32, #tpu.memory_space<vmem>>, vector<1x16xf32>,
      %swap3A_357 = vector.shape_cast %swap3A_356 : vector<1x16xf32> to vector<16xf32>
      %swap3A_358 = vector.shape_cast %broadcast_in_dim3A_1 : vector<16xf32> to vector<1x16xf32>
      tpu.vector_store %arg9[%swap3A_354, %swap3A_355], %swap3A_358 {strides = array<i32>} : memref<632x16xf32, #tpu.memory_space<vmem>>, vector<1x16xf32>,
      %mul3A_359 = arith.constant 8 : i32
      %mul3A_360 = arith.muli %scan3A_304, %mul3A_359 : i32
      %add3A_361 = arith.constant 6 : i32
      %add3A_362 = arith.addi %mul3A_360, %add3A_361 : i32
      %swap3A_363 = arith.index_cast %add3A_362 : i32 to index
      %swap3A_364 = arith.constant 0 : index
      %swap3A_365 = tpu.vector_load %arg9[%swap3A_363, %swap3A_364] {strides = array<i32>} : memref<632x16xf32, #tpu.memory_space<vmem>>, vector<1x16xf32>,
      %swap3A_366 = vector.shape_cast %swap3A_365 : vector<1x16xf32> to vector<16xf32>
      %swap3A_367 = vector.shape_cast %broadcast_in_dim3A_1 : vector<16xf32> to vector<1x16xf32>
      tpu.vector_store %arg9[%swap3A_363, %swap3A_364], %swap3A_367 {strides = array<i32>} : memref<632x16xf32, #tpu.memory_space<vmem>>, vector<1x16xf32>,
      %mul3A_368 = arith.constant 8 : i32
      %mul3A_369 = arith.muli %scan3A_304, %mul3A_368 : i32
      %add3A_370 = arith.constant 7 : i32
      %add3A_371 = arith.addi %mul3A_369, %add3A_370 : i32
      %swap3A_372 = arith.index_cast %add3A_371 : i32 to index
      %swap3A_373 = arith.constant 0 : index
      %swap3A_374 = tpu.vector_load %arg9[%swap3A_372, %swap3A_373] {strides = array<i32>} : memref<632x16xf32, #tpu.memory_space<vmem>>, vector<1x16xf32>,
      %swap3A_375 = vector.shape_cast %swap3A_374 : vector<1x16xf32> to vector<16xf32>
      %swap3A_376 = vector.shape_cast %broadcast_in_dim3A_1 : vector<16xf32> to vector<1x16xf32>
      tpu.vector_store %arg9[%swap3A_372, %swap3A_373], %swap3A_376 {strides = array<i32>} : memref<632x16xf32, #tpu.memory_space<vmem>>, vector<1x16xf32>,
      %scan3A_377 = arith.constant 0 : i32
      scf.yield %scan3A_377 : i32
    }
    %scan3A_119 = arith.constant 79 : i32
    %mul3A_120 = arith.constant 632 : i32
    %mul3A_121 = arith.muli %arg1, %mul3A_120 : i32
    "tpu.region"() ({
      %run_scoped3A = tpu.sem_alloc : memref<!tpu.dma_semaphore, #tpu.memory_space<semaphore_mem>>
      %dma_start3A_304 = arith.constant 0 : i32
      %dma_start3A_305 = tpu.memref_slice %arg10[%mul3A_121, %dma_start3A_304] : memref<10112x16xf32, #tpu.memory_space<vmem_shared>> -> memref<632x16xf32, #tpu.memory_space<vmem_shared>>
      %dma_start3A_306 = arith.constant 0 : i32
      %dma_start3A_307 = tpu.memref_slice %arg10[%mul3A_121, %dma_start3A_306] : memref<10112x16xf32, #tpu.memory_space<vmem_shared>> -> memref<632x16xf32, #tpu.memory_space<vmem_shared>>
      tpu.enqueue_dma source(%arg9 : memref<632x16xf32, #tpu.memory_space<vmem>>) target(%dma_start3A_307 : memref<632x16xf32, #tpu.memory_space<vmem_shared>>) target_semaphore(%run_scoped3A : memref<!tpu.dma_semaphore, #tpu.memory_space<semaphore_mem>>)
      %dma_wait3A_308 = arith.constant 0 : i32
      %dma_wait3A_309 = tpu.memref_slice %arg10[%mul3A_121, %dma_wait3A_308] : memref<10112x16xf32, #tpu.memory_space<vmem_shared>> -> memref<632x16xf32, #tpu.memory_space<vmem_shared>>
      %dma_wait3A_310 = arith.constant 0 : i32
      %dma_wait3A_311 = tpu.memref_slice %arg10[%mul3A_121, %dma_wait3A_310] : memref<10112x16xf32, #tpu.memory_space<vmem_shared>> -> memref<632x16xf32, #tpu.memory_space<vmem_shared>>
      tpu.wait_dma2 semaphore(%run_scoped3A : memref<!tpu.dma_semaphore, #tpu.memory_space<semaphore_mem>>) src(%arg9 : memref<632x16xf32, #tpu.memory_space<vmem>>) dst(%dma_wait3A_311 : memref<632x16xf32, #tpu.memory_space<vmem_shared>>)
      tpu.yield
    }) : () -> ()
    %jit3A_122 = arith.constant 128 : i32
    %div3A_123 = arith.divsi %mul3A_3, %jit3A_122 : i32
    %sign3A_124 = arith.constant 0 : i32
    %sign3A_125 = arith.cmpi sgt, %mul3A_3, %sign3A_124 : i32
    %sign3A_126 = arith.extui %sign3A_125 : i1 to i32
    %sign3A_127 = arith.constant 0 : i32
    %sign3A_128 = arith.cmpi slt, %mul3A_3, %sign3A_127 : i32
    %sign3A_129 = arith.extui %sign3A_128 : i1 to i32
    %sign3A_130 = arith.subi %sign3A_126, %sign3A_129 : i32
    %sign3A_131 = arith.constant 0 : i32
    %sign3A_132 = arith.cmpi sgt, %jit3A_122, %sign3A_131 : i32
    %sign3A_133 = arith.extui %sign3A_132 : i1 to i32
    %sign3A_134 = arith.constant 0 : i32
    %sign3A_135 = arith.cmpi slt, %jit3A_122, %sign3A_134 : i32
    %sign3A_136 = arith.extui %sign3A_135 : i1 to i32
    %sign3A_137 = arith.subi %sign3A_133, %sign3A_136 : i32
    %ne3A_138 = arith.cmpi ne, %sign3A_130, %sign3A_137 : i32
    %rem3A_139 = arith.remsi %mul3A_3, %jit3A_122 : i32
    %ne3A_140 = arith.constant 0 : i32
    %ne3A_141 = arith.cmpi ne, %rem3A_139, %ne3A_140 : i32
    %and3A_142 = arith.andi %ne3A_138, %ne3A_141 : i1
    %sub3A_143 = arith.constant 1 : i32
    %sub3A_144 = arith.subi %div3A_123, %sub3A_143 : i32
    %select_n3A_145 = arith.select %and3A_142, %sub3A_144, %div3A_123 : i32
    %mul3A_146 = arith.constant 128 : i32
    %mul3A_147 = arith.muli %select_n3A_145, %mul3A_146 : i32
    %multiple_of3A_148 = tpu.assume_multiple %mul3A_147, 128 : i32
    %dma_wait3A = tpu.memref_slice %arg3[%multiple_of3A_148] : memref<640000xi32, #tpu.memory_space<hbm>> -> memref<10128xi32, #tpu.memory_space<hbm>>
    %dma_wait3A_149 = tpu.memref_slice %arg3[%multiple_of3A_148] : memref<640000xi32, #tpu.memory_space<hbm>> -> memref<10128xi32, #tpu.memory_space<hbm>>
    tpu.wait_dma2 semaphore(%arg12 : memref<!tpu.dma_semaphore, #tpu.memory_space<semaphore_mem>>) src(%dma_wait3A_149 : memref<10128xi32, #tpu.memory_space<hbm>>) dst(%arg5 : memref<10128xi32, #tpu.memory_space<vmem>>)
    %jit3A_150 = arith.constant 128 : i32
    %div3A_151 = arith.divsi %add3A_7, %jit3A_150 : i32
    %sign3A_152 = arith.constant 0 : i32
    %sign3A_153 = arith.cmpi sgt, %add3A_7, %sign3A_152 : i32
    %sign3A_154 = arith.extui %sign3A_153 : i1 to i32
    %sign3A_155 = arith.constant 0 : i32
    %sign3A_156 = arith.cmpi slt, %add3A_7, %sign3A_155 : i32
    %sign3A_157 = arith.extui %sign3A_156 : i1 to i32
    %sign3A_158 = arith.subi %sign3A_154, %sign3A_157 : i32
    %sign3A_159 = arith.constant 0 : i32
    %sign3A_160 = arith.cmpi sgt, %jit3A_150, %sign3A_159 : i32
    %sign3A_161 = arith.extui %sign3A_160 : i1 to i32
    %sign3A_162 = arith.constant 0 : i32
    %sign3A_163 = arith.cmpi slt, %jit3A_150, %sign3A_162 : i32
    %sign3A_164 = arith.extui %sign3A_163 : i1 to i32
    %sign3A_165 = arith.subi %sign3A_161, %sign3A_164 : i32
    %ne3A_166 = arith.cmpi ne, %sign3A_158, %sign3A_165 : i32
    %rem3A_167 = arith.remsi %add3A_7, %jit3A_150 : i32
    %ne3A_168 = arith.constant 0 : i32
    %ne3A_169 = arith.cmpi ne, %rem3A_167, %ne3A_168 : i32
    %and3A_170 = arith.andi %ne3A_166, %ne3A_169 : i1
    %sub3A_171 = arith.constant 1 : i32
    %sub3A_172 = arith.subi %div3A_151, %sub3A_171 : i32
    %select_n3A_173 = arith.select %and3A_170, %sub3A_172, %div3A_151 : i32
    %mul3A_174 = arith.constant 128 : i32
    %mul3A_175 = arith.muli %select_n3A_173, %mul3A_174 : i32
    %multiple_of3A_176 = tpu.assume_multiple %mul3A_175, 128 : i32
    %dma_wait3A_177 = tpu.memref_slice %arg3[%multiple_of3A_176] : memref<640000xi32, #tpu.memory_space<hbm>> -> memref<10128xi32, #tpu.memory_space<hbm>>
    %dma_wait3A_178 = tpu.memref_slice %arg3[%multiple_of3A_176] : memref<640000xi32, #tpu.memory_space<hbm>> -> memref<10128xi32, #tpu.memory_space<hbm>>
    tpu.wait_dma2 semaphore(%arg13 : memref<!tpu.dma_semaphore, #tpu.memory_space<semaphore_mem>>) src(%dma_wait3A_178 : memref<10128xi32, #tpu.memory_space<hbm>>) dst(%arg6 : memref<10128xi32, #tpu.memory_space<vmem>>)
    %barrier3A = arith.constant 0 : index
    tpu.barrier barrier_id(%barrier3A)
    %add3A_179 = arith.constant 0 : i32
    %add3A_180 = arith.addi %sub3A_26, %add3A_179 : i32
    %dma_start3A_181 = tpu.memref_slice %arg5[%add3A_180] : memref<10128xi32, #tpu.memory_space<vmem>> -> memref<2000xi32, #tpu.memory_space<vmem>>
    %dma_start3A_182 = arith.constant 0 : i32
    %dma_start3A_183 = arith.constant 0 : i32
    %dma_start3A_184 = tpu.memref_slice %arg11[%dma_start3A_182, %dma_start3A_183] : memref<10112x16xf32, #tpu.memory_space<vmem_shared>> -> memref<10112x16xf32, #tpu.memory_space<vmem_shared>>
    tpu.enqueue_indirect_dma source(%dma_start3A_184 : memref<10112x16xf32, #tpu.memory_space<vmem_shared>>) target(%arg7 : memref<2000x16xf32, #tpu.memory_space<vmem>>) offsets(%dma_start3A_181 : memref<2000xi32, #tpu.memory_space<vmem>>) semaphore(%arg12 : memref<!tpu.dma_semaphore, #tpu.memory_space<semaphore_mem>>)
    %add3A_185 = arith.constant 0 : i32
    %add3A_186 = arith.addi %sub3A_26, %add3A_185 : i32
    %dma_wait3A_187 = tpu.memref_slice %arg5[%add3A_186] : memref<10128xi32, #tpu.memory_space<vmem>> -> memref<2000xi32, #tpu.memory_space<vmem>>
    %dma_wait3A_188 = arith.constant 0 : i32
    %dma_wait3A_189 = arith.constant 0 : i32
    %dma_wait3A_190 = tpu.memref_slice %arg11[%dma_wait3A_188, %dma_wait3A_189] : memref<10112x16xf32, #tpu.memory_space<vmem_shared>> -> memref<10112x16xf32, #tpu.memory_space<vmem_shared>>
    tpu.wait_indirect_dma semaphore(%arg12 : memref<!tpu.dma_semaphore, #tpu.memory_space<semaphore_mem>>) src(%dma_wait3A_190 : memref<10112x16xf32, #tpu.memory_space<vmem_shared>>) dst(%arg7 : memref<2000x16xf32, #tpu.memory_space<vmem>>)
    %add3A_191 = arith.constant 2000 : i32
    %add3A_192 = arith.addi %sub3A_26, %add3A_191 : i32
    %dma_start3A_193 = tpu.memref_slice %arg5[%add3A_192] : memref<10128xi32, #tpu.memory_space<vmem>> -> memref<2000xi32, #tpu.memory_space<vmem>>
    %dma_start3A_194 = arith.constant 0 : i32
    %dma_start3A_195 = arith.constant 0 : i32
    %dma_start3A_196 = tpu.memref_slice %arg11[%dma_start3A_194, %dma_start3A_195] : memref<10112x16xf32, #tpu.memory_space<vmem_shared>> -> memref<10112x16xf32, #tpu.memory_space<vmem_shared>>
    tpu.enqueue_indirect_dma source(%dma_start3A_196 : memref<10112x16xf32, #tpu.memory_space<vmem_shared>>) target(%arg8 : memref<2000x16xf32, #tpu.memory_space<vmem>>) offsets(%dma_start3A_193 : memref<2000xi32, #tpu.memory_space<vmem>>) semaphore(%arg13 : memref<!tpu.dma_semaphore, #tpu.memory_space<semaphore_mem>>)
    %add3A_197 = arith.constant 0 : i32
    %add3A_198 = arith.addi %sub3A_53, %add3A_197 : i32
    %dma_start3A_199 = tpu.memref_slice %arg6[%add3A_198] : memref<10128xi32, #tpu.memory_space<vmem>> -> memref<2000xi32, #tpu.memory_space<vmem>>
    %dma_start3A_200 = arith.constant 0 : i32
    %dma_start3A_201 = arith.constant 0 : i32
    %dma_start3A_202 = tpu.memref_slice %arg10[%dma_start3A_200, %dma_start3A_201] : memref<10112x16xf32, #tpu.memory_space<vmem_shared>> -> memref<10112x16xf32, #tpu.memory_space<vmem_shared>>
    tpu.enqueue_indirect_dma source(%arg7 : memref<2000x16xf32, #tpu.memory_space<vmem>>) target(%dma_start3A_202 : memref<10112x16xf32, #tpu.memory_space<vmem_shared>>) offsets(%dma_start3A_199 : memref<2000xi32, #tpu.memory_space<vmem>>) semaphore(%arg14 : memref<!tpu.dma_semaphore, #tpu.memory_space<semaphore_mem>>) {add = true}
    %add3A_203 = arith.constant 2000 : i32
    %add3A_204 = arith.addi %sub3A_26, %add3A_203 : i32
    %dma_wait3A_205 = tpu.memref_slice %arg5[%add3A_204] : memref<10128xi32, #tpu.memory_space<vmem>> -> memref<2000xi32, #tpu.memory_space<vmem>>
    %dma_wait3A_206 = arith.constant 0 : i32
    %dma_wait3A_207 = arith.constant 0 : i32
    %dma_wait3A_208 = tpu.memref_slice %arg11[%dma_wait3A_206, %dma_wait3A_207] : memref<10112x16xf32, #tpu.memory_space<vmem_shared>> -> memref<10112x16xf32, #tpu.memory_space<vmem_shared>>
    tpu.wait_indirect_dma semaphore(%arg13 : memref<!tpu.dma_semaphore, #tpu.memory_space<semaphore_mem>>) src(%dma_wait3A_208 : memref<10112x16xf32, #tpu.memory_space<vmem_shared>>) dst(%arg8 : memref<2000x16xf32, #tpu.memory_space<vmem>>)
    %add3A_209 = arith.constant 0 : i32
    %add3A_210 = arith.addi %sub3A_53, %add3A_209 : i32
    %dma_wait3A_211 = tpu.memref_slice %arg6[%add3A_210] : memref<10128xi32, #tpu.memory_space<vmem>> -> memref<2000xi32, #tpu.memory_space<vmem>>
    %dma_wait3A_212 = arith.constant 0 : i32
    %dma_wait3A_213 = arith.constant 0 : i32
    %dma_wait3A_214 = tpu.memref_slice %arg10[%dma_wait3A_212, %dma_wait3A_213] : memref<10112x16xf32, #tpu.memory_space<vmem_shared>> -> memref<10112x16xf32, #tpu.memory_space<vmem_shared>>
    tpu.wait_indirect_dma semaphore(%arg14 : memref<!tpu.dma_semaphore, #tpu.memory_space<semaphore_mem>>) src(%arg7 : memref<2000x16xf32, #tpu.memory_space<vmem>>) dst(%dma_wait3A_214 : memref<10112x16xf32, #tpu.memory_space<vmem_shared>>)
    %add3A_215 = arith.constant 4000 : i32
    %add3A_216 = arith.addi %sub3A_26, %add3A_215 : i32
    %dma_start3A_217 = tpu.memref_slice %arg5[%add3A_216] : memref<10128xi32, #tpu.memory_space<vmem>> -> memref<2000xi32, #tpu.memory_space<vmem>>
    %dma_start3A_218 = arith.constant 0 : i32
    %dma_start3A_219 = arith.constant 0 : i32
    %dma_start3A_220 = tpu.memref_slice %arg11[%dma_start3A_218, %dma_start3A_219] : memref<10112x16xf32, #tpu.memory_space<vmem_shared>> -> memref<10112x16xf32, #tpu.memory_space<vmem_shared>>
    tpu.enqueue_indirect_dma source(%dma_start3A_220 : memref<10112x16xf32, #tpu.memory_space<vmem_shared>>) target(%arg7 : memref<2000x16xf32, #tpu.memory_space<vmem>>) offsets(%dma_start3A_217 : memref<2000xi32, #tpu.memory_space<vmem>>) semaphore(%arg12 : memref<!tpu.dma_semaphore, #tpu.memory_space<semaphore_mem>>)
    %add3A_221 = arith.constant 2000 : i32
    %add3A_222 = arith.addi %sub3A_53, %add3A_221 : i32
    %dma_start3A_223 = tpu.memref_slice %arg6[%add3A_222] : memref<10128xi32, #tpu.memory_space<vmem>> -> memref<2000xi32, #tpu.memory_space<vmem>>
    %dma_start3A_224 = arith.constant 0 : i32
    %dma_start3A_225 = arith.constant 0 : i32
    %dma_start3A_226 = tpu.memref_slice %arg10[%dma_start3A_224, %dma_start3A_225] : memref<10112x16xf32, #tpu.memory_space<vmem_shared>> -> memref<10112x16xf32, #tpu.memory_space<vmem_shared>>
    tpu.enqueue_indirect_dma source(%arg8 : memref<2000x16xf32, #tpu.memory_space<vmem>>) target(%dma_start3A_226 : memref<10112x16xf32, #tpu.memory_space<vmem_shared>>) offsets(%dma_start3A_223 : memref<2000xi32, #tpu.memory_space<vmem>>) semaphore(%arg15 : memref<!tpu.dma_semaphore, #tpu.memory_space<semaphore_mem>>) {add = true}
    %add3A_227 = arith.constant 4000 : i32
    %add3A_228 = arith.addi %sub3A_26, %add3A_227 : i32
    %dma_wait3A_229 = tpu.memref_slice %arg5[%add3A_228] : memref<10128xi32, #tpu.memory_space<vmem>> -> memref<2000xi32, #tpu.memory_space<vmem>>
    %dma_wait3A_230 = arith.constant 0 : i32
    %dma_wait3A_231 = arith.constant 0 : i32
    %dma_wait3A_232 = tpu.memref_slice %arg11[%dma_wait3A_230, %dma_wait3A_231] : memref<10112x16xf32, #tpu.memory_space<vmem_shared>> -> memref<10112x16xf32, #tpu.memory_space<vmem_shared>>
    tpu.wait_indirect_dma semaphore(%arg12 : memref<!tpu.dma_semaphore, #tpu.memory_space<semaphore_mem>>) src(%dma_wait3A_232 : memref<10112x16xf32, #tpu.memory_space<vmem_shared>>) dst(%arg7 : memref<2000x16xf32, #tpu.memory_space<vmem>>)
    %add3A_233 = arith.constant 2000 : i32
    %add3A_234 = arith.addi %sub3A_53, %add3A_233 : i32
    %dma_wait3A_235 = tpu.memref_slice %arg6[%add3A_234] : memref<10128xi32, #tpu.memory_space<vmem>> -> memref<2000xi32, #tpu.memory_space<vmem>>
    %dma_wait3A_236 = arith.constant 0 : i32
    %dma_wait3A_237 = arith.constant 0 : i32
    %dma_wait3A_238 = tpu.memref_slice %arg10[%dma_wait3A_236, %dma_wait3A_237] : memref<10112x16xf32, #tpu.memory_space<vmem_shared>> -> memref<10112x16xf32, #tpu.memory_space<vmem_shared>>
    tpu.wait_indirect_dma semaphore(%arg15 : memref<!tpu.dma_semaphore, #tpu.memory_space<semaphore_mem>>) src(%arg8 : memref<2000x16xf32, #tpu.memory_space<vmem>>) dst(%dma_wait3A_238 : memref<10112x16xf32, #tpu.memory_space<vmem_shared>>)
    %add3A_239 = arith.constant 6000 : i32
    %add3A_240 = arith.addi %sub3A_26, %add3A_239 : i32
    %dma_start3A_241 = tpu.memref_slice %arg5[%add3A_240] : memref<10128xi32, #tpu.memory_space<vmem>> -> memref<2000xi32, #tpu.memory_space<vmem>>
    %dma_start3A_242 = arith.constant 0 : i32
    %dma_start3A_243 = arith.constant 0 : i32
    %dma_start3A_244 = tpu.memref_slice %arg11[%dma_start3A_242, %dma_start3A_243] : memref<10112x16xf32, #tpu.memory_space<vmem_shared>> -> memref<10112x16xf32, #tpu.memory_space<vmem_shared>>
    tpu.enqueue_indirect_dma source(%dma_start3A_244 : memref<10112x16xf32, #tpu.memory_space<vmem_shared>>) target(%arg8 : memref<2000x16xf32, #tpu.memory_space<vmem>>) offsets(%dma_start3A_241 : memref<2000xi32, #tpu.memory_space<vmem>>) semaphore(%arg13 : memref<!tpu.dma_semaphore, #tpu.memory_space<semaphore_mem>>)
    %add3A_245 = arith.constant 4000 : i32
    %add3A_246 = arith.addi %sub3A_53, %add3A_245 : i32
    %dma_start3A_247 = tpu.memref_slice %arg6[%add3A_246] : memref<10128xi32, #tpu.memory_space<vmem>> -> memref<2000xi32, #tpu.memory_space<vmem>>
    %dma_start3A_248 = arith.constant 0 : i32
    %dma_start3A_249 = arith.constant 0 : i32
    %dma_start3A_250 = tpu.memref_slice %arg10[%dma_start3A_248, %dma_start3A_249] : memref<10112x16xf32, #tpu.memory_space<vmem_shared>> -> memref<10112x16xf32, #tpu.memory_space<vmem_shared>>
    tpu.enqueue_indirect_dma source(%arg7 : memref<2000x16xf32, #tpu.memory_space<vmem>>) target(%dma_start3A_250 : memref<10112x16xf32, #tpu.memory_space<vmem_shared>>) offsets(%dma_start3A_247 : memref<2000xi32, #tpu.memory_space<vmem>>) semaphore(%arg14 : memref<!tpu.dma_semaphore, #tpu.memory_space<semaphore_mem>>) {add = true}
    %add3A_251 = arith.constant 6000 : i32
    %add3A_252 = arith.addi %sub3A_26, %add3A_251 : i32
    %dma_wait3A_253 = tpu.memref_slice %arg5[%add3A_252] : memref<10128xi32, #tpu.memory_space<vmem>> -> memref<2000xi32, #tpu.memory_space<vmem>>
    %dma_wait3A_254 = arith.constant 0 : i32
    %dma_wait3A_255 = arith.constant 0 : i32
    %dma_wait3A_256 = tpu.memref_slice %arg11[%dma_wait3A_254, %dma_wait3A_255] : memref<10112x16xf32, #tpu.memory_space<vmem_shared>> -> memref<10112x16xf32, #tpu.memory_space<vmem_shared>>
    tpu.wait_indirect_dma semaphore(%arg13 : memref<!tpu.dma_semaphore, #tpu.memory_space<semaphore_mem>>) src(%dma_wait3A_256 : memref<10112x16xf32, #tpu.memory_space<vmem_shared>>) dst(%arg8 : memref<2000x16xf32, #tpu.memory_space<vmem>>)
    %add3A_257 = arith.constant 4000 : i32
    %add3A_258 = arith.addi %sub3A_53, %add3A_257 : i32
    %dma_wait3A_259 = tpu.memref_slice %arg6[%add3A_258] : memref<10128xi32, #tpu.memory_space<vmem>> -> memref<2000xi32, #tpu.memory_space<vmem>>
    %dma_wait3A_260 = arith.constant 0 : i32
    %dma_wait3A_261 = arith.constant 0 : i32
    %dma_wait3A_262 = tpu.memref_slice %arg10[%dma_wait3A_260, %dma_wait3A_261] : memref<10112x16xf32, #tpu.memory_space<vmem_shared>> -> memref<10112x16xf32, #tpu.memory_space<vmem_shared>>
    tpu.wait_indirect_dma semaphore(%arg14 : memref<!tpu.dma_semaphore, #tpu.memory_space<semaphore_mem>>) src(%arg7 : memref<2000x16xf32, #tpu.memory_space<vmem>>) dst(%dma_wait3A_262 : memref<10112x16xf32, #tpu.memory_space<vmem_shared>>)
    %add3A_263 = arith.constant 8000 : i32
    %add3A_264 = arith.addi %sub3A_26, %add3A_263 : i32
    %dma_start3A_265 = tpu.memref_slice %arg5[%add3A_264] : memref<10128xi32, #tpu.memory_space<vmem>> -> memref<2000xi32, #tpu.memory_space<vmem>>
    %dma_start3A_266 = arith.constant 0 : i32
    %dma_start3A_267 = arith.constant 0 : i32
    %dma_start3A_268 = tpu.memref_slice %arg11[%dma_start3A_266, %dma_start3A_267] : memref<10112x16xf32, #tpu.memory_space<vmem_shared>> -> memref<10112x16xf32, #tpu.memory_space<vmem_shared>>
    tpu.enqueue_indirect_dma source(%dma_start3A_268 : memref<10112x16xf32, #tpu.memory_space<vmem_shared>>) target(%arg7 : memref<2000x16xf32, #tpu.memory_space<vmem>>) offsets(%dma_start3A_265 : memref<2000xi32, #tpu.memory_space<vmem>>) semaphore(%arg12 : memref<!tpu.dma_semaphore, #tpu.memory_space<semaphore_mem>>)
    %add3A_269 = arith.constant 6000 : i32
    %add3A_270 = arith.addi %sub3A_53, %add3A_269 : i32
    %dma_start3A_271 = tpu.memref_slice %arg6[%add3A_270] : memref<10128xi32, #tpu.memory_space<vmem>> -> memref<2000xi32, #tpu.memory_space<vmem>>
    %dma_start3A_272 = arith.constant 0 : i32
    %dma_start3A_273 = arith.constant 0 : i32
    %dma_start3A_274 = tpu.memref_slice %arg10[%dma_start3A_272, %dma_start3A_273] : memref<10112x16xf32, #tpu.memory_space<vmem_shared>> -> memref<10112x16xf32, #tpu.memory_space<vmem_shared>>
    tpu.enqueue_indirect_dma source(%arg8 : memref<2000x16xf32, #tpu.memory_space<vmem>>) target(%dma_start3A_274 : memref<10112x16xf32, #tpu.memory_space<vmem_shared>>) offsets(%dma_start3A_271 : memref<2000xi32, #tpu.memory_space<vmem>>) semaphore(%arg15 : memref<!tpu.dma_semaphore, #tpu.memory_space<semaphore_mem>>) {add = true}
    %add3A_275 = arith.constant 8000 : i32
    %add3A_276 = arith.addi %sub3A_26, %add3A_275 : i32
    %dma_wait3A_277 = tpu.memref_slice %arg5[%add3A_276] : memref<10128xi32, #tpu.memory_space<vmem>> -> memref<2000xi32, #tpu.memory_space<vmem>>
    %dma_wait3A_278 = arith.constant 0 : i32
    %dma_wait3A_279 = arith.constant 0 : i32
    %dma_wait3A_280 = tpu.memref_slice %arg11[%dma_wait3A_278, %dma_wait3A_279] : memref<10112x16xf32, #tpu.memory_space<vmem_shared>> -> memref<10112x16xf32, #tpu.memory_space<vmem_shared>>
    tpu.wait_indirect_dma semaphore(%arg12 : memref<!tpu.dma_semaphore, #tpu.memory_space<semaphore_mem>>) src(%dma_wait3A_280 : memref<10112x16xf32, #tpu.memory_space<vmem_shared>>) dst(%arg7 : memref<2000x16xf32, #tpu.memory_space<vmem>>)
    %add3A_281 = arith.constant 8000 : i32
    %add3A_282 = arith.addi %sub3A_53, %add3A_281 : i32
    %dma_start3A_283 = tpu.memref_slice %arg6[%add3A_282] : memref<10128xi32, #tpu.memory_space<vmem>> -> memref<2000xi32, #tpu.memory_space<vmem>>
    %dma_start3A_284 = arith.constant 0 : i32
    %dma_start3A_285 = arith.constant 0 : i32
    %dma_start3A_286 = tpu.memref_slice %arg10[%dma_start3A_284, %dma_start3A_285] : memref<10112x16xf32, #tpu.memory_space<vmem_shared>> -> memref<10112x16xf32, #tpu.memory_space<vmem_shared>>
    tpu.enqueue_indirect_dma source(%arg7 : memref<2000x16xf32, #tpu.memory_space<vmem>>) target(%dma_start3A_286 : memref<10112x16xf32, #tpu.memory_space<vmem_shared>>) offsets(%dma_start3A_283 : memref<2000xi32, #tpu.memory_space<vmem>>) semaphore(%arg14 : memref<!tpu.dma_semaphore, #tpu.memory_space<semaphore_mem>>) {add = true}
    %add3A_287 = arith.constant 6000 : i32
    %add3A_288 = arith.addi %sub3A_53, %add3A_287 : i32
    %dma_wait3A_289 = tpu.memref_slice %arg6[%add3A_288] : memref<10128xi32, #tpu.memory_space<vmem>> -> memref<2000xi32, #tpu.memory_space<vmem>>
    %dma_wait3A_290 = arith.constant 0 : i32
    %dma_wait3A_291 = arith.constant 0 : i32
    %dma_wait3A_292 = tpu.memref_slice %arg10[%dma_wait3A_290, %dma_wait3A_291] : memref<10112x16xf32, #tpu.memory_space<vmem_shared>> -> memref<10112x16xf32, #tpu.memory_space<vmem_shared>>
    tpu.wait_indirect_dma semaphore(%arg15 : memref<!tpu.dma_semaphore, #tpu.memory_space<semaphore_mem>>) src(%arg8 : memref<2000x16xf32, #tpu.memory_space<vmem>>) dst(%dma_wait3A_292 : memref<10112x16xf32, #tpu.memory_space<vmem_shared>>)
    %add3A_293 = arith.constant 8000 : i32
    %add3A_294 = arith.addi %sub3A_53, %add3A_293 : i32
    %dma_wait3A_295 = tpu.memref_slice %arg6[%add3A_294] : memref<10128xi32, #tpu.memory_space<vmem>> -> memref<2000xi32, #tpu.memory_space<vmem>>
    %dma_wait3A_296 = arith.constant 0 : i32
    %dma_wait3A_297 = arith.constant 0 : i32
    %dma_wait3A_298 = tpu.memref_slice %arg10[%dma_wait3A_296, %dma_wait3A_297] : memref<10112x16xf32, #tpu.memory_space<vmem_shared>> -> memref<10112x16xf32, #tpu.memory_space<vmem_shared>>
    tpu.wait_indirect_dma semaphore(%arg14 : memref<!tpu.dma_semaphore, #tpu.memory_space<semaphore_mem>>) src(%arg7 : memref<2000x16xf32, #tpu.memory_space<vmem>>) dst(%dma_wait3A_298 : memref<10112x16xf32, #tpu.memory_space<vmem_shared>>)
    %barrier3A_299 = arith.constant 0 : index
    tpu.barrier barrier_id(%barrier3A_299)
    %mul3A_300 = arith.constant 632 : i32
    %mul3A_301 = arith.muli %arg1, %mul3A_300 : i32
    "tpu.region"() ({
      %run_scoped3A = tpu.sem_alloc : memref<!tpu.dma_semaphore, #tpu.memory_space<semaphore_mem>>
      %dma_start3A_304 = arith.constant 0 : i32
      %dma_start3A_305 = tpu.memref_slice %arg10[%mul3A_301, %dma_start3A_304] : memref<10112x16xf32, #tpu.memory_space<vmem_shared>> -> memref<632x16xf32, #tpu.memory_space<vmem_shared>>
      %dma_start3A_306 = arith.constant 0 : i32
      %dma_start3A_307 = tpu.memref_slice %arg10[%mul3A_301, %dma_start3A_306] : memref<10112x16xf32, #tpu.memory_space<vmem_shared>> -> memref<632x16xf32, #tpu.memory_space<vmem_shared>>
      tpu.enqueue_dma source(%dma_start3A_307 : memref<632x16xf32, #tpu.memory_space<vmem_shared>>) target(%arg9 : memref<632x16xf32, #tpu.memory_space<vmem>>) target_semaphore(%run_scoped3A : memref<!tpu.dma_semaphore, #tpu.memory_space<semaphore_mem>>)
      %dma_wait3A_308 = arith.constant 0 : i32
      %dma_wait3A_309 = tpu.memref_slice %arg10[%mul3A_301, %dma_wait3A_308] : memref<10112x16xf32, #tpu.memory_space<vmem_shared>> -> memref<632x16xf32, #tpu.memory_space<vmem_shared>>
      %dma_wait3A_310 = arith.constant 0 : i32
      %dma_wait3A_311 = tpu.memref_slice %arg10[%mul3A_301, %dma_wait3A_310] : memref<10112x16xf32, #tpu.memory_space<vmem_shared>> -> memref<632x16xf32, #tpu.memory_space<vmem_shared>>
      tpu.wait_dma2 semaphore(%run_scoped3A : memref<!tpu.dma_semaphore, #tpu.memory_space<semaphore_mem>>) src(%dma_wait3A_311 : memref<632x16xf32, #tpu.memory_space<vmem_shared>>) dst(%arg9 : memref<632x16xf32, #tpu.memory_space<vmem>>)
      tpu.yield
    }) : () -> ()
    %mul3A_302 = arith.constant 632 : i32
    %mul3A_303 = arith.muli %arg1, %mul3A_302 : i32
    "tpu.region"() ({
      %run_scoped3A = tpu.sem_alloc : memref<!tpu.dma_semaphore, #tpu.memory_space<semaphore_mem>>
      %dma_start3A_304 = arith.constant 0 : i32
      %dma_start3A_305 = tpu.memref_slice %arg4[%arg0, %mul3A_303, %dma_start3A_304] : memref<2x10112x16xf32, #tpu.memory_space<hbm>> -> memref<1x632x16xf32, #tpu.memory_space<hbm>>
      %dma_start3A_306 = tpu.memref_squeeze %dma_start3A_305 : memref<1x632x16xf32, #tpu.memory_space<hbm>> -> memref<632x16xf32, #tpu.memory_space<hbm>>
      %dma_start3A_307 = arith.constant 0 : i32
      %dma_start3A_308 = tpu.memref_slice %arg4[%arg0, %mul3A_303, %dma_start3A_307] : memref<2x10112x16xf32, #tpu.memory_space<hbm>> -> memref<1x632x16xf32, #tpu.memory_space<hbm>>
      %dma_start3A_309 = tpu.memref_squeeze %dma_start3A_308 : memref<1x632x16xf32, #tpu.memory_space<hbm>> -> memref<632x16xf32, #tpu.memory_space<hbm>>
      tpu.enqueue_dma source(%arg9 : memref<632x16xf32, #tpu.memory_space<vmem>>) target(%dma_start3A_309 : memref<632x16xf32, #tpu.memory_space<hbm>>) target_semaphore(%run_scoped3A : memref<!tpu.dma_semaphore, #tpu.memory_space<semaphore_mem>>)
      %dma_wait3A_310 = arith.constant 0 : i32
      %dma_wait3A_311 = tpu.memref_slice %arg4[%arg0, %mul3A_303, %dma_wait3A_310] : memref<2x10112x16xf32, #tpu.memory_space<hbm>> -> memref<1x632x16xf32, #tpu.memory_space<hbm>>
      %dma_wait3A_312 = tpu.memref_squeeze %dma_wait3A_311 : memref<1x632x16xf32, #tpu.memory_space<hbm>> -> memref<632x16xf32, #tpu.memory_space<hbm>>
      %dma_wait3A_313 = arith.constant 0 : i32
      %dma_wait3A_314 = tpu.memref_slice %arg4[%arg0, %mul3A_303, %dma_wait3A_313] : memref<2x10112x16xf32, #tpu.memory_space<hbm>> -> memref<1x632x16xf32, #tpu.memory_space<hbm>>
      %dma_wait3A_315 = tpu.memref_squeeze %dma_wait3A_314 : memref<1x632x16xf32, #tpu.memory_space<hbm>> -> memref<632x16xf32, #tpu.memory_space<hbm>>
      tpu.wait_dma2 semaphore(%run_scoped3A : memref<!tpu.dma_semaphore, #tpu.memory_space<semaphore_mem>>) src(%arg9 : memref<632x16xf32, #tpu.memory_space<vmem>>) dst(%dma_wait3A_315 : memref<632x16xf32, #tpu.memory_space<hbm>>)
      tpu.yield
    }) : () -> ()
    return
  }
}

#map = affine_map<(d0, d1) -> (0, 0)>
#map1 = affine_map<(d0, d1) -> (0)>
#map2 = affine_map<(d0, d1) -> (0, 0, 0)>
module attributes {stable_mosaic.version = 14 : i64} {
  func.func @sc_agg(%arg0: i32, %arg1: i32, %arg2: memref<10112x16xf32, #tpu.memory_space<hbm>>, %arg3: memref<640000xi32, #tpu.memory_space<hbm>>, %arg4: memref<2x10112x16xf32, #tpu.memory_space<hbm>>, %arg5: memref<10128xi32, #tpu.memory_space<vmem>>, %arg6: memref<10128xi32, #tpu.memory_space<vmem>>, %arg7: memref<2000x16xf32, #tpu.memory_space<vmem>>, %arg8: memref<2000x16xf32, #tpu.memory_space<vmem>>, %arg9: memref<632x16xf32, #tpu.memory_space<vmem>>, %arg10: memref<10112x16xf32, #tpu.memory_space<vmem_shared>>, %arg11: memref<10112x16xf32, #tpu.memory_space<vmem_shared>>, %arg12: memref<!tpu.dma_semaphore, #tpu.memory_space<semaphore_mem>>, %arg13: memref<!tpu.dma_semaphore, #tpu.memory_space<semaphore_mem>>, %arg14: memref<!tpu.dma_semaphore, #tpu.memory_space<semaphore_mem>>, %arg15: memref<!tpu.dma_semaphore, #tpu.memory_space<semaphore_mem>>) attributes {dimension_semantics = [#tpu.dimension_semantics<core_parallel>, #tpu.dimension_semantics<subcore_parallel>], iteration_bounds = array<i64: 2, 16>, scalar_prefetch = 0 : i64, scratch_operands = 11 : i64, tpu.core_type = #tpu.core_type<sc_vector_subcore>, window_params = [{transform_indices = #map}, {transform_indices = #map1}, {transform_indices = #map2}]} {
    %mul3A = arith.constant 16 : i32
    %mul3A_0 = arith.muli %arg0, %mul3A : i32
    %add3A = arith.addi %mul3A_0, %arg1 : i32
    %broadcast_in_dim3A = arith.constant 0.000000e+00 : f32
    %broadcast_in_dim3A_1 = vector.broadcast %broadcast_in_dim3A : f32 to vector<16xf32>
    %mul3A_2 = arith.constant 10000 : i32
    %mul3A_3 = arith.muli %add3A, %mul3A_2 : i32
    %mul3A_4 = arith.constant 10000 : i32
    %mul3A_5 = arith.muli %add3A, %mul3A_4 : i32
    %add3A_6 = arith.constant 320000 : i32
    %add3A_7 = arith.addi %add3A_6, %mul3A_5 : i32
    %jit3A = arith.constant 128 : i32
    %div3A = arith.divsi %mul3A_3, %jit3A : i32
    %sign3A = arith.constant 0 : i32
    %sign3A_8 = arith.cmpi sgt, %mul3A_3, %sign3A : i32
    %sign3A_9 = arith.extui %sign3A_8 : i1 to i32
    %sign3A_10 = arith.constant 0 : i32
    %sign3A_11 = arith.cmpi slt, %mul3A_3, %sign3A_10 : i32
    %sign3A_12 = arith.extui %sign3A_11 : i1 to i32
    %sign3A_13 = arith.subi %sign3A_9, %sign3A_12 : i32
    %sign3A_14 = arith.constant 0 : i32
    %sign3A_15 = arith.cmpi sgt, %jit3A, %sign3A_14 : i32
    %sign3A_16 = arith.extui %sign3A_15 : i1 to i32
    %sign3A_17 = arith.constant 0 : i32
    %sign3A_18 = arith.cmpi slt, %jit3A, %sign3A_17 : i32
    %sign3A_19 = arith.extui %sign3A_18 : i1 to i32
    %sign3A_20 = arith.subi %sign3A_16, %sign3A_19 : i32
    %ne3A = arith.cmpi ne, %sign3A_13, %sign3A_20 : i32
    %rem3A = arith.remsi %mul3A_3, %jit3A : i32
    %ne3A_21 = arith.constant 0 : i32
    %ne3A_22 = arith.cmpi ne, %rem3A, %ne3A_21 : i32
    %and3A = arith.andi %ne3A, %ne3A_22 : i1
    %sub3A = arith.constant 1 : i32
    %sub3A_23 = arith.subi %div3A, %sub3A : i32
    %select_n3A = arith.select %and3A, %sub3A_23, %div3A : i32
    %mul3A_24 = arith.constant 128 : i32
    %mul3A_25 = arith.muli %select_n3A, %mul3A_24 : i32
    %sub3A_26 = arith.subi %mul3A_3, %mul3A_25 : i32
    %jit3A_27 = arith.constant 128 : i32
    %div3A_28 = arith.divsi %add3A_7, %jit3A_27 : i32
    %sign3A_29 = arith.constant 0 : i32
    %sign3A_30 = arith.cmpi sgt, %add3A_7, %sign3A_29 : i32
    %sign3A_31 = arith.extui %sign3A_30 : i1 to i32
    %sign3A_32 = arith.constant 0 : i32
    %sign3A_33 = arith.cmpi slt, %add3A_7, %sign3A_32 : i32
    %sign3A_34 = arith.extui %sign3A_33 : i1 to i32
    %sign3A_35 = arith.subi %sign3A_31, %sign3A_34 : i32
    %sign3A_36 = arith.constant 0 : i32
    %sign3A_37 = arith.cmpi sgt, %jit3A_27, %sign3A_36 : i32
    %sign3A_38 = arith.extui %sign3A_37 : i1 to i32
    %sign3A_39 = arith.constant 0 : i32
    %sign3A_40 = arith.cmpi slt, %jit3A_27, %sign3A_39 : i32
    %sign3A_41 = arith.extui %sign3A_40 : i1 to i32
    %sign3A_42 = arith.subi %sign3A_38, %sign3A_41 : i32
    %ne3A_43 = arith.cmpi ne, %sign3A_35, %sign3A_42 : i32
    %rem3A_44 = arith.remsi %add3A_7, %jit3A_27 : i32
    %ne3A_45 = arith.constant 0 : i32
    %ne3A_46 = arith.cmpi ne, %rem3A_44, %ne3A_45 : i32
    %and3A_47 = arith.andi %ne3A_43, %ne3A_46 : i1
    %sub3A_48 = arith.constant 1 : i32
    %sub3A_49 = arith.subi %div3A_28, %sub3A_48 : i32
    %select_n3A_50 = arith.select %and3A_47, %sub3A_49, %div3A_28 : i32
    %mul3A_51 = arith.constant 128 : i32
    %mul3A_52 = arith.muli %select_n3A_50, %mul3A_51 : i32
    %sub3A_53 = arith.subi %add3A_7, %mul3A_52 : i32
    %jit3A_54 = arith.constant 128 : i32
    %div3A_55 = arith.divsi %mul3A_3, %jit3A_54 : i32
    %sign3A_56 = arith.constant 0 : i32
    %sign3A_57 = arith.cmpi sgt, %mul3A_3, %sign3A_56 : i32
    %sign3A_58 = arith.extui %sign3A_57 : i1 to i32
    %sign3A_59 = arith.constant 0 : i32
    %sign3A_60 = arith.cmpi slt, %mul3A_3, %sign3A_59 : i32
    %sign3A_61 = arith.extui %sign3A_60 : i1 to i32
    %sign3A_62 = arith.subi %sign3A_58, %sign3A_61 : i32
    %sign3A_63 = arith.constant 0 : i32
    %sign3A_64 = arith.cmpi sgt, %jit3A_54, %sign3A_63 : i32
    %sign3A_65 = arith.extui %sign3A_64 : i1 to i32
    %sign3A_66 = arith.constant 0 : i32
    %sign3A_67 = arith.cmpi slt, %jit3A_54, %sign3A_66 : i32
    %sign3A_68 = arith.extui %sign3A_67 : i1 to i32
    %sign3A_69 = arith.subi %sign3A_65, %sign3A_68 : i32
    %ne3A_70 = arith.cmpi ne, %sign3A_62, %sign3A_69 : i32
    %rem3A_71 = arith.remsi %mul3A_3, %jit3A_54 : i32
    %ne3A_72 = arith.constant 0 : i32
    %ne3A_73 = arith.cmpi ne, %rem3A_71, %ne3A_72 : i32
    %and3A_74 = arith.andi %ne3A_70, %ne3A_73 : i1
    %sub3A_75 = arith.constant 1 : i32
    %sub3A_76 = arith.subi %div3A_55, %sub3A_75 : i32
    %select_n3A_77 = arith.select %and3A_74, %sub3A_76, %div3A_55 : i32
    %mul3A_78 = arith.constant 128 : i32
    %mul3A_79 = arith.muli %select_n3A_77, %mul3A_78 : i32
    %multiple_of3A = tpu.assume_multiple %mul3A_79, 128 : i32
    %dma_start3A = tpu.memref_slice %arg3[%multiple_of3A] : memref<640000xi32, #tpu.memory_space<hbm>> -> memref<10128xi32, #tpu.memory_space<hbm>>
    %dma_start3A_80 = tpu.memref_slice %arg3[%multiple_of3A] : memref<640000xi32, #tpu.memory_space<hbm>> -> memref<10128xi32, #tpu.memory_space<hbm>>
    tpu.enqueue_dma source(%dma_start3A_80 : memref<10128xi32, #tpu.memory_space<hbm>>) target(%arg5 : memref<10128xi32, #tpu.memory_space<vmem>>) target_semaphore(%arg12 : memref<!tpu.dma_semaphore, #tpu.memory_space<semaphore_mem>>)
    %jit3A_81 = arith.constant 128 : i32
    %div3A_82 = arith.divsi %add3A_7, %jit3A_81 : i32
    %sign3A_83 = arith.constant 0 : i32
    %sign3A_84 = arith.cmpi sgt, %add3A_7, %sign3A_83 : i32
    %sign3A_85 = arith.extui %sign3A_84 : i1 to i32
    %sign3A_86 = arith.constant 0 : i32
    %sign3A_87 = arith.cmpi slt, %add3A_7, %sign3A_86 : i32
    %sign3A_88 = arith.extui %sign3A_87 : i1 to i32
    %sign3A_89 = arith.subi %sign3A_85, %sign3A_88 : i32
    %sign3A_90 = arith.constant 0 : i32
    %sign3A_91 = arith.cmpi sgt, %jit3A_81, %sign3A_90 : i32
    %sign3A_92 = arith.extui %sign3A_91 : i1 to i32
    %sign3A_93 = arith.constant 0 : i32
    %sign3A_94 = arith.cmpi slt, %jit3A_81, %sign3A_93 : i32
    %sign3A_95 = arith.extui %sign3A_94 : i1 to i32
    %sign3A_96 = arith.subi %sign3A_92, %sign3A_95 : i32
    %ne3A_97 = arith.cmpi ne, %sign3A_89, %sign3A_96 : i32
    %rem3A_98 = arith.remsi %add3A_7, %jit3A_81 : i32
    %ne3A_99 = arith.constant 0 : i32
    %ne3A_100 = arith.cmpi ne, %rem3A_98, %ne3A_99 : i32
    %and3A_101 = arith.andi %ne3A_97, %ne3A_100 : i1
    %sub3A_102 = arith.constant 1 : i32
    %sub3A_103 = arith.subi %div3A_82, %sub3A_102 : i32
    %select_n3A_104 = arith.select %and3A_101, %sub3A_103, %div3A_82 : i32
    %mul3A_105 = arith.constant 128 : i32
    %mul3A_106 = arith.muli %select_n3A_104, %mul3A_105 : i32
    %multiple_of3A_107 = tpu.assume_multiple %mul3A_106, 128 : i32
    %dma_start3A_108 = tpu.memref_slice %arg3[%multiple_of3A_107] : memref<640000xi32, #tpu.memory_space<hbm>> -> memref<10128xi32, #tpu.memory_space<hbm>>
    %dma_start3A_109 = tpu.memref_slice %arg3[%multiple_of3A_107] : memref<640000xi32, #tpu.memory_space<hbm>> -> memref<10128xi32, #tpu.memory_space<hbm>>
    tpu.enqueue_dma source(%dma_start3A_109 : memref<10128xi32, #tpu.memory_space<hbm>>) target(%arg6 : memref<10128xi32, #tpu.memory_space<vmem>>) target_semaphore(%arg13 : memref<!tpu.dma_semaphore, #tpu.memory_space<semaphore_mem>>)
    %mul3A_110 = arith.constant 632 : i32
    %mul3A_111 = arith.muli %arg1, %mul3A_110 : i32
    "tpu.region"() ({
      %run_scoped3A = tpu.sem_alloc : memref<!tpu.dma_semaphore, #tpu.memory_space<semaphore_mem>>
      %dma_start3A_304 = arith.constant 0 : i32
      %dma_start3A_305 = tpu.memref_slice %arg2[%mul3A_111, %dma_start3A_304] : memref<10112x16xf32, #tpu.memory_space<hbm>> -> memref<632x16xf32, #tpu.memory_space<hbm>>
      %dma_start3A_306 = arith.constant 0 : i32
      %dma_start3A_307 = tpu.memref_slice %arg2[%mul3A_111, %dma_start3A_306] : memref<10112x16xf32, #tpu.memory_space<hbm>> -> memref<632x16xf32, #tpu.memory_space<hbm>>
      tpu.enqueue_dma source(%dma_start3A_307 : memref<632x16xf32, #tpu.memory_space<hbm>>) target(%arg9 : memref<632x16xf32, #tpu.memory_space<vmem>>) target_semaphore(%run_scoped3A : memref<!tpu.dma_semaphore, #tpu.memory_space<semaphore_mem>>)
      %dma_wait3A_308 = arith.constant 0 : i32
      %dma_wait3A_309 = tpu.memref_slice %arg2[%mul3A_111, %dma_wait3A_308] : memref<10112x16xf32, #tpu.memory_space<hbm>> -> memref<632x16xf32, #tpu.memory_space<hbm>>
      %dma_wait3A_310 = arith.constant 0 : i32
      %dma_wait3A_311 = tpu.memref_slice %arg2[%mul3A_111, %dma_wait3A_310] : memref<10112x16xf32, #tpu.memory_space<hbm>> -> memref<632x16xf32, #tpu.memory_space<hbm>>
      tpu.wait_dma2 semaphore(%run_scoped3A : memref<!tpu.dma_semaphore, #tpu.memory_space<semaphore_mem>>) src(%dma_wait3A_311 : memref<632x16xf32, #tpu.memory_space<hbm>>) dst(%arg9 : memref<632x16xf32, #tpu.memory_space<vmem>>)
      tpu.yield
    }) : () -> ()
    %mul3A_112 = arith.constant 632 : i32
    %mul3A_113 = arith.muli %arg1, %mul3A_112 : i32
    "tpu.region"() ({
      %run_scoped3A = tpu.sem_alloc : memref<!tpu.dma_semaphore, #tpu.memory_space<semaphore_mem>>
      %dma_start3A_304 = arith.constant 0 : i32
      %dma_start3A_305 = tpu.memref_slice %arg11[%mul3A_113, %dma_start3A_304] : memref<10112x16xf32, #tpu.memory_space<vmem_shared>> -> memref<632x16xf32, #tpu.memory_space<vmem_shared>>
      %dma_start3A_306 = arith.constant 0 : i32
      %dma_start3A_307 = tpu.memref_slice %arg11[%mul3A_113, %dma_start3A_306] : memref<10112x16xf32, #tpu.memory_space<vmem_shared>> -> memref<632x16xf32, #tpu.memory_space<vmem_shared>>
      tpu.enqueue_dma source(%arg9 : memref<632x16xf32, #tpu.memory_space<vmem>>) target(%dma_start3A_307 : memref<632x16xf32, #tpu.memory_space<vmem_shared>>) target_semaphore(%run_scoped3A : memref<!tpu.dma_semaphore, #tpu.memory_space<semaphore_mem>>)
      %dma_wait3A_308 = arith.constant 0 : i32
      %dma_wait3A_309 = tpu.memref_slice %arg11[%mul3A_113, %dma_wait3A_308] : memref<10112x16xf32, #tpu.memory_space<vmem_shared>> -> memref<632x16xf32, #tpu.memory_space<vmem_shared>>
      %dma_wait3A_310 = arith.constant 0 : i32
      %dma_wait3A_311 = tpu.memref_slice %arg11[%mul3A_113, %dma_wait3A_310] : memref<10112x16xf32, #tpu.memory_space<vmem_shared>> -> memref<632x16xf32, #tpu.memory_space<vmem_shared>>
      tpu.wait_dma2 semaphore(%run_scoped3A : memref<!tpu.dma_semaphore, #tpu.memory_space<semaphore_mem>>) src(%arg9 : memref<632x16xf32, #tpu.memory_space<vmem>>) dst(%dma_wait3A_311 : memref<632x16xf32, #tpu.memory_space<vmem_shared>>)
      tpu.yield
    }) : () -> ()
    %scan3A = arith.constant 0 : i32
    %scan3A_114 = arith.constant 0 : i32
    %scan3A_115 = arith.constant 79 : i32
    %scan3A_116 = arith.addi %scan3A_114, %scan3A_115 : i32
    %scan3A_117 = arith.constant 1 : i32
    %scan3A_118 = scf.for %scan3A_304 = %scan3A_114 to %scan3A_116 step %scan3A_117 iter_args(%scan3A_305 = %scan3A) -> (i32)  : i32 {
      %mul3A_306 = arith.constant 8 : i32
      %mul3A_307 = arith.muli %scan3A_304, %mul3A_306 : i32
      %add3A_308 = arith.constant 0 : i32
      %add3A_309 = arith.addi %mul3A_307, %add3A_308 : i32
      %swap3A = arith.index_cast %add3A_309 : i32 to index
      %swap3A_310 = arith.constant 0 : index
      %swap3A_311 = tpu.vector_load %arg9[%swap3A, %swap3A_310] {strides = array<i32>} : memref<632x16xf32, #tpu.memory_space<vmem>>, vector<1x16xf32>,
      %swap3A_312 = vector.shape_cast %swap3A_311 : vector<1x16xf32> to vector<16xf32>
      %swap3A_313 = vector.shape_cast %broadcast_in_dim3A_1 : vector<16xf32> to vector<1x16xf32>
      tpu.vector_store %arg9[%swap3A, %swap3A_310], %swap3A_313 {strides = array<i32>} : memref<632x16xf32, #tpu.memory_space<vmem>>, vector<1x16xf32>,
      %mul3A_314 = arith.constant 8 : i32
      %mul3A_315 = arith.muli %scan3A_304, %mul3A_314 : i32
      %add3A_316 = arith.constant 1 : i32
      %add3A_317 = arith.addi %mul3A_315, %add3A_316 : i32
      %swap3A_318 = arith.index_cast %add3A_317 : i32 to index
      %swap3A_319 = arith.constant 0 : index
      %swap3A_320 = tpu.vector_load %arg9[%swap3A_318, %swap3A_319] {strides = array<i32>} : memref<632x16xf32, #tpu.memory_space<vmem>>, vector<1x16xf32>,
      %swap3A_321 = vector.shape_cast %swap3A_320 : vector<1x16xf32> to vector<16xf32>
      %swap3A_322 = vector.shape_cast %broadcast_in_dim3A_1 : vector<16xf32> to vector<1x16xf32>
      tpu.vector_store %arg9[%swap3A_318, %swap3A_319], %swap3A_322 {strides = array<i32>} : memref<632x16xf32, #tpu.memory_space<vmem>>, vector<1x16xf32>,
      %mul3A_323 = arith.constant 8 : i32
      %mul3A_324 = arith.muli %scan3A_304, %mul3A_323 : i32
      %add3A_325 = arith.constant 2 : i32
      %add3A_326 = arith.addi %mul3A_324, %add3A_325 : i32
      %swap3A_327 = arith.index_cast %add3A_326 : i32 to index
      %swap3A_328 = arith.constant 0 : index
      %swap3A_329 = tpu.vector_load %arg9[%swap3A_327, %swap3A_328] {strides = array<i32>} : memref<632x16xf32, #tpu.memory_space<vmem>>, vector<1x16xf32>,
      %swap3A_330 = vector.shape_cast %swap3A_329 : vector<1x16xf32> to vector<16xf32>
      %swap3A_331 = vector.shape_cast %broadcast_in_dim3A_1 : vector<16xf32> to vector<1x16xf32>
      tpu.vector_store %arg9[%swap3A_327, %swap3A_328], %swap3A_331 {strides = array<i32>} : memref<632x16xf32, #tpu.memory_space<vmem>>, vector<1x16xf32>,
      %mul3A_332 = arith.constant 8 : i32
      %mul3A_333 = arith.muli %scan3A_304, %mul3A_332 : i32
      %add3A_334 = arith.constant 3 : i32
      %add3A_335 = arith.addi %mul3A_333, %add3A_334 : i32
      %swap3A_336 = arith.index_cast %add3A_335 : i32 to index
      %swap3A_337 = arith.constant 0 : index
      %swap3A_338 = tpu.vector_load %arg9[%swap3A_336, %swap3A_337] {strides = array<i32>} : memref<632x16xf32, #tpu.memory_space<vmem>>, vector<1x16xf32>,
      %swap3A_339 = vector.shape_cast %swap3A_338 : vector<1x16xf32> to vector<16xf32>
      %swap3A_340 = vector.shape_cast %broadcast_in_dim3A_1 : vector<16xf32> to vector<1x16xf32>
      tpu.vector_store %arg9[%swap3A_336, %swap3A_337], %swap3A_340 {strides = array<i32>} : memref<632x16xf32, #tpu.memory_space<vmem>>, vector<1x16xf32>,
      %mul3A_341 = arith.constant 8 : i32
      %mul3A_342 = arith.muli %scan3A_304, %mul3A_341 : i32
      %add3A_343 = arith.constant 4 : i32
      %add3A_344 = arith.addi %mul3A_342, %add3A_343 : i32
      %swap3A_345 = arith.index_cast %add3A_344 : i32 to index
      %swap3A_346 = arith.constant 0 : index
      %swap3A_347 = tpu.vector_load %arg9[%swap3A_345, %swap3A_346] {strides = array<i32>} : memref<632x16xf32, #tpu.memory_space<vmem>>, vector<1x16xf32>,
      %swap3A_348 = vector.shape_cast %swap3A_347 : vector<1x16xf32> to vector<16xf32>
      %swap3A_349 = vector.shape_cast %broadcast_in_dim3A_1 : vector<16xf32> to vector<1x16xf32>
      tpu.vector_store %arg9[%swap3A_345, %swap3A_346], %swap3A_349 {strides = array<i32>} : memref<632x16xf32, #tpu.memory_space<vmem>>, vector<1x16xf32>,
      %mul3A_350 = arith.constant 8 : i32
      %mul3A_351 = arith.muli %scan3A_304, %mul3A_350 : i32
      %add3A_352 = arith.constant 5 : i32
      %add3A_353 = arith.addi %mul3A_351, %add3A_352 : i32
      %swap3A_354 = arith.index_cast %add3A_353 : i32 to index
      %swap3A_355 = arith.constant 0 : index
      %swap3A_356 = tpu.vector_load %arg9[%swap3A_354, %swap3A_355] {strides = array<i32>} : memref<632x16xf32, #tpu.memory_space<vmem>>, vector<1x16xf32>,
      %swap3A_357 = vector.shape_cast %swap3A_356 : vector<1x16xf32> to vector<16xf32>
      %swap3A_358 = vector.shape_cast %broadcast_in_dim3A_1 : vector<16xf32> to vector<1x16xf32>
      tpu.vector_store %arg9[%swap3A_354, %swap3A_355], %swap3A_358 {strides = array<i32>} : memref<632x16xf32, #tpu.memory_space<vmem>>, vector<1x16xf32>,
      %mul3A_359 = arith.constant 8 : i32
      %mul3A_360 = arith.muli %scan3A_304, %mul3A_359 : i32
      %add3A_361 = arith.constant 6 : i32
      %add3A_362 = arith.addi %mul3A_360, %add3A_361 : i32
      %swap3A_363 = arith.index_cast %add3A_362 : i32 to index
      %swap3A_364 = arith.constant 0 : index
      %swap3A_365 = tpu.vector_load %arg9[%swap3A_363, %swap3A_364] {strides = array<i32>} : memref<632x16xf32, #tpu.memory_space<vmem>>, vector<1x16xf32>,
      %swap3A_366 = vector.shape_cast %swap3A_365 : vector<1x16xf32> to vector<16xf32>
      %swap3A_367 = vector.shape_cast %broadcast_in_dim3A_1 : vector<16xf32> to vector<1x16xf32>
      tpu.vector_store %arg9[%swap3A_363, %swap3A_364], %swap3A_367 {strides = array<i32>} : memref<632x16xf32, #tpu.memory_space<vmem>>, vector<1x16xf32>,
      %mul3A_368 = arith.constant 8 : i32
      %mul3A_369 = arith.muli %scan3A_304, %mul3A_368 : i32
      %add3A_370 = arith.constant 7 : i32
      %add3A_371 = arith.addi %mul3A_369, %add3A_370 : i32
      %swap3A_372 = arith.index_cast %add3A_371 : i32 to index
      %swap3A_373 = arith.constant 0 : index
      %swap3A_374 = tpu.vector_load %arg9[%swap3A_372, %swap3A_373] {strides = array<i32>} : memref<632x16xf32, #tpu.memory_space<vmem>>, vector<1x16xf32>,
      %swap3A_375 = vector.shape_cast %swap3A_374 : vector<1x16xf32> to vector<16xf32>
      %swap3A_376 = vector.shape_cast %broadcast_in_dim3A_1 : vector<16xf32> to vector<1x16xf32>
      tpu.vector_store %arg9[%swap3A_372, %swap3A_373], %swap3A_376 {strides = array<i32>} : memref<632x16xf32, #tpu.memory_space<vmem>>, vector<1x16xf32>,
      %scan3A_377 = arith.constant 0 : i32
      scf.yield %scan3A_377 : i32
    }
    %scan3A_119 = arith.constant 79 : i32
    %mul3A_120 = arith.constant 632 : i32
    %mul3A_121 = arith.muli %arg1, %mul3A_120 : i32
    "tpu.region"() ({
      %run_scoped3A = tpu.sem_alloc : memref<!tpu.dma_semaphore, #tpu.memory_space<semaphore_mem>>
      %dma_start3A_304 = arith.constant 0 : i32
      %dma_start3A_305 = tpu.memref_slice %arg10[%mul3A_121, %dma_start3A_304] : memref<10112x16xf32, #tpu.memory_space<vmem_shared>> -> memref<632x16xf32, #tpu.memory_space<vmem_shared>>
      %dma_start3A_306 = arith.constant 0 : i32
      %dma_start3A_307 = tpu.memref_slice %arg10[%mul3A_121, %dma_start3A_306] : memref<10112x16xf32, #tpu.memory_space<vmem_shared>> -> memref<632x16xf32, #tpu.memory_space<vmem_shared>>
      tpu.enqueue_dma source(%arg9 : memref<632x16xf32, #tpu.memory_space<vmem>>) target(%dma_start3A_307 : memref<632x16xf32, #tpu.memory_space<vmem_shared>>) target_semaphore(%run_scoped3A : memref<!tpu.dma_semaphore, #tpu.memory_space<semaphore_mem>>)
      %dma_wait3A_308 = arith.constant 0 : i32
      %dma_wait3A_309 = tpu.memref_slice %arg10[%mul3A_121, %dma_wait3A_308] : memref<10112x16xf32, #tpu.memory_space<vmem_shared>> -> memref<632x16xf32, #tpu.memory_space<vmem_shared>>
      %dma_wait3A_310 = arith.constant 0 : i32
      %dma_wait3A_311 = tpu.memref_slice %arg10[%mul3A_121, %dma_wait3A_310] : memref<10112x16xf32, #tpu.memory_space<vmem_shared>> -> memref<632x16xf32, #tpu.memory_space<vmem_shared>>
      tpu.wait_dma2 semaphore(%run_scoped3A : memref<!tpu.dma_semaphore, #tpu.memory_space<semaphore_mem>>) src(%arg9 : memref<632x16xf32, #tpu.memory_space<vmem>>) dst(%dma_wait3A_311 : memref<632x16xf32, #tpu.memory_space<vmem_shared>>)
      tpu.yield
    }) : () -> ()
    %jit3A_122 = arith.constant 128 : i32
    %div3A_123 = arith.divsi %mul3A_3, %jit3A_122 : i32
    %sign3A_124 = arith.constant 0 : i32
    %sign3A_125 = arith.cmpi sgt, %mul3A_3, %sign3A_124 : i32
    %sign3A_126 = arith.extui %sign3A_125 : i1 to i32
    %sign3A_127 = arith.constant 0 : i32
    %sign3A_128 = arith.cmpi slt, %mul3A_3, %sign3A_127 : i32
    %sign3A_129 = arith.extui %sign3A_128 : i1 to i32
    %sign3A_130 = arith.subi %sign3A_126, %sign3A_129 : i32
    %sign3A_131 = arith.constant 0 : i32
    %sign3A_132 = arith.cmpi sgt, %jit3A_122, %sign3A_131 : i32
    %sign3A_133 = arith.extui %sign3A_132 : i1 to i32
    %sign3A_134 = arith.constant 0 : i32
    %sign3A_135 = arith.cmpi slt, %jit3A_122, %sign3A_134 : i32
    %sign3A_136 = arith.extui %sign3A_135 : i1 to i32
    %sign3A_137 = arith.subi %sign3A_133, %sign3A_136 : i32
    %ne3A_138 = arith.cmpi ne, %sign3A_130, %sign3A_137 : i32
    %rem3A_139 = arith.remsi %mul3A_3, %jit3A_122 : i32
    %ne3A_140 = arith.constant 0 : i32
    %ne3A_141 = arith.cmpi ne, %rem3A_139, %ne3A_140 : i32
    %and3A_142 = arith.andi %ne3A_138, %ne3A_141 : i1
    %sub3A_143 = arith.constant 1 : i32
    %sub3A_144 = arith.subi %div3A_123, %sub3A_143 : i32
    %select_n3A_145 = arith.select %and3A_142, %sub3A_144, %div3A_123 : i32
    %mul3A_146 = arith.constant 128 : i32
    %mul3A_147 = arith.muli %select_n3A_145, %mul3A_146 : i32
    %multiple_of3A_148 = tpu.assume_multiple %mul3A_147, 128 : i32
    %dma_wait3A = tpu.memref_slice %arg3[%multiple_of3A_148] : memref<640000xi32, #tpu.memory_space<hbm>> -> memref<10128xi32, #tpu.memory_space<hbm>>
    %dma_wait3A_149 = tpu.memref_slice %arg3[%multiple_of3A_148] : memref<640000xi32, #tpu.memory_space<hbm>> -> memref<10128xi32, #tpu.memory_space<hbm>>
    tpu.wait_dma2 semaphore(%arg12 : memref<!tpu.dma_semaphore, #tpu.memory_space<semaphore_mem>>) src(%dma_wait3A_149 : memref<10128xi32, #tpu.memory_space<hbm>>) dst(%arg5 : memref<10128xi32, #tpu.memory_space<vmem>>)
    %jit3A_150 = arith.constant 128 : i32
    %div3A_151 = arith.divsi %add3A_7, %jit3A_150 : i32
    %sign3A_152 = arith.constant 0 : i32
    %sign3A_153 = arith.cmpi sgt, %add3A_7, %sign3A_152 : i32
    %sign3A_154 = arith.extui %sign3A_153 : i1 to i32
    %sign3A_155 = arith.constant 0 : i32
    %sign3A_156 = arith.cmpi slt, %add3A_7, %sign3A_155 : i32
    %sign3A_157 = arith.extui %sign3A_156 : i1 to i32
    %sign3A_158 = arith.subi %sign3A_154, %sign3A_157 : i32
    %sign3A_159 = arith.constant 0 : i32
    %sign3A_160 = arith.cmpi sgt, %jit3A_150, %sign3A_159 : i32
    %sign3A_161 = arith.extui %sign3A_160 : i1 to i32
    %sign3A_162 = arith.constant 0 : i32
    %sign3A_163 = arith.cmpi slt, %jit3A_150, %sign3A_162 : i32
    %sign3A_164 = arith.extui %sign3A_163 : i1 to i32
    %sign3A_165 = arith.subi %sign3A_161, %sign3A_164 : i32
    %ne3A_166 = arith.cmpi ne, %sign3A_158, %sign3A_165 : i32
    %rem3A_167 = arith.remsi %add3A_7, %jit3A_150 : i32
    %ne3A_168 = arith.constant 0 : i32
    %ne3A_169 = arith.cmpi ne, %rem3A_167, %ne3A_168 : i32
    %and3A_170 = arith.andi %ne3A_166, %ne3A_169 : i1
    %sub3A_171 = arith.constant 1 : i32
    %sub3A_172 = arith.subi %div3A_151, %sub3A_171 : i32
    %select_n3A_173 = arith.select %and3A_170, %sub3A_172, %div3A_151 : i32
    %mul3A_174 = arith.constant 128 : i32
    %mul3A_175 = arith.muli %select_n3A_173, %mul3A_174 : i32
    %multiple_of3A_176 = tpu.assume_multiple %mul3A_175, 128 : i32
    %dma_wait3A_177 = tpu.memref_slice %arg3[%multiple_of3A_176] : memref<640000xi32, #tpu.memory_space<hbm>> -> memref<10128xi32, #tpu.memory_space<hbm>>
    %dma_wait3A_178 = tpu.memref_slice %arg3[%multiple_of3A_176] : memref<640000xi32, #tpu.memory_space<hbm>> -> memref<10128xi32, #tpu.memory_space<hbm>>
    tpu.wait_dma2 semaphore(%arg13 : memref<!tpu.dma_semaphore, #tpu.memory_space<semaphore_mem>>) src(%dma_wait3A_178 : memref<10128xi32, #tpu.memory_space<hbm>>) dst(%arg6 : memref<10128xi32, #tpu.memory_space<vmem>>)
    %barrier3A = arith.constant 0 : index
    tpu.barrier barrier_id(%barrier3A)
    %add3A_179 = arith.constant 0 : i32
    %add3A_180 = arith.addi %sub3A_26, %add3A_179 : i32
    %dma_start3A_181 = tpu.memref_slice %arg5[%add3A_180] : memref<10128xi32, #tpu.memory_space<vmem>> -> memref<2000xi32, #tpu.memory_space<vmem>>
    %dma_start3A_182 = arith.constant 0 : i32
    %dma_start3A_183 = arith.constant 0 : i32
    %dma_start3A_184 = tpu.memref_slice %arg11[%dma_start3A_182, %dma_start3A_183] : memref<10112x16xf32, #tpu.memory_space<vmem_shared>> -> memref<10112x16xf32, #tpu.memory_space<vmem_shared>>
    tpu.enqueue_indirect_dma source(%dma_start3A_184 : memref<10112x16xf32, #tpu.memory_space<vmem_shared>>) target(%arg7 : memref<2000x16xf32, #tpu.memory_space<vmem>>) offsets(%dma_start3A_181 : memref<2000xi32, #tpu.memory_space<vmem>>) semaphore(%arg12 : memref<!tpu.dma_semaphore, #tpu.memory_space<semaphore_mem>>)
    %add3A_185 = arith.constant 0 : i32
    %add3A_186 = arith.addi %sub3A_26, %add3A_185 : i32
    %dma_wait3A_187 = tpu.memref_slice %arg5[%add3A_186] : memref<10128xi32, #tpu.memory_space<vmem>> -> memref<2000xi32, #tpu.memory_space<vmem>>
    %dma_wait3A_188 = arith.constant 0 : i32
    %dma_wait3A_189 = arith.constant 0 : i32
    %dma_wait3A_190 = tpu.memref_slice %arg11[%dma_wait3A_188, %dma_wait3A_189] : memref<10112x16xf32, #tpu.memory_space<vmem_shared>> -> memref<10112x16xf32, #tpu.memory_space<vmem_shared>>
    tpu.wait_indirect_dma semaphore(%arg12 : memref<!tpu.dma_semaphore, #tpu.memory_space<semaphore_mem>>) src(%dma_wait3A_190 : memref<10112x16xf32, #tpu.memory_space<vmem_shared>>) dst(%arg7 : memref<2000x16xf32, #tpu.memory_space<vmem>>)
    %add3A_191 = arith.constant 2000 : i32
    %add3A_192 = arith.addi %sub3A_26, %add3A_191 : i32
    %dma_start3A_193 = tpu.memref_slice %arg5[%add3A_192] : memref<10128xi32, #tpu.memory_space<vmem>> -> memref<2000xi32, #tpu.memory_space<vmem>>
    %dma_start3A_194 = arith.constant 0 : i32
    %dma_start3A_195 = arith.constant 0 : i32
    %dma_start3A_196 = tpu.memref_slice %arg11[%dma_start3A_194, %dma_start3A_195] : memref<10112x16xf32, #tpu.memory_space<vmem_shared>> -> memref<10112x16xf32, #tpu.memory_space<vmem_shared>>
    tpu.enqueue_indirect_dma source(%dma_start3A_196 : memref<10112x16xf32, #tpu.memory_space<vmem_shared>>) target(%arg8 : memref<2000x16xf32, #tpu.memory_space<vmem>>) offsets(%dma_start3A_193 : memref<2000xi32, #tpu.memory_space<vmem>>) semaphore(%arg13 : memref<!tpu.dma_semaphore, #tpu.memory_space<semaphore_mem>>)
    %add3A_197 = arith.constant 0 : i32
    %add3A_198 = arith.addi %sub3A_53, %add3A_197 : i32
    %dma_start3A_199 = tpu.memref_slice %arg6[%add3A_198] : memref<10128xi32, #tpu.memory_space<vmem>> -> memref<2000xi32, #tpu.memory_space<vmem>>
    %dma_start3A_200 = arith.constant 0 : i32
    %dma_start3A_201 = arith.constant 0 : i32
    %dma_start3A_202 = tpu.memref_slice %arg10[%dma_start3A_200, %dma_start3A_201] : memref<10112x16xf32, #tpu.memory_space<vmem_shared>> -> memref<10112x16xf32, #tpu.memory_space<vmem_shared>>
    tpu.enqueue_indirect_dma source(%arg7 : memref<2000x16xf32, #tpu.memory_space<vmem>>) target(%dma_start3A_202 : memref<10112x16xf32, #tpu.memory_space<vmem_shared>>) offsets(%dma_start3A_199 : memref<2000xi32, #tpu.memory_space<vmem>>) semaphore(%arg14 : memref<!tpu.dma_semaphore, #tpu.memory_space<semaphore_mem>>) {add = true}
    %add3A_203 = arith.constant 2000 : i32
    %add3A_204 = arith.addi %sub3A_26, %add3A_203 : i32
    %dma_wait3A_205 = tpu.memref_slice %arg5[%add3A_204] : memref<10128xi32, #tpu.memory_space<vmem>> -> memref<2000xi32, #tpu.memory_space<vmem>>
    %dma_wait3A_206 = arith.constant 0 : i32
    %dma_wait3A_207 = arith.constant 0 : i32
    %dma_wait3A_208 = tpu.memref_slice %arg11[%dma_wait3A_206, %dma_wait3A_207] : memref<10112x16xf32, #tpu.memory_space<vmem_shared>> -> memref<10112x16xf32, #tpu.memory_space<vmem_shared>>
    tpu.wait_indirect_dma semaphore(%arg13 : memref<!tpu.dma_semaphore, #tpu.memory_space<semaphore_mem>>) src(%dma_wait3A_208 : memref<10112x16xf32, #tpu.memory_space<vmem_shared>>) dst(%arg8 : memref<2000x16xf32, #tpu.memory_space<vmem>>)
    %add3A_209 = arith.constant 0 : i32
    %add3A_210 = arith.addi %sub3A_53, %add3A_209 : i32
    %dma_wait3A_211 = tpu.memref_slice %arg6[%add3A_210] : memref<10128xi32, #tpu.memory_space<vmem>> -> memref<2000xi32, #tpu.memory_space<vmem>>
    %dma_wait3A_212 = arith.constant 0 : i32
    %dma_wait3A_213 = arith.constant 0 : i32
    %dma_wait3A_214 = tpu.memref_slice %arg10[%dma_wait3A_212, %dma_wait3A_213] : memref<10112x16xf32, #tpu.memory_space<vmem_shared>> -> memref<10112x16xf32, #tpu.memory_space<vmem_shared>>
    tpu.wait_indirect_dma semaphore(%arg14 : memref<!tpu.dma_semaphore, #tpu.memory_space<semaphore_mem>>) src(%arg7 : memref<2000x16xf32, #tpu.memory_space<vmem>>) dst(%dma_wait3A_214 : memref<10112x16xf32, #tpu.memory_space<vmem_shared>>)
    %add3A_215 = arith.constant 4000 : i32
    %add3A_216 = arith.addi %sub3A_26, %add3A_215 : i32
    %dma_start3A_217 = tpu.memref_slice %arg5[%add3A_216] : memref<10128xi32, #tpu.memory_space<vmem>> -> memref<2000xi32, #tpu.memory_space<vmem>>
    %dma_start3A_218 = arith.constant 0 : i32
    %dma_start3A_219 = arith.constant 0 : i32
    %dma_start3A_220 = tpu.memref_slice %arg11[%dma_start3A_218, %dma_start3A_219] : memref<10112x16xf32, #tpu.memory_space<vmem_shared>> -> memref<10112x16xf32, #tpu.memory_space<vmem_shared>>
    tpu.enqueue_indirect_dma source(%dma_start3A_220 : memref<10112x16xf32, #tpu.memory_space<vmem_shared>>) target(%arg7 : memref<2000x16xf32, #tpu.memory_space<vmem>>) offsets(%dma_start3A_217 : memref<2000xi32, #tpu.memory_space<vmem>>) semaphore(%arg12 : memref<!tpu.dma_semaphore, #tpu.memory_space<semaphore_mem>>)
    %add3A_221 = arith.constant 2000 : i32
    %add3A_222 = arith.addi %sub3A_53, %add3A_221 : i32
    %dma_start3A_223 = tpu.memref_slice %arg6[%add3A_222] : memref<10128xi32, #tpu.memory_space<vmem>> -> memref<2000xi32, #tpu.memory_space<vmem>>
    %dma_start3A_224 = arith.constant 0 : i32
    %dma_start3A_225 = arith.constant 0 : i32
    %dma_start3A_226 = tpu.memref_slice %arg10[%dma_start3A_224, %dma_start3A_225] : memref<10112x16xf32, #tpu.memory_space<vmem_shared>> -> memref<10112x16xf32, #tpu.memory_space<vmem_shared>>
    tpu.enqueue_indirect_dma source(%arg8 : memref<2000x16xf32, #tpu.memory_space<vmem>>) target(%dma_start3A_226 : memref<10112x16xf32, #tpu.memory_space<vmem_shared>>) offsets(%dma_start3A_223 : memref<2000xi32, #tpu.memory_space<vmem>>) semaphore(%arg15 : memref<!tpu.dma_semaphore, #tpu.memory_space<semaphore_mem>>) {add = true}
    %add3A_227 = arith.constant 4000 : i32
    %add3A_228 = arith.addi %sub3A_26, %add3A_227 : i32
    %dma_wait3A_229 = tpu.memref_slice %arg5[%add3A_228] : memref<10128xi32, #tpu.memory_space<vmem>> -> memref<2000xi32, #tpu.memory_space<vmem>>
    %dma_wait3A_230 = arith.constant 0 : i32
    %dma_wait3A_231 = arith.constant 0 : i32
    %dma_wait3A_232 = tpu.memref_slice %arg11[%dma_wait3A_230, %dma_wait3A_231] : memref<10112x16xf32, #tpu.memory_space<vmem_shared>> -> memref<10112x16xf32, #tpu.memory_space<vmem_shared>>
    tpu.wait_indirect_dma semaphore(%arg12 : memref<!tpu.dma_semaphore, #tpu.memory_space<semaphore_mem>>) src(%dma_wait3A_232 : memref<10112x16xf32, #tpu.memory_space<vmem_shared>>) dst(%arg7 : memref<2000x16xf32, #tpu.memory_space<vmem>>)
    %add3A_233 = arith.constant 2000 : i32
    %add3A_234 = arith.addi %sub3A_53, %add3A_233 : i32
    %dma_wait3A_235 = tpu.memref_slice %arg6[%add3A_234] : memref<10128xi32, #tpu.memory_space<vmem>> -> memref<2000xi32, #tpu.memory_space<vmem>>
    %dma_wait3A_236 = arith.constant 0 : i32
    %dma_wait3A_237 = arith.constant 0 : i32
    %dma_wait3A_238 = tpu.memref_slice %arg10[%dma_wait3A_236, %dma_wait3A_237] : memref<10112x16xf32, #tpu.memory_space<vmem_shared>> -> memref<10112x16xf32, #tpu.memory_space<vmem_shared>>
    tpu.wait_indirect_dma semaphore(%arg15 : memref<!tpu.dma_semaphore, #tpu.memory_space<semaphore_mem>>) src(%arg8 : memref<2000x16xf32, #tpu.memory_space<vmem>>) dst(%dma_wait3A_238 : memref<10112x16xf32, #tpu.memory_space<vmem_shared>>)
    %add3A_239 = arith.constant 6000 : i32
    %add3A_240 = arith.addi %sub3A_26, %add3A_239 : i32
    %dma_start3A_241 = tpu.memref_slice %arg5[%add3A_240] : memref<10128xi32, #tpu.memory_space<vmem>> -> memref<2000xi32, #tpu.memory_space<vmem>>
    %dma_start3A_242 = arith.constant 0 : i32
    %dma_start3A_243 = arith.constant 0 : i32
    %dma_start3A_244 = tpu.memref_slice %arg11[%dma_start3A_242, %dma_start3A_243] : memref<10112x16xf32, #tpu.memory_space<vmem_shared>> -> memref<10112x16xf32, #tpu.memory_space<vmem_shared>>
    tpu.enqueue_indirect_dma source(%dma_start3A_244 : memref<10112x16xf32, #tpu.memory_space<vmem_shared>>) target(%arg8 : memref<2000x16xf32, #tpu.memory_space<vmem>>) offsets(%dma_start3A_241 : memref<2000xi32, #tpu.memory_space<vmem>>) semaphore(%arg13 : memref<!tpu.dma_semaphore, #tpu.memory_space<semaphore_mem>>)
    %add3A_245 = arith.constant 4000 : i32
    %add3A_246 = arith.addi %sub3A_53, %add3A_245 : i32
    %dma_start3A_247 = tpu.memref_slice %arg6[%add3A_246] : memref<10128xi32, #tpu.memory_space<vmem>> -> memref<2000xi32, #tpu.memory_space<vmem>>
    %dma_start3A_248 = arith.constant 0 : i32
    %dma_start3A_249 = arith.constant 0 : i32
    %dma_start3A_250 = tpu.memref_slice %arg10[%dma_start3A_248, %dma_start3A_249] : memref<10112x16xf32, #tpu.memory_space<vmem_shared>> -> memref<10112x16xf32, #tpu.memory_space<vmem_shared>>
    tpu.enqueue_indirect_dma source(%arg7 : memref<2000x16xf32, #tpu.memory_space<vmem>>) target(%dma_start3A_250 : memref<10112x16xf32, #tpu.memory_space<vmem_shared>>) offsets(%dma_start3A_247 : memref<2000xi32, #tpu.memory_space<vmem>>) semaphore(%arg14 : memref<!tpu.dma_semaphore, #tpu.memory_space<semaphore_mem>>) {add = true}
    %add3A_251 = arith.constant 6000 : i32
    %add3A_252 = arith.addi %sub3A_26, %add3A_251 : i32
    %dma_wait3A_253 = tpu.memref_slice %arg5[%add3A_252] : memref<10128xi32, #tpu.memory_space<vmem>> -> memref<2000xi32, #tpu.memory_space<vmem>>
    %dma_wait3A_254 = arith.constant 0 : i32
    %dma_wait3A_255 = arith.constant 0 : i32
    %dma_wait3A_256 = tpu.memref_slice %arg11[%dma_wait3A_254, %dma_wait3A_255] : memref<10112x16xf32, #tpu.memory_space<vmem_shared>> -> memref<10112x16xf32, #tpu.memory_space<vmem_shared>>
    tpu.wait_indirect_dma semaphore(%arg13 : memref<!tpu.dma_semaphore, #tpu.memory_space<semaphore_mem>>) src(%dma_wait3A_256 : memref<10112x16xf32, #tpu.memory_space<vmem_shared>>) dst(%arg8 : memref<2000x16xf32, #tpu.memory_space<vmem>>)
    %add3A_257 = arith.constant 4000 : i32
    %add3A_258 = arith.addi %sub3A_53, %add3A_257 : i32
    %dma_wait3A_259 = tpu.memref_slice %arg6[%add3A_258] : memref<10128xi32, #tpu.memory_space<vmem>> -> memref<2000xi32, #tpu.memory_space<vmem>>
    %dma_wait3A_260 = arith.constant 0 : i32
    %dma_wait3A_261 = arith.constant 0 : i32
    %dma_wait3A_262 = tpu.memref_slice %arg10[%dma_wait3A_260, %dma_wait3A_261] : memref<10112x16xf32, #tpu.memory_space<vmem_shared>> -> memref<10112x16xf32, #tpu.memory_space<vmem_shared>>
    tpu.wait_indirect_dma semaphore(%arg14 : memref<!tpu.dma_semaphore, #tpu.memory_space<semaphore_mem>>) src(%arg7 : memref<2000x16xf32, #tpu.memory_space<vmem>>) dst(%dma_wait3A_262 : memref<10112x16xf32, #tpu.memory_space<vmem_shared>>)
    %add3A_263 = arith.constant 8000 : i32
    %add3A_264 = arith.addi %sub3A_26, %add3A_263 : i32
    %dma_start3A_265 = tpu.memref_slice %arg5[%add3A_264] : memref<10128xi32, #tpu.memory_space<vmem>> -> memref<2000xi32, #tpu.memory_space<vmem>>
    %dma_start3A_266 = arith.constant 0 : i32
    %dma_start3A_267 = arith.constant 0 : i32
    %dma_start3A_268 = tpu.memref_slice %arg11[%dma_start3A_266, %dma_start3A_267] : memref<10112x16xf32, #tpu.memory_space<vmem_shared>> -> memref<10112x16xf32, #tpu.memory_space<vmem_shared>>
    tpu.enqueue_indirect_dma source(%dma_start3A_268 : memref<10112x16xf32, #tpu.memory_space<vmem_shared>>) target(%arg7 : memref<2000x16xf32, #tpu.memory_space<vmem>>) offsets(%dma_start3A_265 : memref<2000xi32, #tpu.memory_space<vmem>>) semaphore(%arg12 : memref<!tpu.dma_semaphore, #tpu.memory_space<semaphore_mem>>)
    %add3A_269 = arith.constant 6000 : i32
    %add3A_270 = arith.addi %sub3A_53, %add3A_269 : i32
    %dma_start3A_271 = tpu.memref_slice %arg6[%add3A_270] : memref<10128xi32, #tpu.memory_space<vmem>> -> memref<2000xi32, #tpu.memory_space<vmem>>
    %dma_start3A_272 = arith.constant 0 : i32
    %dma_start3A_273 = arith.constant 0 : i32
    %dma_start3A_274 = tpu.memref_slice %arg10[%dma_start3A_272, %dma_start3A_273] : memref<10112x16xf32, #tpu.memory_space<vmem_shared>> -> memref<10112x16xf32, #tpu.memory_space<vmem_shared>>
    tpu.enqueue_indirect_dma source(%arg8 : memref<2000x16xf32, #tpu.memory_space<vmem>>) target(%dma_start3A_274 : memref<10112x16xf32, #tpu.memory_space<vmem_shared>>) offsets(%dma_start3A_271 : memref<2000xi32, #tpu.memory_space<vmem>>) semaphore(%arg15 : memref<!tpu.dma_semaphore, #tpu.memory_space<semaphore_mem>>) {add = true}
    %add3A_275 = arith.constant 8000 : i32
    %add3A_276 = arith.addi %sub3A_26, %add3A_275 : i32
    %dma_wait3A_277 = tpu.memref_slice %arg5[%add3A_276] : memref<10128xi32, #tpu.memory_space<vmem>> -> memref<2000xi32, #tpu.memory_space<vmem>>
    %dma_wait3A_278 = arith.constant 0 : i32
    %dma_wait3A_279 = arith.constant 0 : i32
    %dma_wait3A_280 = tpu.memref_slice %arg11[%dma_wait3A_278, %dma_wait3A_279] : memref<10112x16xf32, #tpu.memory_space<vmem_shared>> -> memref<10112x16xf32, #tpu.memory_space<vmem_shared>>
    tpu.wait_indirect_dma semaphore(%arg12 : memref<!tpu.dma_semaphore, #tpu.memory_space<semaphore_mem>>) src(%dma_wait3A_280 : memref<10112x16xf32, #tpu.memory_space<vmem_shared>>) dst(%arg7 : memref<2000x16xf32, #tpu.memory_space<vmem>>)
    %add3A_281 = arith.constant 8000 : i32
    %add3A_282 = arith.addi %sub3A_53, %add3A_281 : i32
    %dma_start3A_283 = tpu.memref_slice %arg6[%add3A_282] : memref<10128xi32, #tpu.memory_space<vmem>> -> memref<2000xi32, #tpu.memory_space<vmem>>
    %dma_start3A_284 = arith.constant 0 : i32
    %dma_start3A_285 = arith.constant 0 : i32
    %dma_start3A_286 = tpu.memref_slice %arg10[%dma_start3A_284, %dma_start3A_285] : memref<10112x16xf32, #tpu.memory_space<vmem_shared>> -> memref<10112x16xf32, #tpu.memory_space<vmem_shared>>
    tpu.enqueue_indirect_dma source(%arg7 : memref<2000x16xf32, #tpu.memory_space<vmem>>) target(%dma_start3A_286 : memref<10112x16xf32, #tpu.memory_space<vmem_shared>>) offsets(%dma_start3A_283 : memref<2000xi32, #tpu.memory_space<vmem>>) semaphore(%arg14 : memref<!tpu.dma_semaphore, #tpu.memory_space<semaphore_mem>>) {add = true}
    %add3A_287 = arith.constant 6000 : i32
    %add3A_288 = arith.addi %sub3A_53, %add3A_287 : i32
    %dma_wait3A_289 = tpu.memref_slice %arg6[%add3A_288] : memref<10128xi32, #tpu.memory_space<vmem>> -> memref<2000xi32, #tpu.memory_space<vmem>>
    %dma_wait3A_290 = arith.constant 0 : i32
    %dma_wait3A_291 = arith.constant 0 : i32
    %dma_wait3A_292 = tpu.memref_slice %arg10[%dma_wait3A_290, %dma_wait3A_291] : memref<10112x16xf32, #tpu.memory_space<vmem_shared>> -> memref<10112x16xf32, #tpu.memory_space<vmem_shared>>
    tpu.wait_indirect_dma semaphore(%arg15 : memref<!tpu.dma_semaphore, #tpu.memory_space<semaphore_mem>>) src(%arg8 : memref<2000x16xf32, #tpu.memory_space<vmem>>) dst(%dma_wait3A_292 : memref<10112x16xf32, #tpu.memory_space<vmem_shared>>)
    %add3A_293 = arith.constant 8000 : i32
    %add3A_294 = arith.addi %sub3A_53, %add3A_293 : i32
    %dma_wait3A_295 = tpu.memref_slice %arg6[%add3A_294] : memref<10128xi32, #tpu.memory_space<vmem>> -> memref<2000xi32, #tpu.memory_space<vmem>>
    %dma_wait3A_296 = arith.constant 0 : i32
    %dma_wait3A_297 = arith.constant 0 : i32
    %dma_wait3A_298 = tpu.memref_slice %arg10[%dma_wait3A_296, %dma_wait3A_297] : memref<10112x16xf32, #tpu.memory_space<vmem_shared>> -> memref<10112x16xf32, #tpu.memory_space<vmem_shared>>
    tpu.wait_indirect_dma semaphore(%arg14 : memref<!tpu.dma_semaphore, #tpu.memory_space<semaphore_mem>>) src(%arg7 : memref<2000x16xf32, #tpu.memory_space<vmem>>) dst(%dma_wait3A_298 : memref<10112x16xf32, #tpu.memory_space<vmem_shared>>)
    %barrier3A_299 = arith.constant 0 : index
    tpu.barrier barrier_id(%barrier3A_299)
    %mul3A_300 = arith.constant 632 : i32
    %mul3A_301 = arith.muli %arg1, %mul3A_300 : i32
    "tpu.region"() ({
      %run_scoped3A = tpu.sem_alloc : memref<!tpu.dma_semaphore, #tpu.memory_space<semaphore_mem>>
      %dma_start3A_304 = arith.constant 0 : i32
      %dma_start3A_305 = tpu.memref_slice %arg10[%mul3A_301, %dma_start3A_304] : memref<10112x16xf32, #tpu.memory_space<vmem_shared>> -> memref<632x16xf32, #tpu.memory_space<vmem_shared>>
      %dma_start3A_306 = arith.constant 0 : i32
      %dma_start3A_307 = tpu.memref_slice %arg10[%mul3A_301, %dma_start3A_306] : memref<10112x16xf32, #tpu.memory_space<vmem_shared>> -> memref<632x16xf32, #tpu.memory_space<vmem_shared>>
      tpu.enqueue_dma source(%dma_start3A_307 : memref<632x16xf32, #tpu.memory_space<vmem_shared>>) target(%arg9 : memref<632x16xf32, #tpu.memory_space<vmem>>) target_semaphore(%run_scoped3A : memref<!tpu.dma_semaphore, #tpu.memory_space<semaphore_mem>>)
      %dma_wait3A_308 = arith.constant 0 : i32
      %dma_wait3A_309 = tpu.memref_slice %arg10[%mul3A_301, %dma_wait3A_308] : memref<10112x16xf32, #tpu.memory_space<vmem_shared>> -> memref<632x16xf32, #tpu.memory_space<vmem_shared>>
      %dma_wait3A_310 = arith.constant 0 : i32
      %dma_wait3A_311 = tpu.memref_slice %arg10[%mul3A_301, %dma_wait3A_310] : memref<10112x16xf32, #tpu.memory_space<vmem_shared>> -> memref<632x16xf32, #tpu.memory_space<vmem_shared>>
      tpu.wait_dma2 semaphore(%run_scoped3A : memref<!tpu.dma_semaphore, #tpu.memory_space<semaphore_mem>>) src(%dma_wait3A_311 : memref<632x16xf32, #tpu.memory_space<vmem_shared>>) dst(%arg9 : memref<632x16xf32, #tpu.memory_space<vmem>>)
      tpu.yield
    }) : () -> ()
    %mul3A_302 = arith.constant 632 : i32
    %mul3A_303 = arith.muli %arg1, %mul3A_302 : i32
    "tpu.region"() ({
      %run_scoped3A = tpu.sem_alloc : memref<!tpu.dma_semaphore, #tpu.memory_space<semaphore_mem>>
      %dma_start3A_304 = arith.constant 0 : i32
      %dma_start3A_305 = tpu.memref_slice %arg4[%arg0, %mul3A_303, %dma_start3A_304] : memref<2x10112x16xf32, #tpu.memory_space<hbm>> -> memref<1x632x16xf32, #tpu.memory_space<hbm>>
      %dma_start3A_306 = tpu.memref_squeeze %dma_start3A_305 : memref<1x632x16xf32, #tpu.memory_space<hbm>> -> memref<632x16xf32, #tpu.memory_space<hbm>>
      %dma_start3A_307 = arith.constant 0 : i32
      %dma_start3A_308 = tpu.memref_slice %arg4[%arg0, %mul3A_303, %dma_start3A_307] : memref<2x10112x16xf32, #tpu.memory_space<hbm>> -> memref<1x632x16xf32, #tpu.memory_space<hbm>>
      %dma_start3A_309 = tpu.memref_squeeze %dma_start3A_308 : memref<1x632x16xf32, #tpu.memory_space<hbm>> -> memref<632x16xf32, #tpu.memory_space<hbm>>
      tpu.enqueue_dma source(%arg9 : memref<632x16xf32, #tpu.memory_space<vmem>>) target(%dma_start3A_309 : memref<632x16xf32, #tpu.memory_space<hbm>>) target_semaphore(%run_scoped3A : memref<!tpu.dma_semaphore, #tpu.memory_space<semaphore_mem>>)
      %dma_wait3A_310 = arith.constant 0 : i32
      %dma_wait3A_311 = tpu.memref_slice %arg4[%arg0, %mul3A_303, %dma_wait3A_310] : memref<2x10112x16xf32, #tpu.memory_space<hbm>> -> memref<1x632x16xf32, #tpu.memory_space<hbm>>
      %dma_wait3A_312 = tpu.memref_squeeze %dma_wait3A_311 : memref<1x632x16xf32, #tpu.memory_space<hbm>> -> memref<632x16xf32, #tpu.memory_space<hbm>>
      %dma_wait3A_313 = arith.constant 0 : i32
      %dma_wait3A_314 = tpu.memref_slice %arg4[%arg0, %mul3A_303, %dma_wait3A_313] : memref<2x10112x16xf32, #tpu.memory_space<hbm>> -> memref<1x632x16xf32, #tpu.memory_space<hbm>>
      %dma_wait3A_315 = tpu.memref_squeeze %dma_wait3A_314 : memref<1x632x16xf32, #tpu.memory_space<hbm>> -> memref<632x16xf32, #tpu.memory_space<hbm>>
      tpu.wait_dma2 semaphore(%run_scoped3A : memref<!tpu.dma_semaphore, #tpu.memory_space<semaphore_mem>>) src(%arg9 : memref<632x16xf32, #tpu.memory_space<vmem>>) dst(%dma_wait3A_315 : memref<632x16xf32, #tpu.memory_space<hbm>>)
      tpu.yield
    }) : () -> ()
    return
  }
}

module attributes {stable_mosaic.version = 14 : i64} {
  func.func @_tc1a_body(%arg0: memref<10000x128xf32, #tpu.memory_space<vmem>>, %arg1: memref<128x16xf32, #tpu.memory_space<vmem>>, %arg2: memref<1264x128xf32, #tpu.memory_space<vmem>>) attributes {dimension_semantics = [], scalar_prefetch = 0 : i64, scratch_operands = 0 : i64, tpu.core_type = #tpu.core_type<tc>} {
    %get3A = arith.constant 0 : index
    %get3A_0 = arith.constant 0 : index
    %get3A_1 = vector.load %arg0[%get3A, %get3A_0] : memref<10000x128xf32, #tpu.memory_space<vmem>>, vector<10000x128xf32>
    %get3A_2 = arith.constant 0 : index
    %get3A_3 = arith.constant 0 : index
    %get3A_4 = vector.load %arg1[%get3A_2, %get3A_3] : memref<128x16xf32, #tpu.memory_space<vmem>>, vector<128x16xf32>
    %dot_general3A = arith.constant dense<0.000000e+00> : vector<10000x16xf32>
    %dot_general3A_5 = tpu.matmul %get3A_1, %get3A_4, %dot_general3A {dimension_numbers = #tpu.dot_dimension_numbers<[1], [0], [0], [1], [0, 0, 1, 1], [], []>, transpose_lhs_hint = false} : vector<10000x128xf32>, vector<128x16xf32>, vector<10000x16xf32> -> vector<10000x16xf32>
    %broadcast_in_dim3A = arith.constant 0.000000e+00 : f32
    %broadcast_in_dim3A_6 = vector.broadcast %broadcast_in_dim3A : f32 to vector<112x16xf32>
    %concatenate3A = tpu.concatenate %dot_general3A_5, %broadcast_in_dim3A_6 in 0 : vector<10000x16xf32>, vector<112x16xf32> -> vector<10112x16xf32>
    %reshape3A = vector.shape_cast %concatenate3A : vector<10112x16xf32> to vector<1264x8x16xf32>
    %iota3A = tpu.iota {dimensions = array<i32: 0>} : vector<16x128xi32>
    %iota3A_7 = tpu.iota {dimensions = array<i32: 1>} : vector<16x128xi32>
    %broadcast_in_dim3A_8 = arith.constant 0.000000e+00 : f32
    %broadcast_in_dim3A_9 = vector.broadcast %broadcast_in_dim3A_8 : f32 to vector<1264x128xf32>
    %add3A = arith.constant 0 : i32
    %add3A_10 = vector.broadcast %add3A : i32 to vector<16x128xi32>
    %add3A_11 = arith.addi %iota3A, %add3A_10 : vector<16x128xi32>
    %eq3A = arith.cmpi eq, %iota3A_7, %add3A_11 : vector<16x128xi32>
    %jit3A = arith.constant 1.000000e+00 : f32
    %jit3A_12 = arith.constant 0.000000e+00 : f32
    %broadcast_in_dim3A_13 = vector.broadcast %jit3A : f32 to vector<16x128xf32>
    %broadcast_in_dim3A_14 = vector.broadcast %jit3A_12 : f32 to vector<16x128xf32>
    %select_n3A = arith.select %eq3A, %broadcast_in_dim3A_13, %broadcast_in_dim3A_14 : vector<16x128xi1>, vector<16x128xf32>
    %slice3A = vector.extract_strided_slice %reshape3A {offsets = [0, 0, 0], sizes = [1264, 1, 16], strides = [1, 1, 1]} : vector<1264x8x16xf32> to vector<1264x1x16xf32>
    %squeeze3A = vector.shape_cast %slice3A : vector<1264x1x16xf32> to vector<1264x16xf32>
    %dot_general3A_15 = arith.constant dense<0.000000e+00> : vector<1264x128xf32>
    %dot_general3A_16 = tpu.matmul %squeeze3A, %select_n3A, %dot_general3A_15 {dimension_numbers = #tpu.dot_dimension_numbers<[1], [0], [0], [1], [0, 0, 1, 1], [], []>, transpose_lhs_hint = false} : vector<1264x16xf32>, vector<16x128xf32>, vector<1264x128xf32> -> vector<1264x128xf32>
    %add3A_17 = arith.addf %broadcast_in_dim3A_9, %dot_general3A_16 : vector<1264x128xf32>
    %add3A_18 = arith.constant 16 : i32
    %add3A_19 = vector.broadcast %add3A_18 : i32 to vector<16x128xi32>
    %add3A_20 = arith.addi %iota3A, %add3A_19 : vector<16x128xi32>
    %eq3A_21 = arith.cmpi eq, %iota3A_7, %add3A_20 : vector<16x128xi32>
    %jit3A_22 = arith.constant 1.000000e+00 : f32
    %jit3A_23 = arith.constant 0.000000e+00 : f32
    %broadcast_in_dim3A_24 = vector.broadcast %jit3A_22 : f32 to vector<16x128xf32>
    %broadcast_in_dim3A_25 = vector.broadcast %jit3A_23 : f32 to vector<16x128xf32>
    %select_n3A_26 = arith.select %eq3A_21, %broadcast_in_dim3A_24, %broadcast_in_dim3A_25 : vector<16x128xi1>, vector<16x128xf32>
    %slice3A_27 = vector.extract_strided_slice %reshape3A {offsets = [0, 1, 0], sizes = [1264, 1, 16], strides = [1, 1, 1]} : vector<1264x8x16xf32> to vector<1264x1x16xf32>
    %squeeze3A_28 = vector.shape_cast %slice3A_27 : vector<1264x1x16xf32> to vector<1264x16xf32>
    %dot_general3A_29 = arith.constant dense<0.000000e+00> : vector<1264x128xf32>
    %dot_general3A_30 = tpu.matmul %squeeze3A_28, %select_n3A_26, %dot_general3A_29 {dimension_numbers = #tpu.dot_dimension_numbers<[1], [0], [0], [1], [0, 0, 1, 1], [], []>, transpose_lhs_hint = false} : vector<1264x16xf32>, vector<16x128xf32>, vector<1264x128xf32> -> vector<1264x128xf32>
    %add3A_31 = arith.addf %add3A_17, %dot_general3A_30 : vector<1264x128xf32>
    %add3A_32 = arith.constant 32 : i32
    %add3A_33 = vector.broadcast %add3A_32 : i32 to vector<16x128xi32>
    %add3A_34 = arith.addi %iota3A, %add3A_33 : vector<16x128xi32>
    %eq3A_35 = arith.cmpi eq, %iota3A_7, %add3A_34 : vector<16x128xi32>
    %jit3A_36 = arith.constant 1.000000e+00 : f32
    %jit3A_37 = arith.constant 0.000000e+00 : f32
    %broadcast_in_dim3A_38 = vector.broadcast %jit3A_36 : f32 to vector<16x128xf32>
    %broadcast_in_dim3A_39 = vector.broadcast %jit3A_37 : f32 to vector<16x128xf32>
    %select_n3A_40 = arith.select %eq3A_35, %broadcast_in_dim3A_38, %broadcast_in_dim3A_39 : vector<16x128xi1>, vector<16x128xf32>
    %slice3A_41 = vector.extract_strided_slice %reshape3A {offsets = [0, 2, 0], sizes = [1264, 1, 16], strides = [1, 1, 1]} : vector<1264x8x16xf32> to vector<1264x1x16xf32>
    %squeeze3A_42 = vector.shape_cast %slice3A_41 : vector<1264x1x16xf32> to vector<1264x16xf32>
    %dot_general3A_43 = arith.constant dense<0.000000e+00> : vector<1264x128xf32>
    %dot_general3A_44 = tpu.matmul %squeeze3A_42, %select_n3A_40, %dot_general3A_43 {dimension_numbers = #tpu.dot_dimension_numbers<[1], [0], [0], [1], [0, 0, 1, 1], [], []>, transpose_lhs_hint = false} : vector<1264x16xf32>, vector<16x128xf32>, vector<1264x128xf32> -> vector<1264x128xf32>
    %add3A_45 = arith.addf %add3A_31, %dot_general3A_44 : vector<1264x128xf32>
    %add3A_46 = arith.constant 48 : i32
    %add3A_47 = vector.broadcast %add3A_46 : i32 to vector<16x128xi32>
    %add3A_48 = arith.addi %iota3A, %add3A_47 : vector<16x128xi32>
    %eq3A_49 = arith.cmpi eq, %iota3A_7, %add3A_48 : vector<16x128xi32>
    %jit3A_50 = arith.constant 1.000000e+00 : f32
    %jit3A_51 = arith.constant 0.000000e+00 : f32
    %broadcast_in_dim3A_52 = vector.broadcast %jit3A_50 : f32 to vector<16x128xf32>
    %broadcast_in_dim3A_53 = vector.broadcast %jit3A_51 : f32 to vector<16x128xf32>
    %select_n3A_54 = arith.select %eq3A_49, %broadcast_in_dim3A_52, %broadcast_in_dim3A_53 : vector<16x128xi1>, vector<16x128xf32>
    %slice3A_55 = vector.extract_strided_slice %reshape3A {offsets = [0, 3, 0], sizes = [1264, 1, 16], strides = [1, 1, 1]} : vector<1264x8x16xf32> to vector<1264x1x16xf32>
    %squeeze3A_56 = vector.shape_cast %slice3A_55 : vector<1264x1x16xf32> to vector<1264x16xf32>
    %dot_general3A_57 = arith.constant dense<0.000000e+00> : vector<1264x128xf32>
    %dot_general3A_58 = tpu.matmul %squeeze3A_56, %select_n3A_54, %dot_general3A_57 {dimension_numbers = #tpu.dot_dimension_numbers<[1], [0], [0], [1], [0, 0, 1, 1], [], []>, transpose_lhs_hint = false} : vector<1264x16xf32>, vector<16x128xf32>, vector<1264x128xf32> -> vector<1264x128xf32>
    %add3A_59 = arith.addf %add3A_45, %dot_general3A_58 : vector<1264x128xf32>
    %add3A_60 = arith.constant 64 : i32
    %add3A_61 = vector.broadcast %add3A_60 : i32 to vector<16x128xi32>
    %add3A_62 = arith.addi %iota3A, %add3A_61 : vector<16x128xi32>
    %eq3A_63 = arith.cmpi eq, %iota3A_7, %add3A_62 : vector<16x128xi32>
    %jit3A_64 = arith.constant 1.000000e+00 : f32
    %jit3A_65 = arith.constant 0.000000e+00 : f32
    %broadcast_in_dim3A_66 = vector.broadcast %jit3A_64 : f32 to vector<16x128xf32>
    %broadcast_in_dim3A_67 = vector.broadcast %jit3A_65 : f32 to vector<16x128xf32>
    %select_n3A_68 = arith.select %eq3A_63, %broadcast_in_dim3A_66, %broadcast_in_dim3A_67 : vector<16x128xi1>, vector<16x128xf32>
    %slice3A_69 = vector.extract_strided_slice %reshape3A {offsets = [0, 4, 0], sizes = [1264, 1, 16], strides = [1, 1, 1]} : vector<1264x8x16xf32> to vector<1264x1x16xf32>
    %squeeze3A_70 = vector.shape_cast %slice3A_69 : vector<1264x1x16xf32> to vector<1264x16xf32>
    %dot_general3A_71 = arith.constant dense<0.000000e+00> : vector<1264x128xf32>
    %dot_general3A_72 = tpu.matmul %squeeze3A_70, %select_n3A_68, %dot_general3A_71 {dimension_numbers = #tpu.dot_dimension_numbers<[1], [0], [0], [1], [0, 0, 1, 1], [], []>, transpose_lhs_hint = false} : vector<1264x16xf32>, vector<16x128xf32>, vector<1264x128xf32> -> vector<1264x128xf32>
    %add3A_73 = arith.addf %add3A_59, %dot_general3A_72 : vector<1264x128xf32>
    %add3A_74 = arith.constant 80 : i32
    %add3A_75 = vector.broadcast %add3A_74 : i32 to vector<16x128xi32>
    %add3A_76 = arith.addi %iota3A, %add3A_75 : vector<16x128xi32>
    %eq3A_77 = arith.cmpi eq, %iota3A_7, %add3A_76 : vector<16x128xi32>
    %jit3A_78 = arith.constant 1.000000e+00 : f32
    %jit3A_79 = arith.constant 0.000000e+00 : f32
    %broadcast_in_dim3A_80 = vector.broadcast %jit3A_78 : f32 to vector<16x128xf32>
    %broadcast_in_dim3A_81 = vector.broadcast %jit3A_79 : f32 to vector<16x128xf32>
    %select_n3A_82 = arith.select %eq3A_77, %broadcast_in_dim3A_80, %broadcast_in_dim3A_81 : vector<16x128xi1>, vector<16x128xf32>
    %slice3A_83 = vector.extract_strided_slice %reshape3A {offsets = [0, 5, 0], sizes = [1264, 1, 16], strides = [1, 1, 1]} : vector<1264x8x16xf32> to vector<1264x1x16xf32>
    %squeeze3A_84 = vector.shape_cast %slice3A_83 : vector<1264x1x16xf32> to vector<1264x16xf32>
    %dot_general3A_85 = arith.constant dense<0.000000e+00> : vector<1264x128xf32>
    %dot_general3A_86 = tpu.matmul %squeeze3A_84, %select_n3A_82, %dot_general3A_85 {dimension_numbers = #tpu.dot_dimension_numbers<[1], [0], [0], [1], [0, 0, 1, 1], [], []>, transpose_lhs_hint = false} : vector<1264x16xf32>, vector<16x128xf32>, vector<1264x128xf32> -> vector<1264x128xf32>
    %add3A_87 = arith.addf %add3A_73, %dot_general3A_86 : vector<1264x128xf32>
    %add3A_88 = arith.constant 96 : i32
    %add3A_89 = vector.broadcast %add3A_88 : i32 to vector<16x128xi32>
    %add3A_90 = arith.addi %iota3A, %add3A_89 : vector<16x128xi32>
    %eq3A_91 = arith.cmpi eq, %iota3A_7, %add3A_90 : vector<16x128xi32>
    %jit3A_92 = arith.constant 1.000000e+00 : f32
    %jit3A_93 = arith.constant 0.000000e+00 : f32
    %broadcast_in_dim3A_94 = vector.broadcast %jit3A_92 : f32 to vector<16x128xf32>
    %broadcast_in_dim3A_95 = vector.broadcast %jit3A_93 : f32 to vector<16x128xf32>
    %select_n3A_96 = arith.select %eq3A_91, %broadcast_in_dim3A_94, %broadcast_in_dim3A_95 : vector<16x128xi1>, vector<16x128xf32>
    %slice3A_97 = vector.extract_strided_slice %reshape3A {offsets = [0, 6, 0], sizes = [1264, 1, 16], strides = [1, 1, 1]} : vector<1264x8x16xf32> to vector<1264x1x16xf32>
    %squeeze3A_98 = vector.shape_cast %slice3A_97 : vector<1264x1x16xf32> to vector<1264x16xf32>
    %dot_general3A_99 = arith.constant dense<0.000000e+00> : vector<1264x128xf32>
    %dot_general3A_100 = tpu.matmul %squeeze3A_98, %select_n3A_96, %dot_general3A_99 {dimension_numbers = #tpu.dot_dimension_numbers<[1], [0], [0], [1], [0, 0, 1, 1], [], []>, transpose_lhs_hint = false} : vector<1264x16xf32>, vector<16x128xf32>, vector<1264x128xf32> -> vector<1264x128xf32>
    %add3A_101 = arith.addf %add3A_87, %dot_general3A_100 : vector<1264x128xf32>
    %add3A_102 = arith.constant 112 : i32
    %add3A_103 = vector.broadcast %add3A_102 : i32 to vector<16x128xi32>
    %add3A_104 = arith.addi %iota3A, %add3A_103 : vector<16x128xi32>
    %eq3A_105 = arith.cmpi eq, %iota3A_7, %add3A_104 : vector<16x128xi32>
    %jit3A_106 = arith.constant 1.000000e+00 : f32
    %jit3A_107 = arith.constant 0.000000e+00 : f32
    %broadcast_in_dim3A_108 = vector.broadcast %jit3A_106 : f32 to vector<16x128xf32>
    %broadcast_in_dim3A_109 = vector.broadcast %jit3A_107 : f32 to vector<16x128xf32>
    %select_n3A_110 = arith.select %eq3A_105, %broadcast_in_dim3A_108, %broadcast_in_dim3A_109 : vector<16x128xi1>, vector<16x128xf32>
    %slice3A_111 = vector.extract_strided_slice %reshape3A {offsets = [0, 7, 0], sizes = [1264, 1, 16], strides = [1, 1, 1]} : vector<1264x8x16xf32> to vector<1264x1x16xf32>
    %squeeze3A_112 = vector.shape_cast %slice3A_111 : vector<1264x1x16xf32> to vector<1264x16xf32>
    %dot_general3A_113 = arith.constant dense<0.000000e+00> : vector<1264x128xf32>
    %dot_general3A_114 = tpu.matmul %squeeze3A_112, %select_n3A_110, %dot_general3A_113 {dimension_numbers = #tpu.dot_dimension_numbers<[1], [0], [0], [1], [0, 0, 1, 1], [], []>, transpose_lhs_hint = false} : vector<1264x16xf32>, vector<16x128xf32>, vector<1264x128xf32> -> vector<1264x128xf32>
    %add3A_115 = arith.addf %add3A_101, %dot_general3A_114 : vector<1264x128xf32>
    %swap3A = arith.constant 0 : index
    %swap3A_116 = arith.constant 0 : index
    %swap3A_117 = vector.load %arg2[%swap3A, %swap3A_116] : memref<1264x128xf32, #tpu.memory_space<vmem>>, vector<1264x128xf32>
    tpu.vector_store %arg2[%swap3A, %swap3A_116], %add3A_115 {strides = array<i32>} : memref<1264x128xf32, #tpu.memory_space<vmem>>, vector<1264x128xf32>,
    return
  }
}

module attributes {stable_mosaic.version = 14 : i64} {
  func.func @_tc1b_body(%arg0: memref<2x1280x16xf32, #tpu.memory_space<vmem>>, %arg1: memref<1264x128xf32, #tpu.memory_space<vmem>>, %arg2: memref<1264x128xf32, #tpu.memory_space<vmem>>, %arg3: memref<1264x128xf32, #tpu.memory_space<vmem>>, %arg4: memref<1264x128xf32, #tpu.memory_space<vmem>>) attributes {dimension_semantics = [], scalar_prefetch = 0 : i64, scratch_operands = 0 : i64, tpu.core_type = #tpu.core_type<tc>} {
    %get3A = arith.constant 0 : index
    %get3A_0 = arith.constant 0 : index
    %get3A_1 = arith.constant 0 : index
    %get3A_2 = vector.load %arg0[%get3A, %get3A_0, %get3A_1] : memref<2x1280x16xf32, #tpu.memory_space<vmem>>, vector<1x1280x16xf32>
    %get3A_3 = vector.shape_cast %get3A_2 : vector<1x1280x16xf32> to vector<1280x16xf32>
    %get3A_4 = arith.constant 1 : index
    %get3A_5 = arith.constant 0 : index
    %get3A_6 = arith.constant 0 : index
    %get3A_7 = vector.load %arg0[%get3A_4, %get3A_5, %get3A_6] : memref<2x1280x16xf32, #tpu.memory_space<vmem>>, vector<1x1280x16xf32>
    %get3A_8 = vector.shape_cast %get3A_7 : vector<1x1280x16xf32> to vector<1280x16xf32>
    %add3A = arith.addf %get3A_3, %get3A_8 : vector<1280x16xf32>
    %add3A_9 = arith.constant 1.000000e+00 : f32
    %add3A_10 = vector.broadcast %add3A_9 : f32 to vector<1280x16xf32>
    %add3A_11 = arith.addf %add3A, %add3A_10 : vector<1280x16xf32>
    %rsqrt3A = math.rsqrt %add3A_11 : vector<1280x16xf32>
    %slice3A = vector.extract_strided_slice %rsqrt3A {offsets = [0, 0], sizes = [1280, 8], strides = [1, 1]} : vector<1280x16xf32> to vector<1280x8xf32>
    %iota3A = tpu.iota {dimensions = array<i32: 0>} : vector<8x128xi32>
    %iota3A_12 = tpu.iota {dimensions = array<i32: 1>} : vector<8x128xi32>
    %jit3A = arith.constant 16 : i32
    %div3A = vector.broadcast %jit3A : i32 to vector<8x128xi32>
    %div3A_13 = arith.divsi %iota3A_12, %div3A : vector<8x128xi32>
    %sign3A = arith.constant 0 : i32
    %sign3A_14 = vector.broadcast %sign3A : i32 to vector<8x128xi32>
    %sign3A_15 = arith.cmpi sgt, %iota3A_12, %sign3A_14 : vector<8x128xi32>
    %sign3A_16 = arith.extui %sign3A_15 : vector<8x128xi1> to vector<8x128xi32>
    %sign3A_17 = arith.constant 0 : i32
    %sign3A_18 = vector.broadcast %sign3A_17 : i32 to vector<8x128xi32>
    %sign3A_19 = arith.cmpi slt, %iota3A_12, %sign3A_18 : vector<8x128xi32>
    %sign3A_20 = arith.extui %sign3A_19 : vector<8x128xi1> to vector<8x128xi32>
    %sign3A_21 = arith.subi %sign3A_16, %sign3A_20 : vector<8x128xi32>
    %sign3A_22 = arith.constant 0 : i32
    %sign3A_23 = arith.cmpi sgt, %jit3A, %sign3A_22 : i32
    %sign3A_24 = arith.extui %sign3A_23 : i1 to i32
    %sign3A_25 = arith.constant 0 : i32
    %sign3A_26 = arith.cmpi slt, %jit3A, %sign3A_25 : i32
    %sign3A_27 = arith.extui %sign3A_26 : i1 to i32
    %sign3A_28 = arith.subi %sign3A_24, %sign3A_27 : i32
    %ne3A = vector.broadcast %sign3A_28 : i32 to vector<8x128xi32>
    %ne3A_29 = arith.cmpi ne, %sign3A_21, %ne3A : vector<8x128xi32>
    %rem3A = vector.broadcast %jit3A : i32 to vector<8x128xi32>
    %rem3A_30 = arith.remsi %iota3A_12, %rem3A : vector<8x128xi32>
    %ne3A_31 = arith.constant 0 : i32
    %ne3A_32 = vector.broadcast %ne3A_31 : i32 to vector<8x128xi32>
    %ne3A_33 = arith.cmpi ne, %rem3A_30, %ne3A_32 : vector<8x128xi32>
    %and3A = arith.andi %ne3A_29, %ne3A_33 : vector<8x128xi1>
    %sub3A = arith.constant 1 : i32
    %sub3A_34 = vector.broadcast %sub3A : i32 to vector<8x128xi32>
    %sub3A_35 = arith.subi %div3A_13, %sub3A_34 : vector<8x128xi32>
    %select_n3A = arith.select %and3A, %sub3A_35, %div3A_13 : vector<8x128xi1>, vector<8x128xi32>
    %eq3A = arith.cmpi eq, %iota3A, %select_n3A : vector<8x128xi32>
    %jit3A_36 = arith.constant 1.000000e+00 : f32
    %jit3A_37 = arith.constant 0.000000e+00 : f32
    %broadcast_in_dim3A = vector.broadcast %jit3A_36 : f32 to vector<8x128xf32>
    %broadcast_in_dim3A_38 = vector.broadcast %jit3A_37 : f32 to vector<8x128xf32>
    %select_n3A_39 = arith.select %eq3A, %broadcast_in_dim3A, %broadcast_in_dim3A_38 : vector<8x128xi1>, vector<8x128xf32>
    %dot_general3A = arith.constant dense<0.000000e+00> : vector<1280x128xf32>
    %dot_general3A_40 = tpu.matmul %slice3A, %select_n3A_39, %dot_general3A {dimension_numbers = #tpu.dot_dimension_numbers<[1], [0], [0], [1], [0, 0, 1, 1], [], []>, transpose_lhs_hint = false} : vector<1280x8xf32>, vector<8x128xf32>, vector<1280x128xf32> -> vector<1280x128xf32>
    %slice3A_41 = vector.extract_strided_slice %dot_general3A_40 {offsets = [0, 0], sizes = [1264, 128], strides = [1, 1]} : vector<1280x128xf32> to vector<1264x128xf32>
    %get3A_42 = arith.constant 0 : index
    %get3A_43 = arith.constant 0 : index
    %get3A_44 = vector.load %arg1[%get3A_42, %get3A_43] : memref<1264x128xf32, #tpu.memory_space<vmem>>, vector<1264x128xf32>
    %mul3A = arith.mulf %get3A_44, %slice3A_41 : vector<1264x128xf32>
    %swap3A = arith.constant 0 : index
    %swap3A_45 = arith.constant 0 : index
    %swap3A_46 = vector.load %arg2[%swap3A, %swap3A_45] : memref<1264x128xf32, #tpu.memory_space<vmem>>, vector<1264x128xf32>
    tpu.vector_store %arg2[%swap3A, %swap3A_45], %slice3A_41 {strides = array<i32>} : memref<1264x128xf32, #tpu.memory_space<vmem>>, vector<1264x128xf32>,
    %swap3A_47 = arith.constant 0 : index
    %swap3A_48 = arith.constant 0 : index
    %swap3A_49 = vector.load %arg3[%swap3A_47, %swap3A_48] : memref<1264x128xf32, #tpu.memory_space<vmem>>, vector<1264x128xf32>
    tpu.vector_store %arg3[%swap3A_47, %swap3A_48], %mul3A {strides = array<i32>} : memref<1264x128xf32, #tpu.memory_space<vmem>>, vector<1264x128xf32>,
    %mul3A_50 = arith.mulf %mul3A, %slice3A_41 : vector<1264x128xf32>
    %swap3A_51 = arith.constant 0 : index
    %swap3A_52 = arith.constant 0 : index
    %swap3A_53 = vector.load %arg4[%swap3A_51, %swap3A_52] : memref<1264x128xf32, #tpu.memory_space<vmem>>, vector<1264x128xf32>
    tpu.vector_store %arg4[%swap3A_51, %swap3A_52], %mul3A_50 {strides = array<i32>} : memref<1264x128xf32, #tpu.memory_space<vmem>>, vector<1264x128xf32>,
    return
  }
}

module attributes {stable_mosaic.version = 14 : i64} {
  func.func @_tc2_body(%arg0: memref<2528x128xf32, #tpu.memory_space<vmem>>, %arg1: memref<1264x128xf32, #tpu.memory_space<vmem>>, %arg2: memref<1264x128xf32, #tpu.memory_space<vmem>>, %arg3: memref<16xf32, #tpu.memory_space<vmem>>, %arg4: memref<16x16xf32, #tpu.memory_space<vmem>>, %arg5: memref<1264x128xf32, #tpu.memory_space<vmem>>, %arg6: memref<1264x128xf32, #tpu.memory_space<vmem>>) attributes {dimension_semantics = [], scalar_prefetch = 0 : i64, scratch_operands = 0 : i64, tpu.core_type = #tpu.core_type<tc>} {
    %get3A = arith.constant 0 : index
    %get3A_0 = arith.constant 0 : index
    %get3A_1 = vector.load %arg0[%get3A, %get3A_0] : memref<2528x128xf32, #tpu.memory_space<vmem>>, vector<1264x128xf32>
    %get3A_2 = arith.constant 1264 : index
    %get3A_3 = arith.constant 0 : index
    %get3A_4 = vector.load %arg0[%get3A_2, %get3A_3] : memref<2528x128xf32, #tpu.memory_space<vmem>>, vector<1264x128xf32>
    %add3A = arith.addf %get3A_1, %get3A_4 : vector<1264x128xf32>
    %get3A_5 = arith.constant 0 : index
    %get3A_6 = arith.constant 0 : index
    %get3A_7 = vector.load %arg1[%get3A_5, %get3A_6] : memref<1264x128xf32, #tpu.memory_space<vmem>>, vector<1264x128xf32>
    %get3A_8 = arith.constant 0 : index
    %get3A_9 = vector.load %arg3[%get3A_8] : memref<16xf32, #tpu.memory_space<vmem>>, vector<16xf32>
    %tile3A = tpu.concatenate %get3A_9, %get3A_9, %get3A_9, %get3A_9, %get3A_9, %get3A_9, %get3A_9, %get3A_9 in 0 : vector<16xf32>, vector<16xf32>, vector<16xf32>, vector<16xf32>, vector<16xf32>, vector<16xf32>, vector<16xf32>, vector<16xf32> -> vector<128xf32>
    %mul3A = arith.mulf %add3A, %get3A_7 : vector<1264x128xf32>
    %get3A_10 = arith.constant 0 : index
    %get3A_11 = arith.constant 0 : index
    %get3A_12 = vector.load %arg2[%get3A_10, %get3A_11] : memref<1264x128xf32, #tpu.memory_space<vmem>>, vector<1264x128xf32>
    %add3A_13 = arith.addf %mul3A, %get3A_12 : vector<1264x128xf32>
    %broadcast_in_dim3A = vector.shape_cast %tile3A : vector<128xf32> to vector<1x128xf32>
    %add3A_14 = vector.broadcast %broadcast_in_dim3A : vector<1x128xf32> to vector<1264x128xf32>
    %add3A_15 = arith.addf %add3A_13, %add3A_14 : vector<1264x128xf32>
    %max3A = arith.constant 0.000000e+00 : f32
    %max3A_16 = vector.broadcast %max3A : f32 to vector<1264x128xf32>
    %max3A_17 = arith.maximumf %add3A_15, %max3A_16 : vector<1264x128xf32>
    %get3A_18 = arith.constant 0 : index
    %get3A_19 = arith.constant 0 : index
    %get3A_20 = vector.load %arg4[%get3A_18, %get3A_19] : memref<16x16xf32, #tpu.memory_space<vmem>>, vector<16x16xf32>
    %iota3A = tpu.iota {dimensions = array<i32: 0>} : vector<128x128xi32>
    %iota3A_21 = tpu.iota {dimensions = array<i32: 1>} : vector<128x128xi32>
    %tile3A_22 = tpu.concatenate %get3A_20, %get3A_20, %get3A_20, %get3A_20, %get3A_20, %get3A_20, %get3A_20, %get3A_20 in 0 : vector<16x16xf32>, vector<16x16xf32>, vector<16x16xf32>, vector<16x16xf32>, vector<16x16xf32>, vector<16x16xf32>, vector<16x16xf32>, vector<16x16xf32> -> vector<128x16xf32>
    %tile3A_23 = tpu.concatenate %tile3A_22, %tile3A_22, %tile3A_22, %tile3A_22, %tile3A_22, %tile3A_22, %tile3A_22, %tile3A_22 in 1 : vector<128x16xf32>, vector<128x16xf32>, vector<128x16xf32>, vector<128x16xf32>, vector<128x16xf32>, vector<128x16xf32>, vector<128x16xf32>, vector<128x16xf32> -> vector<128x128xf32>
    %jit3A = arith.constant 16 : i32
    %div3A = vector.broadcast %jit3A : i32 to vector<128x128xi32>
    %div3A_24 = arith.divsi %iota3A, %div3A : vector<128x128xi32>
    %sign3A = arith.constant 0 : i32
    %sign3A_25 = vector.broadcast %sign3A : i32 to vector<128x128xi32>
    %sign3A_26 = arith.cmpi sgt, %iota3A, %sign3A_25 : vector<128x128xi32>
    %sign3A_27 = arith.extui %sign3A_26 : vector<128x128xi1> to vector<128x128xi32>
    %sign3A_28 = arith.constant 0 : i32
    %sign3A_29 = vector.broadcast %sign3A_28 : i32 to vector<128x128xi32>
    %sign3A_30 = arith.cmpi slt, %iota3A, %sign3A_29 : vector<128x128xi32>
    %sign3A_31 = arith.extui %sign3A_30 : vector<128x128xi1> to vector<128x128xi32>
    %sign3A_32 = arith.subi %sign3A_27, %sign3A_31 : vector<128x128xi32>
    %sign3A_33 = arith.constant 0 : i32
    %sign3A_34 = arith.cmpi sgt, %jit3A, %sign3A_33 : i32
    %sign3A_35 = arith.extui %sign3A_34 : i1 to i32
    %sign3A_36 = arith.constant 0 : i32
    %sign3A_37 = arith.cmpi slt, %jit3A, %sign3A_36 : i32
    %sign3A_38 = arith.extui %sign3A_37 : i1 to i32
    %sign3A_39 = arith.subi %sign3A_35, %sign3A_38 : i32
    %ne3A = vector.broadcast %sign3A_39 : i32 to vector<128x128xi32>
    %ne3A_40 = arith.cmpi ne, %sign3A_32, %ne3A : vector<128x128xi32>
    %rem3A = vector.broadcast %jit3A : i32 to vector<128x128xi32>
    %rem3A_41 = arith.remsi %iota3A, %rem3A : vector<128x128xi32>
    %ne3A_42 = arith.constant 0 : i32
    %ne3A_43 = vector.broadcast %ne3A_42 : i32 to vector<128x128xi32>
    %ne3A_44 = arith.cmpi ne, %rem3A_41, %ne3A_43 : vector<128x128xi32>
    %and3A = arith.andi %ne3A_40, %ne3A_44 : vector<128x128xi1>
    %sub3A = arith.constant 1 : i32
    %sub3A_45 = vector.broadcast %sub3A : i32 to vector<128x128xi32>
    %sub3A_46 = arith.subi %div3A_24, %sub3A_45 : vector<128x128xi32>
    %select_n3A = arith.select %and3A, %sub3A_46, %div3A_24 : vector<128x128xi1>, vector<128x128xi32>
    %jit3A_47 = arith.constant 16 : i32
    %div3A_48 = vector.broadcast %jit3A_47 : i32 to vector<128x128xi32>
    %div3A_49 = arith.divsi %iota3A_21, %div3A_48 : vector<128x128xi32>
    %sign3A_50 = arith.constant 0 : i32
    %sign3A_51 = vector.broadcast %sign3A_50 : i32 to vector<128x128xi32>
    %sign3A_52 = arith.cmpi sgt, %iota3A_21, %sign3A_51 : vector<128x128xi32>
    %sign3A_53 = arith.extui %sign3A_52 : vector<128x128xi1> to vector<128x128xi32>
    %sign3A_54 = arith.constant 0 : i32
    %sign3A_55 = vector.broadcast %sign3A_54 : i32 to vector<128x128xi32>
    %sign3A_56 = arith.cmpi slt, %iota3A_21, %sign3A_55 : vector<128x128xi32>
    %sign3A_57 = arith.extui %sign3A_56 : vector<128x128xi1> to vector<128x128xi32>
    %sign3A_58 = arith.subi %sign3A_53, %sign3A_57 : vector<128x128xi32>
    %sign3A_59 = arith.constant 0 : i32
    %sign3A_60 = arith.cmpi sgt, %jit3A_47, %sign3A_59 : i32
    %sign3A_61 = arith.extui %sign3A_60 : i1 to i32
    %sign3A_62 = arith.constant 0 : i32
    %sign3A_63 = arith.cmpi slt, %jit3A_47, %sign3A_62 : i32
    %sign3A_64 = arith.extui %sign3A_63 : i1 to i32
    %sign3A_65 = arith.subi %sign3A_61, %sign3A_64 : i32
    %ne3A_66 = vector.broadcast %sign3A_65 : i32 to vector<128x128xi32>
    %ne3A_67 = arith.cmpi ne, %sign3A_58, %ne3A_66 : vector<128x128xi32>
    %rem3A_68 = vector.broadcast %jit3A_47 : i32 to vector<128x128xi32>
    %rem3A_69 = arith.remsi %iota3A_21, %rem3A_68 : vector<128x128xi32>
    %ne3A_70 = arith.constant 0 : i32
    %ne3A_71 = vector.broadcast %ne3A_70 : i32 to vector<128x128xi32>
    %ne3A_72 = arith.cmpi ne, %rem3A_69, %ne3A_71 : vector<128x128xi32>
    %and3A_73 = arith.andi %ne3A_67, %ne3A_72 : vector<128x128xi1>
    %sub3A_74 = arith.constant 1 : i32
    %sub3A_75 = vector.broadcast %sub3A_74 : i32 to vector<128x128xi32>
    %sub3A_76 = arith.subi %div3A_49, %sub3A_75 : vector<128x128xi32>
    %select_n3A_77 = arith.select %and3A_73, %sub3A_76, %div3A_49 : vector<128x128xi1>, vector<128x128xi32>
    %eq3A = arith.cmpi eq, %select_n3A, %select_n3A_77 : vector<128x128xi32>
    %jit3A_78 = arith.constant 0.000000e+00 : f32
    %broadcast_in_dim3A_79 = vector.broadcast %jit3A_78 : f32 to vector<128x128xf32>
    %select_n3A_80 = arith.select %eq3A, %tile3A_23, %broadcast_in_dim3A_79 : vector<128x128xi1>, vector<128x128xf32>
    %dot_general3A = arith.constant dense<0.000000e+00> : vector<1264x128xf32>
    %dot_general3A_81 = tpu.matmul %max3A_17, %select_n3A_80, %dot_general3A {dimension_numbers = #tpu.dot_dimension_numbers<[1], [0], [0], [1], [0, 0, 1, 1], [], []>, transpose_lhs_hint = false} : vector<1264x128xf32>, vector<128x128xf32>, vector<1264x128xf32> -> vector<1264x128xf32>
    %mul3A_82 = arith.mulf %dot_general3A_81, %get3A_7 : vector<1264x128xf32>
    %swap3A = arith.constant 0 : index
    %swap3A_83 = arith.constant 0 : index
    %swap3A_84 = vector.load %arg5[%swap3A, %swap3A_83] : memref<1264x128xf32, #tpu.memory_space<vmem>>, vector<1264x128xf32>
    tpu.vector_store %arg5[%swap3A, %swap3A_83], %mul3A_82 {strides = array<i32>} : memref<1264x128xf32, #tpu.memory_space<vmem>>, vector<1264x128xf32>,
    %mul3A_85 = arith.mulf %mul3A_82, %get3A_7 : vector<1264x128xf32>
    %swap3A_86 = arith.constant 0 : index
    %swap3A_87 = arith.constant 0 : index
    %swap3A_88 = vector.load %arg6[%swap3A_86, %swap3A_87] : memref<1264x128xf32, #tpu.memory_space<vmem>>, vector<1264x128xf32>
    tpu.vector_store %arg6[%swap3A_86, %swap3A_87], %mul3A_85 {strides = array<i32>} : memref<1264x128xf32, #tpu.memory_space<vmem>>, vector<1264x128xf32>,
    return
  }
}

module attributes {stable_mosaic.version = 14 : i64} {
  func.func @_tc3_body(%arg0: memref<2528x128xf32, #tpu.memory_space<vmem>>, %arg1: memref<1264x128xf32, #tpu.memory_space<vmem>>, %arg2: memref<1264x128xf32, #tpu.memory_space<vmem>>, %arg3: memref<16xf32, #tpu.memory_space<vmem>>, %arg4: memref<1250x128xf32, #tpu.memory_space<vmem>>) attributes {dimension_semantics = [], scalar_prefetch = 0 : i64, scratch_operands = 0 : i64, tpu.core_type = #tpu.core_type<tc>} {
    %get3A = arith.constant 0 : index
    %get3A_0 = arith.constant 0 : index
    %get3A_1 = vector.load %arg0[%get3A, %get3A_0] : memref<2528x128xf32, #tpu.memory_space<vmem>>, vector<1264x128xf32>
    %get3A_2 = arith.constant 1264 : index
    %get3A_3 = arith.constant 0 : index
    %get3A_4 = vector.load %arg0[%get3A_2, %get3A_3] : memref<2528x128xf32, #tpu.memory_space<vmem>>, vector<1264x128xf32>
    %add3A = arith.addf %get3A_1, %get3A_4 : vector<1264x128xf32>
    %get3A_5 = arith.constant 0 : index
    %get3A_6 = vector.load %arg3[%get3A_5] : memref<16xf32, #tpu.memory_space<vmem>>, vector<16xf32>
    %tile3A = tpu.concatenate %get3A_6, %get3A_6, %get3A_6, %get3A_6, %get3A_6, %get3A_6, %get3A_6, %get3A_6 in 0 : vector<16xf32>, vector<16xf32>, vector<16xf32>, vector<16xf32>, vector<16xf32>, vector<16xf32>, vector<16xf32>, vector<16xf32> -> vector<128xf32>
    %get3A_7 = arith.constant 0 : index
    %get3A_8 = arith.constant 0 : index
    %get3A_9 = vector.load %arg1[%get3A_7, %get3A_8] : memref<1264x128xf32, #tpu.memory_space<vmem>>, vector<1264x128xf32>
    %mul3A = arith.mulf %add3A, %get3A_9 : vector<1264x128xf32>
    %get3A_10 = arith.constant 0 : index
    %get3A_11 = arith.constant 0 : index
    %get3A_12 = vector.load %arg2[%get3A_10, %get3A_11] : memref<1264x128xf32, #tpu.memory_space<vmem>>, vector<1264x128xf32>
    %add3A_13 = arith.addf %mul3A, %get3A_12 : vector<1264x128xf32>
    %broadcast_in_dim3A = vector.shape_cast %tile3A : vector<128xf32> to vector<1x128xf32>
    %add3A_14 = vector.broadcast %broadcast_in_dim3A : vector<1x128xf32> to vector<1264x128xf32>
    %add3A_15 = arith.addf %add3A_13, %add3A_14 : vector<1264x128xf32>
    %slice3A = vector.extract_strided_slice %add3A_15 {offsets = [0, 0], sizes = [1264, 16], strides = [1, 1]} : vector<1264x128xf32> to vector<1264x16xf32>
    %reduce_max3A = arith.constant dense<0xFF800000> : vector<1264xf32>
    %reduce_max3A_16 = vector.multi_reduction <maximumf>, %slice3A, %reduce_max3A [1] : vector<1264x16xf32> to vector<1264xf32>
    %broadcast_in_dim3A_17 = vector.shape_cast %reduce_max3A_16 : vector<1264xf32> to vector<1264x1xf32>
    %broadcast_in_dim3A_18 = vector.shape_cast %broadcast_in_dim3A_17 : vector<1264x1xf32> to vector<1264x1xf32>
    %broadcast_in_dim3A_19 = vector.broadcast %broadcast_in_dim3A_18 : vector<1264x1xf32> to vector<1264x16xf32>
    %slice3A_20 = vector.extract_strided_slice %add3A_15 {offsets = [0, 16], sizes = [1264, 16], strides = [1, 1]} : vector<1264x128xf32> to vector<1264x16xf32>
    %reduce_max3A_21 = arith.constant dense<0xFF800000> : vector<1264xf32>
    %reduce_max3A_22 = vector.multi_reduction <maximumf>, %slice3A_20, %reduce_max3A_21 [1] : vector<1264x16xf32> to vector<1264xf32>
    %broadcast_in_dim3A_23 = vector.shape_cast %reduce_max3A_22 : vector<1264xf32> to vector<1264x1xf32>
    %broadcast_in_dim3A_24 = vector.shape_cast %broadcast_in_dim3A_23 : vector<1264x1xf32> to vector<1264x1xf32>
    %broadcast_in_dim3A_25 = vector.broadcast %broadcast_in_dim3A_24 : vector<1264x1xf32> to vector<1264x16xf32>
    %slice3A_26 = vector.extract_strided_slice %add3A_15 {offsets = [0, 32], sizes = [1264, 16], strides = [1, 1]} : vector<1264x128xf32> to vector<1264x16xf32>
    %reduce_max3A_27 = arith.constant dense<0xFF800000> : vector<1264xf32>
    %reduce_max3A_28 = vector.multi_reduction <maximumf>, %slice3A_26, %reduce_max3A_27 [1] : vector<1264x16xf32> to vector<1264xf32>
    %broadcast_in_dim3A_29 = vector.shape_cast %reduce_max3A_28 : vector<1264xf32> to vector<1264x1xf32>
    %broadcast_in_dim3A_30 = vector.shape_cast %broadcast_in_dim3A_29 : vector<1264x1xf32> to vector<1264x1xf32>
    %broadcast_in_dim3A_31 = vector.broadcast %broadcast_in_dim3A_30 : vector<1264x1xf32> to vector<1264x16xf32>
    %slice3A_32 = vector.extract_strided_slice %add3A_15 {offsets = [0, 48], sizes = [1264, 16], strides = [1, 1]} : vector<1264x128xf32> to vector<1264x16xf32>
    %reduce_max3A_33 = arith.constant dense<0xFF800000> : vector<1264xf32>
    %reduce_max3A_34 = vector.multi_reduction <maximumf>, %slice3A_32, %reduce_max3A_33 [1] : vector<1264x16xf32> to vector<1264xf32>
    %broadcast_in_dim3A_35 = vector.shape_cast %reduce_max3A_34 : vector<1264xf32> to vector<1264x1xf32>
    %broadcast_in_dim3A_36 = vector.shape_cast %broadcast_in_dim3A_35 : vector<1264x1xf32> to vector<1264x1xf32>
    %broadcast_in_dim3A_37 = vector.broadcast %broadcast_in_dim3A_36 : vector<1264x1xf32> to vector<1264x16xf32>
    %slice3A_38 = vector.extract_strided_slice %add3A_15 {offsets = [0, 64], sizes = [1264, 16], strides = [1, 1]} : vector<1264x128xf32> to vector<1264x16xf32>
    %reduce_max3A_39 = arith.constant dense<0xFF800000> : vector<1264xf32>
    %reduce_max3A_40 = vector.multi_reduction <maximumf>, %slice3A_38, %reduce_max3A_39 [1] : vector<1264x16xf32> to vector<1264xf32>
    %broadcast_in_dim3A_41 = vector.shape_cast %reduce_max3A_40 : vector<1264xf32> to vector<1264x1xf32>
    %broadcast_in_dim3A_42 = vector.shape_cast %broadcast_in_dim3A_41 : vector<1264x1xf32> to vector<1264x1xf32>
    %broadcast_in_dim3A_43 = vector.broadcast %broadcast_in_dim3A_42 : vector<1264x1xf32> to vector<1264x16xf32>
    %slice3A_44 = vector.extract_strided_slice %add3A_15 {offsets = [0, 80], sizes = [1264, 16], strides = [1, 1]} : vector<1264x128xf32> to vector<1264x16xf32>
    %reduce_max3A_45 = arith.constant dense<0xFF800000> : vector<1264xf32>
    %reduce_max3A_46 = vector.multi_reduction <maximumf>, %slice3A_44, %reduce_max3A_45 [1] : vector<1264x16xf32> to vector<1264xf32>
    %broadcast_in_dim3A_47 = vector.shape_cast %reduce_max3A_46 : vector<1264xf32> to vector<1264x1xf32>
    %broadcast_in_dim3A_48 = vector.shape_cast %broadcast_in_dim3A_47 : vector<1264x1xf32> to vector<1264x1xf32>
    %broadcast_in_dim3A_49 = vector.broadcast %broadcast_in_dim3A_48 : vector<1264x1xf32> to vector<1264x16xf32>
    %slice3A_50 = vector.extract_strided_slice %add3A_15 {offsets = [0, 96], sizes = [1264, 16], strides = [1, 1]} : vector<1264x128xf32> to vector<1264x16xf32>
    %reduce_max3A_51 = arith.constant dense<0xFF800000> : vector<1264xf32>
    %reduce_max3A_52 = vector.multi_reduction <maximumf>, %slice3A_50, %reduce_max3A_51 [1] : vector<1264x16xf32> to vector<1264xf32>
    %broadcast_in_dim3A_53 = vector.shape_cast %reduce_max3A_52 : vector<1264xf32> to vector<1264x1xf32>
    %broadcast_in_dim3A_54 = vector.shape_cast %broadcast_in_dim3A_53 : vector<1264x1xf32> to vector<1264x1xf32>
    %broadcast_in_dim3A_55 = vector.broadcast %broadcast_in_dim3A_54 : vector<1264x1xf32> to vector<1264x16xf32>
    %slice3A_56 = vector.extract_strided_slice %add3A_15 {offsets = [0, 112], sizes = [1264, 16], strides = [1, 1]} : vector<1264x128xf32> to vector<1264x16xf32>
    %reduce_max3A_57 = arith.constant dense<0xFF800000> : vector<1264xf32>
    %reduce_max3A_58 = vector.multi_reduction <maximumf>, %slice3A_56, %reduce_max3A_57 [1] : vector<1264x16xf32> to vector<1264xf32>
    %broadcast_in_dim3A_59 = vector.shape_cast %reduce_max3A_58 : vector<1264xf32> to vector<1264x1xf32>
    %broadcast_in_dim3A_60 = vector.shape_cast %broadcast_in_dim3A_59 : vector<1264x1xf32> to vector<1264x1xf32>
    %broadcast_in_dim3A_61 = vector.broadcast %broadcast_in_dim3A_60 : vector<1264x1xf32> to vector<1264x16xf32>
    %concatenate3A = tpu.concatenate %broadcast_in_dim3A_19, %broadcast_in_dim3A_25, %broadcast_in_dim3A_31, %broadcast_in_dim3A_37, %broadcast_in_dim3A_43, %broadcast_in_dim3A_49, %broadcast_in_dim3A_55, %broadcast_in_dim3A_61 in 1 : vector<1264x16xf32>, vector<1264x16xf32>, vector<1264x16xf32>, vector<1264x16xf32>, vector<1264x16xf32>, vector<1264x16xf32>, vector<1264x16xf32>, vector<1264x16xf32> -> vector<1264x128xf32>
    %sub3A = arith.subf %add3A_15, %concatenate3A : vector<1264x128xf32>
    %exp3A = math.exp %sub3A : vector<1264x128xf32>
    %slice3A_62 = vector.extract_strided_slice %exp3A {offsets = [0, 0], sizes = [1264, 16], strides = [1, 1]} : vector<1264x128xf32> to vector<1264x16xf32>
    %reduce_sum3A = arith.constant dense<0.000000e+00> : vector<1264xf32>
    %reduce_sum3A_63 = vector.multi_reduction <add>, %slice3A_62, %reduce_sum3A [1] : vector<1264x16xf32> to vector<1264xf32>
    %broadcast_in_dim3A_64 = vector.shape_cast %reduce_sum3A_63 : vector<1264xf32> to vector<1264x1xf32>
    %log3A = math.log %broadcast_in_dim3A_64 : vector<1264x1xf32>
    %broadcast_in_dim3A_65 = vector.shape_cast %log3A : vector<1264x1xf32> to vector<1264x1xf32>
    %broadcast_in_dim3A_66 = vector.broadcast %broadcast_in_dim3A_65 : vector<1264x1xf32> to vector<1264x16xf32>
    %slice3A_67 = vector.extract_strided_slice %exp3A {offsets = [0, 16], sizes = [1264, 16], strides = [1, 1]} : vector<1264x128xf32> to vector<1264x16xf32>
    %reduce_sum3A_68 = arith.constant dense<0.000000e+00> : vector<1264xf32>
    %reduce_sum3A_69 = vector.multi_reduction <add>, %slice3A_67, %reduce_sum3A_68 [1] : vector<1264x16xf32> to vector<1264xf32>
    %broadcast_in_dim3A_70 = vector.shape_cast %reduce_sum3A_69 : vector<1264xf32> to vector<1264x1xf32>
    %log3A_71 = math.log %broadcast_in_dim3A_70 : vector<1264x1xf32>
    %broadcast_in_dim3A_72 = vector.shape_cast %log3A_71 : vector<1264x1xf32> to vector<1264x1xf32>
    %broadcast_in_dim3A_73 = vector.broadcast %broadcast_in_dim3A_72 : vector<1264x1xf32> to vector<1264x16xf32>
    %slice3A_74 = vector.extract_strided_slice %exp3A {offsets = [0, 32], sizes = [1264, 16], strides = [1, 1]} : vector<1264x128xf32> to vector<1264x16xf32>
    %reduce_sum3A_75 = arith.constant dense<0.000000e+00> : vector<1264xf32>
    %reduce_sum3A_76 = vector.multi_reduction <add>, %slice3A_74, %reduce_sum3A_75 [1] : vector<1264x16xf32> to vector<1264xf32>
    %broadcast_in_dim3A_77 = vector.shape_cast %reduce_sum3A_76 : vector<1264xf32> to vector<1264x1xf32>
    %log3A_78 = math.log %broadcast_in_dim3A_77 : vector<1264x1xf32>
    %broadcast_in_dim3A_79 = vector.shape_cast %log3A_78 : vector<1264x1xf32> to vector<1264x1xf32>
    %broadcast_in_dim3A_80 = vector.broadcast %broadcast_in_dim3A_79 : vector<1264x1xf32> to vector<1264x16xf32>
    %slice3A_81 = vector.extract_strided_slice %exp3A {offsets = [0, 48], sizes = [1264, 16], strides = [1, 1]} : vector<1264x128xf32> to vector<1264x16xf32>
    %reduce_sum3A_82 = arith.constant dense<0.000000e+00> : vector<1264xf32>
    %reduce_sum3A_83 = vector.multi_reduction <add>, %slice3A_81, %reduce_sum3A_82 [1] : vector<1264x16xf32> to vector<1264xf32>
    %broadcast_in_dim3A_84 = vector.shape_cast %reduce_sum3A_83 : vector<1264xf32> to vector<1264x1xf32>
    %log3A_85 = math.log %broadcast_in_dim3A_84 : vector<1264x1xf32>
    %broadcast_in_dim3A_86 = vector.shape_cast %log3A_85 : vector<1264x1xf32> to vector<1264x1xf32>
    %broadcast_in_dim3A_87 = vector.broadcast %broadcast_in_dim3A_86 : vector<1264x1xf32> to vector<1264x16xf32>
    %slice3A_88 = vector.extract_strided_slice %exp3A {offsets = [0, 64], sizes = [1264, 16], strides = [1, 1]} : vector<1264x128xf32> to vector<1264x16xf32>
    %reduce_sum3A_89 = arith.constant dense<0.000000e+00> : vector<1264xf32>
    %reduce_sum3A_90 = vector.multi_reduction <add>, %slice3A_88, %reduce_sum3A_89 [1] : vector<1264x16xf32> to vector<1264xf32>
    %broadcast_in_dim3A_91 = vector.shape_cast %reduce_sum3A_90 : vector<1264xf32> to vector<1264x1xf32>
    %log3A_92 = math.log %broadcast_in_dim3A_91 : vector<1264x1xf32>
    %broadcast_in_dim3A_93 = vector.shape_cast %log3A_92 : vector<1264x1xf32> to vector<1264x1xf32>
    %broadcast_in_dim3A_94 = vector.broadcast %broadcast_in_dim3A_93 : vector<1264x1xf32> to vector<1264x16xf32>
    %slice3A_95 = vector.extract_strided_slice %exp3A {offsets = [0, 80], sizes = [1264, 16], strides = [1, 1]} : vector<1264x128xf32> to vector<1264x16xf32>
    %reduce_sum3A_96 = arith.constant dense<0.000000e+00> : vector<1264xf32>
    %reduce_sum3A_97 = vector.multi_reduction <add>, %slice3A_95, %reduce_sum3A_96 [1] : vector<1264x16xf32> to vector<1264xf32>
    %broadcast_in_dim3A_98 = vector.shape_cast %reduce_sum3A_97 : vector<1264xf32> to vector<1264x1xf32>
    %log3A_99 = math.log %broadcast_in_dim3A_98 : vector<1264x1xf32>
    %broadcast_in_dim3A_100 = vector.shape_cast %log3A_99 : vector<1264x1xf32> to vector<1264x1xf32>
    %broadcast_in_dim3A_101 = vector.broadcast %broadcast_in_dim3A_100 : vector<1264x1xf32> to vector<1264x16xf32>
    %slice3A_102 = vector.extract_strided_slice %exp3A {offsets = [0, 96], sizes = [1264, 16], strides = [1, 1]} : vector<1264x128xf32> to vector<1264x16xf32>
    %reduce_sum3A_103 = arith.constant dense<0.000000e+00> : vector<1264xf32>
    %reduce_sum3A_104 = vector.multi_reduction <add>, %slice3A_102, %reduce_sum3A_103 [1] : vector<1264x16xf32> to vector<1264xf32>
    %broadcast_in_dim3A_105 = vector.shape_cast %reduce_sum3A_104 : vector<1264xf32> to vector<1264x1xf32>
    %log3A_106 = math.log %broadcast_in_dim3A_105 : vector<1264x1xf32>
    %broadcast_in_dim3A_107 = vector.shape_cast %log3A_106 : vector<1264x1xf32> to vector<1264x1xf32>
    %broadcast_in_dim3A_108 = vector.broadcast %broadcast_in_dim3A_107 : vector<1264x1xf32> to vector<1264x16xf32>
    %slice3A_109 = vector.extract_strided_slice %exp3A {offsets = [0, 112], sizes = [1264, 16], strides = [1, 1]} : vector<1264x128xf32> to vector<1264x16xf32>
    %reduce_sum3A_110 = arith.constant dense<0.000000e+00> : vector<1264xf32>
    %reduce_sum3A_111 = vector.multi_reduction <add>, %slice3A_109, %reduce_sum3A_110 [1] : vector<1264x16xf32> to vector<1264xf32>
    %broadcast_in_dim3A_112 = vector.shape_cast %reduce_sum3A_111 : vector<1264xf32> to vector<1264x1xf32>
    %log3A_113 = math.log %broadcast_in_dim3A_112 : vector<1264x1xf32>
    %broadcast_in_dim3A_114 = vector.shape_cast %log3A_113 : vector<1264x1xf32> to vector<1264x1xf32>
    %broadcast_in_dim3A_115 = vector.broadcast %broadcast_in_dim3A_114 : vector<1264x1xf32> to vector<1264x16xf32>
    %concatenate3A_116 = tpu.concatenate %broadcast_in_dim3A_66, %broadcast_in_dim3A_73, %broadcast_in_dim3A_80, %broadcast_in_dim3A_87, %broadcast_in_dim3A_94, %broadcast_in_dim3A_101, %broadcast_in_dim3A_108, %broadcast_in_dim3A_115 in 1 : vector<1264x16xf32>, vector<1264x16xf32>, vector<1264x16xf32>, vector<1264x16xf32>, vector<1264x16xf32>, vector<1264x16xf32>, vector<1264x16xf32>, vector<1264x16xf32> -> vector<1264x128xf32>
    %add3A_117 = arith.addf %concatenate3A_116, %concatenate3A : vector<1264x128xf32>
    %sub3A_118 = arith.subf %add3A_15, %add3A_117 : vector<1264x128xf32>
    %slice3A_119 = vector.extract_strided_slice %sub3A_118 {offsets = [0, 0], sizes = [1250, 128], strides = [1, 1]} : vector<1264x128xf32> to vector<1250x128xf32>
    %swap3A = arith.constant 0 : index
    %swap3A_120 = arith.constant 0 : index
    %swap3A_121 = vector.load %arg4[%swap3A, %swap3A_120] : memref<1250x128xf32, #tpu.memory_space<vmem>>, vector<1250x128xf32>
    tpu.vector_store %arg4[%swap3A, %swap3A_120], %slice3A_119 {strides = array<i32>} : memref<1250x128xf32, #tpu.memory_space<vmem>>, vector<1250x128xf32>,
    return
  }
}

</mosaic_0001>

<sc_bundles>
// kernel: kernel.12.cloned.1.call-start
scs
__scs_entry_jumppad:
0x0: {  	(pc) =	sbr.rel $0x88, $3  }
0x1: {  	(tag) =	ssettag $0x0;
	lr =	simm.s32 $0x1  }
0x2: {  	[smem:$0x3F9B] =	sst lr;
	_ =	strace $0xD0000000  }
0x3: {  	_ = 	snop  }
0x4: {  	_ = 	snop  }
0x5: {  	_ = 	snop  }
0x6: {  	_ = 	snop  }
0x7: {  	_ = 	snop  }
__scs_overlays_trampoline_lowered:
0x8: {  	[smem:$0x3FAA] =	sst s0  }
0x9: {  	[smem:$0x3FAB] =	sst s1  }
0xa: {  	[smem:$0x3FAC] =	sst s2  }
0xb: {  	[smem:$0x3FAD] =	sst s3  }
0xc: {  	[smem:$0x3FAE] =	sst s4  }
0xd: {  	[smem:$0x3FAF] =	sst s5  }
0xe: {  	[smem:$0x3FB0] =	sst s6  }
0xf: {  	[smem:$0x3FB1] =	sst s7  }
0x10: {  	[smem:$0x3FB2] =	sst s8  }
0x11: {  	[smem:$0x3FB3] =	sst s9;
	s0 =	simm.s32 @!p0 $0x0  }
0x12: {  	s1 =	sld [smem:$0x3F99];
	s0 =	simm.s32 @p0 $0x1  }
0x13: {  	[smem:$0x3FB4] =	sst s0;
	s0 =	simm.s32 @!p1 $0x0  }
0x14: {  	s2 =	sld [smem:$0x3F98];
	s0 =	simm.s32 @p1 $0x1  }
0x15: {  	[smem:$0x3FB5] =	sst s0;
	s0 =	simm.s32 @!p2 $0x0  }
0x16: {  	s3 =	sld [smem:$0x3FDB];
	s0 =	simm.s32 @p2 $0x1  }
0x17: {  	s4 =	simm.s32 $0x1BF5;
	[smem:$0x3FB7] =	sst s0  }
0x18: {  	s0 =	sld [smem:$0x3F9A];
	_ =	swait.ge [sflag:s4], $0x0  }
0x19: {  	s7 =	sld [smem:$0x3F9B]  }
0x1a: {  	s8 =	sadd.s32 $0xFFFFE003, lr  }
0x1b: {  	s9 =	sadd.s32 $0xFFFFFEF7, lr;
	s5 =	simm.s32 $0xFFFFFFFF;
	p2 =	slt.u32 s8, $0xFFFFF086  }
0x1c: {  	p1 =	slt.u32 s9, $0xF7A;
	s5 =	simm.s32 @!p2 $0x0  }
0x1d: {  	s5 =	simm.s32 @p1 $0x1;
	p0 =	seq.s32 s7, s2  }
0x1e: {  	s7 =	smul.u32 @!p0 $0xF7A, s2;
	p2 =	seq.s32 @!p0 s5, $0x0  }
0x1f: {  	s9 =	smul.u32 $0xF7A, s1;
	s8 =	simm.s32 @!p0 $0x1BF5;
	p2 =	por !p2, p0  }
0x20: {  	[sflag:s8] =	ssyncset.s32 @!p0 $0xFFFFF086;
	s6 =	sadd.s32 @!p0 s3, s7;
	s7 =	simm.s32 @!p0 $0x108  }
0x21: {  	s3 =	sadd.s32 s3, s9;
	s6 =	sadd.s32 @!p0 $0x88, s6;
	s7 =	simm.s32 @p2 $0x1082  }
0x22: {  	[simem:s7], [sflag:s8] =	dma.local @!p0 [hbm:s6], $0xF7A  }
0x23: {  	s9 =	sor.u32 $0xD0000000, s2;
	s6 =	simm.s32 $0x108;
	_ =	swait.ge @!p0 [sflag:s8], $0x0  }
0x24: {  	s3 =	sadd.s32 $0x88, s3;
	s6 =	simm.s32 @!p1 $0x1082;
	[sflag:s4] =	ssyncset.s32 $0xFFFFF086  }
0x25: {  	[simem:s6], [sflag:s4] =	dma.local [hbm:s3], $0xF7A  }
0x26: {  	[smem:$0x3F9B] =	sst s1;
	(tag) =	ssettag s2;
	_ =	strace s9  }
0x27: {  	s1 =	sld [smem:$0x3FAB]  }
0x28: {  	s2 =	sld [smem:$0x3FAC]  }
0x29: {  	s4 =	sld [smem:$0x3FAE]  }
0x2a: {  	p0 =	seq.s32 s5, $0x0;
	s5 =	sld [smem:$0x3FAF]  }
0x2b: {  	s6 =	sld [smem:$0x3FB0]  }
0x2c: {  	s7 =	sld [smem:$0x3FB1]  }
0x2d: {  	s3 =	simm.s32 $0x108;
	s8 =	sld [smem:$0x3FB2]  }
0x2e: {  	s3 =	simm.s32 @!p0 $0x1082;
	s9 =	sld [smem:$0x3FB3]  }
0x2f: {  	lr =	sadd.s32 s0, s3;
	s0 =	sld [smem:$0x3FAA]  }
0x30: {  	s3 =	sld [smem:$0x3FAD]  }
0x31: {  	[smem:$0x3FB6] =	sst s10  }
0x32: {  	s10 =	sld [smem:$0x3FB4];
	_ =	sdelay $0x3  }
0x33: {  	p0 =	seq.s32 s10, $0x1;
	s10 =	sld [smem:$0x3FB6];
	_ =	sdelay $0x3  }
0x34: {  	[smem:$0x3FB6] =	sst s10  }
0x35: {  	s10 =	sld [smem:$0x3FB5];
	_ =	sdelay $0x3  }
0x36: {  	p1 =	seq.s32 s10, $0x1;
	s10 =	sld [smem:$0x3FB6];
	_ =	sdelay $0x3  }
0x37: {  	[smem:$0x3FB6] =	sst s10  }
0x38: {  	s10 =	sld [smem:$0x3FB7]  }
0x39: {  	_ = 	snop;
	(pc) =	sbr.ind lr, $3  }
0x3a: {  	_ = 	snop  }
0x3b: {  	_ = 	snop  }
0x3c: {  	p2 =	seq.s32 s10, $0x1;
	s10 =	sld [smem:$0x3FB6]  }
0x3d: {  	_ =	shalt  }
0x3e: {  	_ =	shalt  }
0x3f: {  	_ =	shalt  }
0x40: {  	_ =	shalt  }
0x41: {  	_ =	shalt  }
0x42: {  	_ =	shalt  }
0x43: {  	_ =	shalt  }
0x44: {  	_ =	shalt  }
0x45: {  	_ =	shalt  }
0x46: {  	_ =	shalt  }
0x47: {  	_ =	shalt  }
0x48: {  	_ =	shalt  }
0x49: {  	_ =	shalt  }
0x4a: {  	_ =	shalt  }
0x4b: {  	_ =	shalt  }
0x4c: {  	_ =	shalt  }
0x4d: {  	_ =	shalt  }
0x4e: {  	_ =	shalt  }
0x4f: {  	_ =	shalt  }
0x50: {  	_ =	shalt  }
0x51: {  	_ =	shalt  }
0x52: {  	_ =	shalt  }
0x53: {  	_ =	shalt  }
0x54: {  	_ =	shalt  }
0x55: {  	_ =	shalt  }
0x56: {  	_ =	shalt  }
0x57: {  	_ =	shalt  }
0x58: {  	_ =	shalt  }
0x59: {  	_ =	shalt  }
0x5a: {  	_ =	shalt  }
0x5b: {  	_ =	shalt  }
0x5c: {  	_ =	shalt  }
0x5d: {  	_ =	shalt  }
0x5e: {  	_ =	shalt  }
0x5f: {  	_ =	shalt  }
0x60: {  	_ =	shalt  }
0x61: {  	_ =	shalt  }
0x62: {  	_ =	shalt  }
0x63: {  	_ =	shalt  }
0x64: {  	_ =	shalt  }
0x65: {  	_ =	shalt  }
0x66: {  	_ =	shalt  }
0x67: {  	_ =	shalt  }
0x68: {  	_ =	shalt  }
0x69: {  	_ =	shalt  }
0x6a: {  	_ =	shalt  }
0x6b: {  	_ =	shalt  }
0x6c: {  	_ =	shalt  }
0x6d: {  	_ =	shalt  }
0x6e: {  	_ =	shalt  }
0x6f: {  	_ =	shalt  }
0x70: {  	_ =	shalt  }
0x71: {  	_ =	shalt  }
0x72: {  	_ =	shalt  }
0x73: {  	_ =	shalt  }
0x74: {  	_ =	shalt  }
0x75: {  	_ =	shalt  }
0x76: {  	_ =	shalt  }
0x77: {  	_ =	shalt  }
0x78: {  	_ =	shalt  }
0x79: {  	_ =	shalt  }
0x7a: {  	_ =	shalt  }
0x7b: {  	_ =	shalt  }
0x7c: {  	_ =	shalt  }
0x7d: {  	_ =	shalt  }
0x7e: {  	_ =	shalt  }
0x7f: {  	_ =	shalt  }
0x80: {  	_ =	shalt  }
0x81: {  	_ =	shalt  }
0x82: {  	_ =	shalt  }
0x83: {  	_ =	shalt  }
0x84: {  	_ =	shalt  }
0x85: {  	_ =	shalt  }
0x86: {  	_ =	shalt  }
0x87: {  	_ =	shalt  }
.Lfunc_end0:
.L_simem_size_0:
called_computation.1_lowered:
.L_overlay_start_0:
0x88: {  	s2 =	sld [smem:$0x3FD9]  }
0x89: {  	s3 =	sld [smem:$0x3FFE];
	_ =	sdelay $0x1  }
0x8a: {  	s1 =	srdreg.scid  }
0x8b: {  	s0 =	sand.u32 $0x1, s1  }
0x8c: {  	s17 =	sshll.u32 s0, $0xA;
	s2 =	sadd.s32 s3, s2  }
0x8d: {  	s2 =	sadd.s32 s2, s17  }
0x8e: {  	[smem:$0x3FC2] =	sst s2  }
0x8f: {  	_ = 	snop  }
0x90: {  	s2 =	sld [smem:$0x3FD0];
	(tm) =	ssettm $0x1  }
0x91: {  	s18 =	sld [smem:$0x3FFB];
	_ =	sdelay $0x3  }
0x92: {  	_ =	strace s18  }
0x93: {  	s3 =	sld [smem:$0x3FFC];
	_ =	sdelay $0x3  }
0x94: {  	_ =	strace s3  }
0x95: {  	s3 =	sld [smem:$0x3FFD];
	_ =	sdelay $0x3  }
0x96: {  	_ =	strace s3  }
0x97: {  	_ =	strace $0x8FFFFFFF  }
0x98: {  	s19 =	sld [smem:$0x3FDB];
	_ =	sdelay $0x1  }
0x99: {  	s4 =	simm.s32 $_scs_section_size  }
0x9a: {  	s5 =	simm.s32 $_size__tile_overlayer_lowered;
	s6 =	simm.s32 $_tile_overlayer_lowered  }
0x9b: {  	s22 =	simm.s32 $0x1BFF;
	s21 =	sshll.u32 s6, $0x1;
	s3 =	sadd.s32 s4, s19  }
0x9c: {  	s7 =	simm.s32 $0x0;
	s20 =	sshll.u32 s5, $0x1;
	s5 =	sadd.s32 s21, s3  }
0x9d: {  	[timem:s7], [sflag:s22] =	dma.local [hbm:s5], s20  }
0x9e: {  	_ =	swait.ge [sflag:s22], s20  }
0x9f: {  	s4 =	ssub.s32 $0x0, s20;
	[sflag:s22] =	ssyncset.done $0x0  }
0xa0: {  	[sflag:s22] =	ssyncadd.s32 s4;
	_ =	sdelay $0x1  }
0xa1: {  	s23 =	simm.s32 $0x1B8B  }
0xa2: {  	_ =	swait.ge [sflag:s23], $0x1  }
0xa3: {  	[sflag:s23] =	ssyncset.done $0x0  }
0xa4: {  	s25 =	simm.s32 $0x1B8E;
	s24 =	sld [smem:$0x3FFE];
	[sflag:s23] =	ssyncadd.s32 $0xFFFFFFFF  }
0xa5: {  	s26 =	simm.s32 $execute0_lowered;
	[smem:$0x3FD2] =	sst s25  }
0xa6: {  	s5 =	sshll.u32 s26, $0x1;
	_ =	strace $0x80000049;
	[dreg:$0x1] =	wrdreg $0xFFFFFFFF  }
0xa7: {  	s28 =	simm.s32 $_size_execute0_lowered;
	s3 =	sadd.s32 s3, s5;
	[dreg:$0x0] =	wrdreg $0x0  }
0xa8: {  	s5 =	sshll.u32 s28, $0x1;
	[dreg:$0x2] =	wrdreg s3  }
0xa9: {  	[dreg:$0x3] =	wrdreg s5  }
0xaa: {  	[dreg:$0x4] =	wrdreg $0xC0  }
0xab: {  	_ =	task [dreg:s7], $0x5FFFF  }
0xac: {  	[dreg:$0x1] =	wrdreg $0xFFFFFFFF  }
0xad: {  	[dreg:$0x0] =	wrdreg $0x60  }
0xae: {  	[dreg:$0x2] =	wrdreg s2  }
0xaf: {  	[dreg:$0x3] =	wrdreg s24  }
0xb0: {  	[dreg:$0x4] =	wrdreg $0x198200  }
0xb1: {  	[dreg:$0x5] =	wrdreg $0x170A00  }
0xb2: {  	[dreg:$0x6] =	wrdreg $0x9  }
0xb3: {  	_ =	task.clear_ibuf [dreg:s7], $0x7FFFF;
	_ =	strace $0x90000049  }
0xb4: {  	s29 =	simm.s32 $0x9;
	_ =	strace $0x8000004B  }
0xb5: {  	_ =	swait.ge [sflag:s29], $0x1  }
0xb6: {  	[sflag:s29] =	ssyncadd.s32 $0xFFFFFFFF  }
0xb7: {  	_ =	strace $0x9000004B  }
0xb8: {  	_ =	sfence  }
0xb9: {  	s30 =	sld [smem:$0x0];
	_ =	sdelay $0x2  }
0xba: {  	s31 =	sshll.u32 s1, $0xD;
	s1 =	sshrl.u32 s1, $0x2  }
0xbb: {  	s3 =	sand.u32 $0x4000, s31;
	s1 =	sadd.s32 s1, s30  }
0xbc: {  	s0 =	sor.u32 s3, s0;
	s1 =	sshll.u32 s1, $0x11  }
0xbd: {  	s0 =	sor.u32 s1, s0  }
0xbe: {  	s0 =	sadd.s32 $0x8F2B, s0  }
0xbf: {  	[sflag:s0] =	ssyncadd.remote.s32 $0x1  }
0xc0: {  	_ =	sfence.sel $0xFFFF  }
0xc1: {  	[dreg:$0x0] =	wrdreg $0xFFFFFFFF;
	(pc) =	sbr.abs _section_cstart, $3  }
0xc2: {  	[dreg:$0x1] =	wrdreg $0xFFFFFFFF  }
0xc3: {  	_ =	task.clear_ibuf [dreg:s7], $0x2FFFF;
	_ =	strace $0x9FFFFFFF  }
0xc4: {  	(tm) =	ssettm $0x7FFFFFFF  }
0xc5: {  	_ =	shalt  }
tec
execute0_lowered:
.L_overlay_start_1:
0x0: {  	(tag) =	ssettag $0x1  }
0x1: {  	s0 =	rddreg [dreg:$0x0]  }
0x2: {  	s1 =	rddreg [dreg:$0x1]  }
0x3: {  	s2 =	rddreg [dreg:$0x2]  }
0x4: {  	s3 =	rddreg [dreg:$0x3]  }
0x5: {  	s4 =	srdreg.scid;
	s9 =	stileid.u32;
	s28 =	simm.s32 $0x7D0  }
0x6: {  	s29 =	simm.s32 $0x4F20;
	s30 =	simm.s32 $0xCC20;
	s31 =	simm.s32 $0x3  }
0x7: {  	s5 =	sand.u32 $0x1, s4;
	s6 =	smul.u32 $0x2780, s9;
	s4 =	simm.s32 $0x0  }
0x8: {  	s22 =	sadd.s32 $0x2800, s1;
	s7 =	smul.u32 $0x27800, s5;
	s8 =	sshll.u32 s5, $0x4  }
0x9: {  	[smem:$0x7FF] =	sst s4;
	s5 =	ssub.s32 $0x2, s5;
	s8 =	sor.u32 s9, s8  }
0xa: {  	_ =	strace $0x8000004A;
	s23 =	sshrl.u32 s5, $0x1;
	s26 =	sshrl.u32 s6, $0x3  }
0xb: {  	s9 =	sadd.s32 s6, s2;
	s7 =	sadd.s32 s6, s7;
	s8 =	smul.u32 $0x2710, s8  }
0xc: {  	s21 =	ssub.s32 s5, s23;
	s23 =	simm.s32 $0x14920;
	s7 =	sshrl.u32 s7, $0x3  }
0xd: {  	s21 =	smax.u32 s21, $0x1;
	s1 =	sadd.s32 s7, s1;
	s10 =	sshrl.u32 s8, $0x3  }
0xe: {  	s5 =	sand.u32 $0x70, s8;
	s24 =	sadd.s32 $0x9C40, s10;
	s25 =	sand.u32 $0xFFF0, s10  }
0xf: {  	s10 =	sadd.s32 s6, s3;
	s11 =	sadd.s32 $0x7D0, s5;
	s12 =	sadd.s32 $0x2790, s5  }
0x10: {  	s13 =	sadd.s32 $0xFA0, s5;
	s14 =	sadd.s32 $0x2F60, s5;
	s15 =	sadd.s32 $0x1770, s5  }
0x11: {  	s16 =	sadd.s32 $0x3730, s5;
	s17 =	sadd.s32 $0x1F40, s5;
	s18 =	sor.u32 $0x3F00, s5  }
0x12: {  	s19 =	sadd.s32 $0x46D0, s5;
	s20 =	sadd.s32 $0x16200, s1;
	s1 =	simm.s32 $0x0  }
0x13: {  	s7 =	sand.u32 $0x1FFF0, s24;
	s8 =	sadd.s32 s22, s25;
	s24 =	simm.s32 $0x5  }
0x14: {  	s25 =	simm.s32 $0x1;
	[dreg:$0x5] =	wrdreg s8;
	s7 =	sadd.s32 s22, s7  }
0x15: {  	v0 =	vimm.f32 $0.0e+00;
	s8 =	sadd.s32 s0, s26;
	s26 =	simm.s32 $0x2;
	s0 =	simm.s32 $0x4  }
.LBB2_1:
0x16: {  	s6 =	rddreg [dreg:$0x5]  }
0x17: {  	[tilespmem:s4], [sflag:$0x1] =	stream.linear.gather [hbm4b:s6+s4], $0x2790, $0x38;
	[tilespmem:$0x1BFA0] =	vst v63  }
0x18: {  	s22 =	simm.s32 $0x2790  }
0x19: {  	[tilespmem:s22], [sflag:$0x2] =	stream.linear.gather [hbm4b:s7+s4], $0x2790, $0x38;
	[tilespmem:$0x1BFA0] =	vst v63  }
0x1a: {  	_ = 	snop  }
0x1b: {  	[tilespmem:s23], [sflag:$0x5] =	stream.linear.gather [hbm4b:s8+s4], $0x2780, $0x38;
	[tilespmem:$0x1BFA0] =	vst v63  }
0x1c: {  	_ =	swait.ge [sflag:s24], $0x2780  }
0x1d: {  	[sflag:s24] =	ssyncset.done $0x0  }
0x1e: {  	[sflag:s24] =	ssyncadd.s32 $0xFFFFD880  }
0x1f: {  	[spmem:s9] =	stream.linear.scatter [tilespmem:s23], [sflag:$0x5], $0x2780, $0x38;
	[tilespmem:$0x1BFA0] =	vst v63  }
0x20: {  	_ =	swait.ge [sflag:s24], $0x2780  }
0x21: {  	[sflag:s24] =	ssyncset.done $0x0  }
0x22: {  	s6 =	simm.s32 $0x200;
	s22 =	simm.s32 $0x0;
	[sflag:s24] =	ssyncadd.s32 $0xFFFFD880  }
.LBB2_2:
0x23: {  	p0 =	sne.s32 s6, $0x9C00;
	[tilespmem:s22+$0x14990] =	vst v0  }
0x24: {  	[tilespmem:s22+$0x14920] =	vst v0  }
0x25: {  	[tilespmem:s22+$0x14930] =	vst v0  }
.Ltmp0:
0x26: {  	[tilespmem:s22+$0x14940] =	vst v0;
	(pc) =	sbr.rel @p0 .LBB2_2-.Ltmp0, $4  }
0x27: {  	[tilespmem:s22+$0x14950] =	vst v0  }
0x28: {  	[tilespmem:s22+$0x14960] =	vst v0  }
0x29: {  	[tilespmem:s22+$0x14970] =	vst v0  }
0x2a: {  	[tilespmem:s22+$0x14980] =	vst v0;
	s22 =	sshra.s32 s6, $0x2;
	s6 =	sadd.s32 $0x200, s6  }
0x2b: {  	[tilespmem:s22+$0x14990] =	vst v0  }
0x2c: {  	[tilespmem:s22+$0x14920] =	vst v0  }
0x2d: {  	[tilespmem:s22+$0x14930] =	vst v0  }
0x2e: {  	[tilespmem:s22+$0x14940] =	vst v0  }
0x2f: {  	[tilespmem:s22+$0x14950] =	vst v0  }
0x30: {  	[tilespmem:s22+$0x14960] =	vst v0  }
0x31: {  	[tilespmem:s22+$0x14970] =	vst v0  }
0x32: {  	[tilespmem:s22+$0x14980] =	vst v0  }
0x33: {  	[spmem:s10] =	stream.linear.scatter [tilespmem:s23], [sflag:$0x5], $0x2780, $0x38;
	[tilespmem:$0x1BFA0] =	vst v63  }
0x34: {  	_ =	swait.ge [sflag:s24], $0x2780  }
0x35: {  	[sflag:s24] =	ssyncset.done $0x0  }
0x36: {  	[sflag:s24] =	ssyncadd.s32 $0xFFFFD880  }
0x37: {  	_ =	swait.ge [sflag:s25], $0x2790  }
0x38: {  	[sflag:s25] =	ssyncset.done $0x0  }
0x39: {  	[sflag:s25] =	ssyncadd.s32 $0xFFFFD870  }
0x3a: {  	_ =	swait.ge [sflag:s26], $0x2790  }
0x3b: {  	[sflag:s26] =	ssyncset.done $0x0  }
0x3c: {  	[sflag:s26] =	ssyncadd.s32 $0xFFFFD870  }
0x3d: {  	[bflag:$0x0] =	sbarrier.arrive $0xFFFF  }
0x3e: {  	[tilespmem:s29], [sflag:$0x1] =	stream.indirect.gather [spmem:s2], $0x10, s5, s28, $0xb8;
	[tilespmem:$0x1BFA0] =	vst v63  }
0x3f: {  	_ =	swait.ge [sflag:s25], $0x7D00  }
0x40: {  	[sflag:s25] =	ssyncset.done $0x0  }
0x41: {  	[sflag:s25] =	ssyncadd.s32 $0xFFFF8300  }
0x42: {  	[tilespmem:s30], [sflag:$0x2] =	stream.indirect.gather [spmem:s2], $0x10, s11, s28, $0xb8;
	[tilespmem:$0x1BFA0] =	vst v63  }
0x43: {  	_ = 	snop  }
0x44: {  	[spmem:s3] =	stream.indirect.scatter.add.f32 [tilespmem:s29], [sflag:$0x3], $0x10, s12, s28, $0xb8;
	[tilespmem:$0x1BFA0] =	vst v63  }
0x45: {  	_ =	swait.ge [sflag:s26], $0x7D00  }
0x46: {  	[sflag:s26] =	ssyncset.done $0x0  }
0x47: {  	[sflag:s26] =	ssyncadd.s32 $0xFFFF8300  }
0x48: {  	_ =	swait.ge [sflag:s31], $0x7D00  }
0x49: {  	[sflag:s31] =	ssyncset.done $0x0  }
0x4a: {  	[sflag:s31] =	ssyncadd.s32 $0xFFFF8300  }
0x4b: {  	[tilespmem:s29], [sflag:$0x1] =	stream.indirect.gather [spmem:s2], $0x10, s13, s28, $0xb8;
	[tilespmem:$0x1BFA0] =	vst v63  }
0x4c: {  	_ = 	snop  }
0x4d: {  	[spmem:s3] =	stream.indirect.scatter.add.f32 [tilespmem:s30], [sflag:$0x4], $0x10, s14, s28, $0xb8;
	[tilespmem:$0x1BFA0] =	vst v63  }
0x4e: {  	_ =	swait.ge [sflag:s25], $0x7D00  }
0x4f: {  	[sflag:s25] =	ssyncset.done $0x0  }
0x50: {  	[sflag:s25] =	ssyncadd.s32 $0xFFFF8300  }
0x51: {  	_ =	swait.ge [sflag:s0], $0x7D00  }
0x52: {  	[sflag:s0] =	ssyncset.done $0x0  }
0x53: {  	[sflag:s0] =	ssyncadd.s32 $0xFFFF8300  }
0x54: {  	[tilespmem:s30], [sflag:$0x2] =	stream.indirect.gather [spmem:s2], $0x10, s15, s28, $0xb8;
	[tilespmem:$0x1BFA0] =	vst v63  }
0x55: {  	_ = 	snop  }
0x56: {  	[spmem:s3] =	stream.indirect.scatter.add.f32 [tilespmem:s29], [sflag:$0x3], $0x10, s16, s28, $0xb8;
	[tilespmem:$0x1BFA0] =	vst v63  }
0x57: {  	_ =	swait.ge [sflag:s26], $0x7D00  }
0x58: {  	[sflag:s26] =	ssyncset.done $0x0  }
0x59: {  	[sflag:s26] =	ssyncadd.s32 $0xFFFF8300  }
0x5a: {  	_ =	swait.ge [sflag:s31], $0x7D00  }
0x5b: {  	[sflag:s31] =	ssyncset.done $0x0  }
0x5c: {  	[sflag:s31] =	ssyncadd.s32 $0xFFFF8300  }
0x5d: {  	[tilespmem:s29], [sflag:$0x1] =	stream.indirect.gather [spmem:s2], $0x10, s17, s28, $0xb8;
	[tilespmem:$0x1BFA0] =	vst v63  }
0x5e: {  	_ = 	snop  }
0x5f: {  	[spmem:s3] =	stream.indirect.scatter.add.f32 [tilespmem:s30], [sflag:$0x4], $0x10, s18, s28, $0xb8;
	[tilespmem:$0x1BFA0] =	vst v63  }
0x60: {  	_ =	swait.ge [sflag:s25], $0x7D00  }
0x61: {  	[sflag:s25] =	ssyncset.done $0x0  }
0x62: {  	[sflag:s25] =	ssyncadd.s32 $0xFFFF8300  }
0x63: {  	[spmem:s3] =	stream.indirect.scatter.add.f32 [tilespmem:s29], [sflag:$0x3], $0x10, s19, s28, $0xb8;
	[tilespmem:$0x1BFA0] =	vst v63  }
0x64: {  	_ =	swait.ge [sflag:s0], $0x7D00  }
0x65: {  	[sflag:s0] =	ssyncset.done $0x0  }
0x66: {  	[sflag:s0] =	ssyncadd.s32 $0xFFFF8300  }
0x67: {  	_ =	swait.ge [sflag:s31], $0x7D00  }
0x68: {  	[sflag:s31] =	ssyncset.done $0x0  }
0x69: {  	[sflag:s31] =	ssyncadd.s32 $0xFFFF8300  }
0x6a: {  	[bflag:$0x0] =	sbarrier.arrive $0xFFFF  }
0x6b: {  	[tilespmem:s23], [sflag:$0x5] =	stream.linear.gather [spmem:s10], $0x2780, $0x38;
	[tilespmem:$0x1BFA0] =	vst v63  }
0x6c: {  	s1 =	sadd.s32 $0x1, s1;
	_ =	swait.ge [sflag:s24], $0x2780  }
0x6d: {  	p0 =	sne.s32 s1, s21;
	[sflag:s24] =	ssyncset.done $0x0  }
.Ltmp1:
0x6e: {  	[sflag:s24] =	ssyncadd.s32 $0xFFFFD880;
	(pc) =	sbr.rel @p0 .LBB2_1-.Ltmp1, $4  }
0x6f: {  	[hbm4b:s20+s4] =	stream.linear.scatter [tilespmem:s23], [sflag:$0x5], $0x2780, $0x38;
	[tilespmem:$0x1BFA0] =	vst v63  }
0x70: {  	_ =	swait.ge [sflag:s24], $0x2780  }
0x71: {  	[sflag:s24] =	ssyncset.done $0x0  }
0x72: {  	[sflag:s24] =	ssyncadd.s32 $0xFFFFD880  }
0x73: {  	_ =	sfence.sel $0x180000  }
0x74: {  	[bflag:$0x0] =	sbarrier.arrive $0xFFFF  }
0x75: {  	_ =	strace $0x9000004A  }
0x76: {  	s0 =	stileid.u32;
	[bflag:$0x2] =	sbarrier.arrive $0xFFFF  }
0x77: {  	p0 =	sne.s32 s0, $0x0;
	s0 =	rddreg [dreg:$0x4]  }
0x78: {  	s0 =	sadd.s32 @!p0 $0x100000, s0  }
0x79: {  	[sflag:s0] =	ssyncadd.tile.s32 @!p0 $0x1;
	_ =	shalt  }
.Lfunc_end2:
_tile_overlayer_lowered:
.L_overlay_start_2:
0x7a: {  	(tag) =	ssettag $0x2  }
0x7b: {  	s0 =	rddreg [dreg:$0x0];
	s2 =	stileid.u32  }
0x7c: {  	s1 =	rddreg [dreg:$0x1];
	p0 =	sne.s32 s2, $0x0  }
0x7d: {  	s3 =	rddreg [dreg:$0x2];
	[bflag:$0x3] =	sbarrier.arrive $0xFFFF;
	s2 =	simm.s32 @!p0 $0x1C05  }
0x7e: {  	[timem:s3], [sflag:s2] =	dma.local @!p0 [hbm:s0], s1  }
0x7f: {  	s0 =	simm.s32 @!p0 $0x5  }
0x80: {  	_ =	swait.ge @!p0 [sflag:s0], s1  }
0x81: {  	s1 =	ssub.s32 @!p0 $0x0, s1;
	[sflag:s0] =	ssyncset.done @!p0 $0x0  }
0x82: {  	[sflag:s0] =	ssyncadd.s32 @!p0 s1  }
0x83: {  	[bflag:$0x3] =	sbarrier.arrive $0xFFFF  }
0x84: {  	_ =	shalt  }

// kernel: kernel.15.cloned.1.call-start
scs
__scs_entry_jumppad:
0x0: {  	(pc) =	sbr.rel $0x88, $3  }
0x1: {  	(tag) =	ssettag $0x0;
	lr =	simm.s32 $0x1  }
0x2: {  	[smem:$0x3F9B] =	sst lr;
	_ =	strace $0xD0000000  }
0x3: {  	_ = 	snop  }
0x4: {  	_ = 	snop  }
0x5: {  	_ = 	snop  }
0x6: {  	_ = 	snop  }
0x7: {  	_ = 	snop  }
__scs_overlays_trampoline_lowered:
0x8: {  	[smem:$0x3FAA] =	sst s0  }
0x9: {  	[smem:$0x3FAB] =	sst s1  }
0xa: {  	[smem:$0x3FAC] =	sst s2  }
0xb: {  	[smem:$0x3FAD] =	sst s3  }
0xc: {  	[smem:$0x3FAE] =	sst s4  }
0xd: {  	[smem:$0x3FAF] =	sst s5  }
0xe: {  	[smem:$0x3FB0] =	sst s6  }
0xf: {  	[smem:$0x3FB1] =	sst s7  }
0x10: {  	[smem:$0x3FB2] =	sst s8  }
0x11: {  	[smem:$0x3FB3] =	sst s9;
	s0 =	simm.s32 @!p0 $0x0  }
0x12: {  	s1 =	sld [smem:$0x3F99];
	s0 =	simm.s32 @p0 $0x1  }
0x13: {  	[smem:$0x3FB4] =	sst s0;
	s0 =	simm.s32 @!p1 $0x0  }
0x14: {  	s2 =	sld [smem:$0x3F98];
	s0 =	simm.s32 @p1 $0x1  }
0x15: {  	[smem:$0x3FB5] =	sst s0;
	s0 =	simm.s32 @!p2 $0x0  }
0x16: {  	s3 =	sld [smem:$0x3FDB];
	s0 =	simm.s32 @p2 $0x1  }
0x17: {  	s4 =	simm.s32 $0x1BF5;
	[smem:$0x3FB7] =	sst s0  }
0x18: {  	s0 =	sld [smem:$0x3F9A];
	_ =	swait.ge [sflag:s4], $0x0  }
0x19: {  	s7 =	sld [smem:$0x3F9B]  }
0x1a: {  	s8 =	sadd.s32 $0xFFFFE003, lr  }
0x1b: {  	s9 =	sadd.s32 $0xFFFFFEF7, lr;
	s5 =	simm.s32 $0xFFFFFFFF;
	p2 =	slt.u32 s8, $0xFFFFF086  }
0x1c: {  	p1 =	slt.u32 s9, $0xF7A;
	s5 =	simm.s32 @!p2 $0x0  }
0x1d: {  	s5 =	simm.s32 @p1 $0x1;
	p0 =	seq.s32 s7, s2  }
0x1e: {  	s7 =	smul.u32 @!p0 $0xF7A, s2;
	p2 =	seq.s32 @!p0 s5, $0x0  }
0x1f: {  	s9 =	smul.u32 $0xF7A, s1;
	s8 =	simm.s32 @!p0 $0x1BF5;
	p2 =	por !p2, p0  }
0x20: {  	[sflag:s8] =	ssyncset.s32 @!p0 $0xFFFFF086;
	s6 =	sadd.s32 @!p0 s3, s7;
	s7 =	simm.s32 @!p0 $0x108  }
0x21: {  	s3 =	sadd.s32 s3, s9;
	s6 =	sadd.s32 @!p0 $0x88, s6;
	s7 =	simm.s32 @p2 $0x1082  }
0x22: {  	[simem:s7], [sflag:s8] =	dma.local @!p0 [hbm:s6], $0xF7A  }
0x23: {  	s9 =	sor.u32 $0xD0000000, s2;
	s6 =	simm.s32 $0x108;
	_ =	swait.ge @!p0 [sflag:s8], $0x0  }
0x24: {  	s3 =	sadd.s32 $0x88, s3;
	s6 =	simm.s32 @!p1 $0x1082;
	[sflag:s4] =	ssyncset.s32 $0xFFFFF086  }
0x25: {  	[simem:s6], [sflag:s4] =	dma.local [hbm:s3], $0xF7A  }
0x26: {  	[smem:$0x3F9B] =	sst s1;
	(tag) =	ssettag s2;
	_ =	strace s9  }
0x27: {  	s1 =	sld [smem:$0x3FAB]  }
0x28: {  	s2 =	sld [smem:$0x3FAC]  }
0x29: {  	s4 =	sld [smem:$0x3FAE]  }
0x2a: {  	p0 =	seq.s32 s5, $0x0;
	s5 =	sld [smem:$0x3FAF]  }
0x2b: {  	s6 =	sld [smem:$0x3FB0]  }
0x2c: {  	s7 =	sld [smem:$0x3FB1]  }
0x2d: {  	s3 =	simm.s32 $0x108;
	s8 =	sld [smem:$0x3FB2]  }
0x2e: {  	s3 =	simm.s32 @!p0 $0x1082;
	s9 =	sld [smem:$0x3FB3]  }
0x2f: {  	lr =	sadd.s32 s0, s3;
	s0 =	sld [smem:$0x3FAA]  }
0x30: {  	s3 =	sld [smem:$0x3FAD]  }
0x31: {  	[smem:$0x3FB6] =	sst s10  }
0x32: {  	s10 =	sld [smem:$0x3FB4];
	_ =	sdelay $0x3  }
0x33: {  	p0 =	seq.s32 s10, $0x1;
	s10 =	sld [smem:$0x3FB6];
	_ =	sdelay $0x3  }
0x34: {  	[smem:$0x3FB6] =	sst s10  }
0x35: {  	s10 =	sld [smem:$0x3FB5];
	_ =	sdelay $0x3  }
0x36: {  	p1 =	seq.s32 s10, $0x1;
	s10 =	sld [smem:$0x3FB6];
	_ =	sdelay $0x3  }
0x37: {  	[smem:$0x3FB6] =	sst s10  }
0x38: {  	s10 =	sld [smem:$0x3FB7]  }
0x39: {  	_ = 	snop;
	(pc) =	sbr.ind lr, $3  }
0x3a: {  	_ = 	snop  }
0x3b: {  	_ = 	snop  }
0x3c: {  	p2 =	seq.s32 s10, $0x1;
	s10 =	sld [smem:$0x3FB6]  }
0x3d: {  	_ =	shalt  }
0x3e: {  	_ =	shalt  }
0x3f: {  	_ =	shalt  }
0x40: {  	_ =	shalt  }
0x41: {  	_ =	shalt  }
0x42: {  	_ =	shalt  }
0x43: {  	_ =	shalt  }
0x44: {  	_ =	shalt  }
0x45: {  	_ =	shalt  }
0x46: {  	_ =	shalt  }
0x47: {  	_ =	shalt  }
0x48: {  	_ =	shalt  }
0x49: {  	_ =	shalt  }
0x4a: {  	_ =	shalt  }
0x4b: {  	_ =	shalt  }
0x4c: {  	_ =	shalt  }
0x4d: {  	_ =	shalt  }
0x4e: {  	_ =	shalt  }
0x4f: {  	_ =	shalt  }
0x50: {  	_ =	shalt  }
0x51: {  	_ =	shalt  }
0x52: {  	_ =	shalt  }
0x53: {  	_ =	shalt  }
0x54: {  	_ =	shalt  }
0x55: {  	_ =	shalt  }
0x56: {  	_ =	shalt  }
0x57: {  	_ =	shalt  }
0x58: {  	_ =	shalt  }
0x59: {  	_ =	shalt  }
0x5a: {  	_ =	shalt  }
0x5b: {  	_ =	shalt  }
0x5c: {  	_ =	shalt  }
0x5d: {  	_ =	shalt  }
0x5e: {  	_ =	shalt  }
0x5f: {  	_ =	shalt  }
0x60: {  	_ =	shalt  }
0x61: {  	_ =	shalt  }
0x62: {  	_ =	shalt  }
0x63: {  	_ =	shalt  }
0x64: {  	_ =	shalt  }
0x65: {  	_ =	shalt  }
0x66: {  	_ =	shalt  }
0x67: {  	_ =	shalt  }
0x68: {  	_ =	shalt  }
0x69: {  	_ =	shalt  }
0x6a: {  	_ =	shalt  }
0x6b: {  	_ =	shalt  }
0x6c: {  	_ =	shalt  }
0x6d: {  	_ =	shalt  }
0x6e: {  	_ =	shalt  }
0x6f: {  	_ =	shalt  }
0x70: {  	_ =	shalt  }
0x71: {  	_ =	shalt  }
0x72: {  	_ =	shalt  }
0x73: {  	_ =	shalt  }
0x74: {  	_ =	shalt  }
0x75: {  	_ =	shalt  }
0x76: {  	_ =	shalt  }
0x77: {  	_ =	shalt  }
0x78: {  	_ =	shalt  }
0x79: {  	_ =	shalt  }
0x7a: {  	_ =	shalt  }
0x7b: {  	_ =	shalt  }
0x7c: {  	_ =	shalt  }
0x7d: {  	_ =	shalt  }
0x7e: {  	_ =	shalt  }
0x7f: {  	_ =	shalt  }
0x80: {  	_ =	shalt  }
0x81: {  	_ =	shalt  }
0x82: {  	_ =	shalt  }
0x83: {  	_ =	shalt  }
0x84: {  	_ =	shalt  }
0x85: {  	_ =	shalt  }
0x86: {  	_ =	shalt  }
0x87: {  	_ =	shalt  }
.Lfunc_end0:
.L_simem_size_0:
called_computation.2_lowered:
.L_overlay_start_0:
0x88: {  	s2 =	sld [smem:$0x3FD9]  }
0x89: {  	s3 =	sld [smem:$0x3FFE];
	_ =	sdelay $0x1  }
0x8a: {  	s1 =	srdreg.scid  }
0x8b: {  	s0 =	sand.u32 $0x1, s1  }
0x8c: {  	s17 =	sshll.u32 s0, $0xA;
	s2 =	sadd.s32 s3, s2  }
0x8d: {  	s2 =	sadd.s32 s2, s17  }
0x8e: {  	[smem:$0x3FC2] =	sst s2  }
0x8f: {  	_ = 	snop  }
0x90: {  	s2 =	sld [smem:$0x3FD0];
	(tm) =	ssettm $0x1  }
0x91: {  	s18 =	sld [smem:$0x3FFB];
	_ =	sdelay $0x3  }
0x92: {  	_ =	strace s18  }
0x93: {  	s3 =	sld [smem:$0x3FFC];
	_ =	sdelay $0x3  }
0x94: {  	_ =	strace s3  }
0x95: {  	s3 =	sld [smem:$0x3FFD];
	_ =	sdelay $0x3  }
0x96: {  	_ =	strace s3  }
0x97: {  	_ =	strace $0x8FFFFFFF  }
0x98: {  	s19 =	sld [smem:$0x3FDB];
	_ =	sdelay $0x1  }
0x99: {  	s4 =	simm.s32 $_scs_section_size  }
0x9a: {  	s5 =	simm.s32 $_size__tile_overlayer_lowered;
	s6 =	simm.s32 $_tile_overlayer_lowered  }
0x9b: {  	s22 =	simm.s32 $0x1BFF;
	s21 =	sshll.u32 s6, $0x1;
	s3 =	sadd.s32 s4, s19  }
0x9c: {  	s7 =	simm.s32 $0x0;
	s20 =	sshll.u32 s5, $0x1;
	s5 =	sadd.s32 s21, s3  }
0x9d: {  	[timem:s7], [sflag:s22] =	dma.local [hbm:s5], s20  }
0x9e: {  	_ =	swait.ge [sflag:s22], s20  }
0x9f: {  	s4 =	ssub.s32 $0x0, s20;
	[sflag:s22] =	ssyncset.done $0x0  }
0xa0: {  	[sflag:s22] =	ssyncadd.s32 s4;
	_ =	sdelay $0x1  }
0xa1: {  	s23 =	simm.s32 $0x1B8B  }
0xa2: {  	_ =	swait.ge [sflag:s23], $0x1  }
0xa3: {  	[sflag:s23] =	ssyncset.done $0x0  }
0xa4: {  	s25 =	simm.s32 $0x1B8E;
	s24 =	sld [smem:$0x3FFE];
	[sflag:s23] =	ssyncadd.s32 $0xFFFFFFFF  }
0xa5: {  	s26 =	simm.s32 $execute0_lowered;
	[smem:$0x3FD2] =	sst s25  }
0xa6: {  	s5 =	sshll.u32 s26, $0x1;
	_ =	strace $0x8000004C;
	[dreg:$0x1] =	wrdreg $0xFFFFFFFF  }
0xa7: {  	s28 =	simm.s32 $_size_execute0_lowered;
	s3 =	sadd.s32 s3, s5;
	[dreg:$0x0] =	wrdreg $0x0  }
0xa8: {  	s5 =	sshll.u32 s28, $0x1;
	[dreg:$0x2] =	wrdreg s3  }
0xa9: {  	[dreg:$0x3] =	wrdreg s5  }
0xaa: {  	[dreg:$0x4] =	wrdreg $0xC0  }
0xab: {  	_ =	task [dreg:s7], $0x5FFFF  }
0xac: {  	[dreg:$0x1] =	wrdreg $0xFFFFFFFF  }
0xad: {  	[dreg:$0x0] =	wrdreg $0x60  }
0xae: {  	[dreg:$0x2] =	wrdreg s2  }
0xaf: {  	[dreg:$0x3] =	wrdreg s24  }
0xb0: {  	[dreg:$0x4] =	wrdreg $0x198200  }
0xb1: {  	[dreg:$0x5] =	wrdreg $0x170A00  }
0xb2: {  	[dreg:$0x6] =	wrdreg $0x9  }
0xb3: {  	_ =	task.clear_ibuf [dreg:s7], $0x7FFFF;
	_ =	strace $0x9000004C  }
0xb4: {  	s29 =	simm.s32 $0x9;
	_ =	strace $0x8000004E  }
0xb5: {  	_ =	swait.ge [sflag:s29], $0x1  }
0xb6: {  	[sflag:s29] =	ssyncadd.s32 $0xFFFFFFFF  }
0xb7: {  	_ =	strace $0x9000004E  }
0xb8: {  	_ =	sfence  }
0xb9: {  	s30 =	sld [smem:$0x0];
	_ =	sdelay $0x2  }
0xba: {  	s31 =	sshll.u32 s1, $0xD;
	s1 =	sshrl.u32 s1, $0x2  }
0xbb: {  	s3 =	sand.u32 $0x4000, s31;
	s1 =	sadd.s32 s1, s30  }
0xbc: {  	s0 =	sor.u32 s3, s0;
	s1 =	sshll.u32 s1, $0x11  }
0xbd: {  	s0 =	sor.u32 s1, s0  }
0xbe: {  	s0 =	sadd.s32 $0x8F2B, s0  }
0xbf: {  	[sflag:s0] =	ssyncadd.remote.s32 $0x1  }
0xc0: {  	_ =	sfence.sel $0xFFFF  }
0xc1: {  	[dreg:$0x0] =	wrdreg $0xFFFFFFFF;
	(pc) =	sbr.abs _section_cstart, $3  }
0xc2: {  	[dreg:$0x1] =	wrdreg $0xFFFFFFFF  }
0xc3: {  	_ =	task.clear_ibuf [dreg:s7], $0x2FFFF;
	_ =	strace $0x9FFFFFFF  }
0xc4: {  	(tm) =	ssettm $0x7FFFFFFF  }
0xc5: {  	_ =	shalt  }
tec
execute0_lowered:
.L_overlay_start_1:
0x0: {  	(tag) =	ssettag $0x1  }
0x1: {  	s0 =	rddreg [dreg:$0x0]  }
0x2: {  	s1 =	rddreg [dreg:$0x1]  }
0x3: {  	s2 =	rddreg [dreg:$0x2]  }
0x4: {  	s3 =	rddreg [dreg:$0x3]  }
0x5: {  	s4 =	srdreg.scid;
	s9 =	stileid.u32;
	s28 =	simm.s32 $0x7D0  }
0x6: {  	s29 =	simm.s32 $0x4F20;
	s30 =	simm.s32 $0xCC20;
	s31 =	simm.s32 $0x3  }
0x7: {  	s5 =	sand.u32 $0x1, s4;
	s6 =	smul.u32 $0x2780, s9;
	s4 =	simm.s32 $0x0  }
0x8: {  	s22 =	sadd.s32 $0x2800, s1;
	s7 =	smul.u32 $0x27800, s5;
	s8 =	sshll.u32 s5, $0x4  }
0x9: {  	[smem:$0x7FF] =	sst s4;
	s5 =	ssub.s32 $0x2, s5;
	s8 =	sor.u32 s9, s8  }
0xa: {  	_ =	strace $0x8000004D;
	s23 =	sshrl.u32 s5, $0x1;
	s26 =	sshrl.u32 s6, $0x3  }
0xb: {  	s9 =	sadd.s32 s6, s2;
	s7 =	sadd.s32 s6, s7;
	s8 =	smul.u32 $0x2710, s8  }
0xc: {  	s21 =	ssub.s32 s5, s23;
	s23 =	simm.s32 $0x14920;
	s7 =	sshrl.u32 s7, $0x3  }
0xd: {  	s21 =	smax.u32 s21, $0x1;
	s1 =	sadd.s32 s7, s1;
	s10 =	sshrl.u32 s8, $0x3  }
0xe: {  	s5 =	sand.u32 $0x70, s8;
	s24 =	sadd.s32 $0x9C40, s10;
	s25 =	sand.u32 $0xFFF0, s10  }
0xf: {  	s10 =	sadd.s32 s6, s3;
	s11 =	sadd.s32 $0x7D0, s5;
	s12 =	sadd.s32 $0x2790, s5  }
0x10: {  	s13 =	sadd.s32 $0xFA0, s5;
	s14 =	sadd.s32 $0x2F60, s5;
	s15 =	sadd.s32 $0x1770, s5  }
0x11: {  	s16 =	sadd.s32 $0x3730, s5;
	s17 =	sadd.s32 $0x1F40, s5;
	s18 =	sor.u32 $0x3F00, s5  }
0x12: {  	s19 =	sadd.s32 $0x46D0, s5;
	s20 =	sadd.s32 $0x16200, s1;
	s1 =	simm.s32 $0x0  }
0x13: {  	s7 =	sand.u32 $0x1FFF0, s24;
	s8 =	sadd.s32 s22, s25;
	s24 =	simm.s32 $0x5  }
0x14: {  	s25 =	simm.s32 $0x1;
	[dreg:$0x5] =	wrdreg s8;
	s7 =	sadd.s32 s22, s7  }
0x15: {  	v0 =	vimm.f32 $0.0e+00;
	s8 =	sadd.s32 s0, s26;
	s26 =	simm.s32 $0x2;
	s0 =	simm.s32 $0x4  }
.LBB2_1:
0x16: {  	s6 =	rddreg [dreg:$0x5]  }
0x17: {  	[tilespmem:s4], [sflag:$0x1] =	stream.linear.gather [hbm4b:s6+s4], $0x2790, $0x38;
	[tilespmem:$0x1BFA0] =	vst v63  }
0x18: {  	s22 =	simm.s32 $0x2790  }
0x19: {  	[tilespmem:s22], [sflag:$0x2] =	stream.linear.gather [hbm4b:s7+s4], $0x2790, $0x38;
	[tilespmem:$0x1BFA0] =	vst v63  }
0x1a: {  	_ = 	snop  }
0x1b: {  	[tilespmem:s23], [sflag:$0x5] =	stream.linear.gather [hbm4b:s8+s4], $0x2780, $0x38;
	[tilespmem:$0x1BFA0] =	vst v63  }
0x1c: {  	_ =	swait.ge [sflag:s24], $0x2780  }
0x1d: {  	[sflag:s24] =	ssyncset.done $0x0  }
0x1e: {  	[sflag:s24] =	ssyncadd.s32 $0xFFFFD880  }
0x1f: {  	[spmem:s9] =	stream.linear.scatter [tilespmem:s23], [sflag:$0x5], $0x2780, $0x38;
	[tilespmem:$0x1BFA0] =	vst v63  }
0x20: {  	_ =	swait.ge [sflag:s24], $0x2780  }
0x21: {  	[sflag:s24] =	ssyncset.done $0x0  }
0x22: {  	s6 =	simm.s32 $0x200;
	s22 =	simm.s32 $0x0;
	[sflag:s24] =	ssyncadd.s32 $0xFFFFD880  }
.LBB2_2:
0x23: {  	p0 =	sne.s32 s6, $0x9C00;
	[tilespmem:s22+$0x14990] =	vst v0  }
0x24: {  	[tilespmem:s22+$0x14920] =	vst v0  }
0x25: {  	[tilespmem:s22+$0x14930] =	vst v0  }
.Ltmp0:
0x26: {  	[tilespmem:s22+$0x14940] =	vst v0;
	(pc) =	sbr.rel @p0 .LBB2_2-.Ltmp0, $4  }
0x27: {  	[tilespmem:s22+$0x14950] =	vst v0  }
0x28: {  	[tilespmem:s22+$0x14960] =	vst v0  }
0x29: {  	[tilespmem:s22+$0x14970] =	vst v0  }
0x2a: {  	[tilespmem:s22+$0x14980] =	vst v0;
	s22 =	sshra.s32 s6, $0x2;
	s6 =	sadd.s32 $0x200, s6  }
0x2b: {  	[tilespmem:s22+$0x14990] =	vst v0  }
0x2c: {  	[tilespmem:s22+$0x14920] =	vst v0  }
0x2d: {  	[tilespmem:s22+$0x14930] =	vst v0  }
0x2e: {  	[tilespmem:s22+$0x14940] =	vst v0  }
0x2f: {  	[tilespmem:s22+$0x14950] =	vst v0  }
0x30: {  	[tilespmem:s22+$0x14960] =	vst v0  }
0x31: {  	[tilespmem:s22+$0x14970] =	vst v0  }
0x32: {  	[tilespmem:s22+$0x14980] =	vst v0  }
0x33: {  	[spmem:s10] =	stream.linear.scatter [tilespmem:s23], [sflag:$0x5], $0x2780, $0x38;
	[tilespmem:$0x1BFA0] =	vst v63  }
0x34: {  	_ =	swait.ge [sflag:s24], $0x2780  }
0x35: {  	[sflag:s24] =	ssyncset.done $0x0  }
0x36: {  	[sflag:s24] =	ssyncadd.s32 $0xFFFFD880  }
0x37: {  	_ =	swait.ge [sflag:s25], $0x2790  }
0x38: {  	[sflag:s25] =	ssyncset.done $0x0  }
0x39: {  	[sflag:s25] =	ssyncadd.s32 $0xFFFFD870  }
0x3a: {  	_ =	swait.ge [sflag:s26], $0x2790  }
0x3b: {  	[sflag:s26] =	ssyncset.done $0x0  }
0x3c: {  	[sflag:s26] =	ssyncadd.s32 $0xFFFFD870  }
0x3d: {  	[bflag:$0x0] =	sbarrier.arrive $0xFFFF  }
0x3e: {  	[tilespmem:s29], [sflag:$0x1] =	stream.indirect.gather [spmem:s2], $0x10, s5, s28, $0xb8;
	[tilespmem:$0x1BFA0] =	vst v63  }
0x3f: {  	_ =	swait.ge [sflag:s25], $0x7D00  }
0x40: {  	[sflag:s25] =	ssyncset.done $0x0  }
0x41: {  	[sflag:s25] =	ssyncadd.s32 $0xFFFF8300  }
0x42: {  	[tilespmem:s30], [sflag:$0x2] =	stream.indirect.gather [spmem:s2], $0x10, s11, s28, $0xb8;
	[tilespmem:$0x1BFA0] =	vst v63  }
0x43: {  	_ = 	snop  }
0x44: {  	[spmem:s3] =	stream.indirect.scatter.add.f32 [tilespmem:s29], [sflag:$0x3], $0x10, s12, s28, $0xb8;
	[tilespmem:$0x1BFA0] =	vst v63  }
0x45: {  	_ =	swait.ge [sflag:s26], $0x7D00  }
0x46: {  	[sflag:s26] =	ssyncset.done $0x0  }
0x47: {  	[sflag:s26] =	ssyncadd.s32 $0xFFFF8300  }
0x48: {  	_ =	swait.ge [sflag:s31], $0x7D00  }
0x49: {  	[sflag:s31] =	ssyncset.done $0x0  }
0x4a: {  	[sflag:s31] =	ssyncadd.s32 $0xFFFF8300  }
0x4b: {  	[tilespmem:s29], [sflag:$0x1] =	stream.indirect.gather [spmem:s2], $0x10, s13, s28, $0xb8;
	[tilespmem:$0x1BFA0] =	vst v63  }
0x4c: {  	_ = 	snop  }
0x4d: {  	[spmem:s3] =	stream.indirect.scatter.add.f32 [tilespmem:s30], [sflag:$0x4], $0x10, s14, s28, $0xb8;
	[tilespmem:$0x1BFA0] =	vst v63  }
0x4e: {  	_ =	swait.ge [sflag:s25], $0x7D00  }
0x4f: {  	[sflag:s25] =	ssyncset.done $0x0  }
0x50: {  	[sflag:s25] =	ssyncadd.s32 $0xFFFF8300  }
0x51: {  	_ =	swait.ge [sflag:s0], $0x7D00  }
0x52: {  	[sflag:s0] =	ssyncset.done $0x0  }
0x53: {  	[sflag:s0] =	ssyncadd.s32 $0xFFFF8300  }
0x54: {  	[tilespmem:s30], [sflag:$0x2] =	stream.indirect.gather [spmem:s2], $0x10, s15, s28, $0xb8;
	[tilespmem:$0x1BFA0] =	vst v63  }
0x55: {  	_ = 	snop  }
0x56: {  	[spmem:s3] =	stream.indirect.scatter.add.f32 [tilespmem:s29], [sflag:$0x3], $0x10, s16, s28, $0xb8;
	[tilespmem:$0x1BFA0] =	vst v63  }
0x57: {  	_ =	swait.ge [sflag:s26], $0x7D00  }
0x58: {  	[sflag:s26] =	ssyncset.done $0x0  }
0x59: {  	[sflag:s26] =	ssyncadd.s32 $0xFFFF8300  }
0x5a: {  	_ =	swait.ge [sflag:s31], $0x7D00  }
0x5b: {  	[sflag:s31] =	ssyncset.done $0x0  }
0x5c: {  	[sflag:s31] =	ssyncadd.s32 $0xFFFF8300  }
0x5d: {  	[tilespmem:s29], [sflag:$0x1] =	stream.indirect.gather [spmem:s2], $0x10, s17, s28, $0xb8;
	[tilespmem:$0x1BFA0] =	vst v63  }
0x5e: {  	_ = 	snop  }
0x5f: {  	[spmem:s3] =	stream.indirect.scatter.add.f32 [tilespmem:s30], [sflag:$0x4], $0x10, s18, s28, $0xb8;
	[tilespmem:$0x1BFA0] =	vst v63  }
0x60: {  	_ =	swait.ge [sflag:s25], $0x7D00  }
0x61: {  	[sflag:s25] =	ssyncset.done $0x0  }
0x62: {  	[sflag:s25] =	ssyncadd.s32 $0xFFFF8300  }
0x63: {  	[spmem:s3] =	stream.indirect.scatter.add.f32 [tilespmem:s29], [sflag:$0x3], $0x10, s19, s28, $0xb8;
	[tilespmem:$0x1BFA0] =	vst v63  }
0x64: {  	_ =	swait.ge [sflag:s0], $0x7D00  }
0x65: {  	[sflag:s0] =	ssyncset.done $0x0  }
0x66: {  	[sflag:s0] =	ssyncadd.s32 $0xFFFF8300  }
0x67: {  	_ =	swait.ge [sflag:s31], $0x7D00  }
0x68: {  	[sflag:s31] =	ssyncset.done $0x0  }
0x69: {  	[sflag:s31] =	ssyncadd.s32 $0xFFFF8300  }
0x6a: {  	[bflag:$0x0] =	sbarrier.arrive $0xFFFF  }
0x6b: {  	[tilespmem:s23], [sflag:$0x5] =	stream.linear.gather [spmem:s10], $0x2780, $0x38;
	[tilespmem:$0x1BFA0] =	vst v63  }
0x6c: {  	s1 =	sadd.s32 $0x1, s1;
	_ =	swait.ge [sflag:s24], $0x2780  }
0x6d: {  	p0 =	sne.s32 s1, s21;
	[sflag:s24] =	ssyncset.done $0x0  }
.Ltmp1:
0x6e: {  	[sflag:s24] =	ssyncadd.s32 $0xFFFFD880;
	(pc) =	sbr.rel @p0 .LBB2_1-.Ltmp1, $4  }
0x6f: {  	[hbm4b:s20+s4] =	stream.linear.scatter [tilespmem:s23], [sflag:$0x5], $0x2780, $0x38;
	[tilespmem:$0x1BFA0] =	vst v63  }
0x70: {  	_ =	swait.ge [sflag:s24], $0x2780  }
0x71: {  	[sflag:s24] =	ssyncset.done $0x0  }
0x72: {  	[sflag:s24] =	ssyncadd.s32 $0xFFFFD880  }
0x73: {  	_ =	sfence.sel $0x180000  }
0x74: {  	[bflag:$0x0] =	sbarrier.arrive $0xFFFF  }
0x75: {  	_ =	strace $0x9000004D  }
0x76: {  	s0 =	stileid.u32;
	[bflag:$0x2] =	sbarrier.arrive $0xFFFF  }
0x77: {  	p0 =	sne.s32 s0, $0x0;
	s0 =	rddreg [dreg:$0x4]  }
0x78: {  	s0 =	sadd.s32 @!p0 $0x100000, s0  }
0x79: {  	[sflag:s0] =	ssyncadd.tile.s32 @!p0 $0x1;
	_ =	shalt  }
.Lfunc_end2:
_tile_overlayer_lowered:
.L_overlay_start_2:
0x7a: {  	(tag) =	ssettag $0x2  }
0x7b: {  	s0 =	rddreg [dreg:$0x0];
	s2 =	stileid.u32  }
0x7c: {  	s1 =	rddreg [dreg:$0x1];
	p0 =	sne.s32 s2, $0x0  }
0x7d: {  	s3 =	rddreg [dreg:$0x2];
	[bflag:$0x3] =	sbarrier.arrive $0xFFFF;
	s2 =	simm.s32 @!p0 $0x1C05  }
0x7e: {  	[timem:s3], [sflag:s2] =	dma.local @!p0 [hbm:s0], s1  }
0x7f: {  	s0 =	simm.s32 @!p0 $0x5  }
0x80: {  	_ =	swait.ge @!p0 [sflag:s0], s1  }
0x81: {  	s1 =	ssub.s32 @!p0 $0x0, s1;
	[sflag:s0] =	ssyncset.done @!p0 $0x0  }
0x82: {  	[sflag:s0] =	ssyncadd.s32 @!p0 s1  }
0x83: {  	[bflag:$0x3] =	sbarrier.arrive $0xFFFF  }
0x84: {  	_ =	shalt  }

// kernel: kernel.9.cloned.1.call-start
scs
__scs_entry_jumppad:
0x0: {  	(pc) =	sbr.rel $0x88, $3  }
0x1: {  	(tag) =	ssettag $0x0;
	lr =	simm.s32 $0x1  }
0x2: {  	[smem:$0x3F9B] =	sst lr;
	_ =	strace $0xD0000000  }
0x3: {  	_ = 	snop  }
0x4: {  	_ = 	snop  }
0x5: {  	_ = 	snop  }
0x6: {  	_ = 	snop  }
0x7: {  	_ = 	snop  }
__scs_overlays_trampoline_lowered:
0x8: {  	[smem:$0x3FAA] =	sst s0  }
0x9: {  	[smem:$0x3FAB] =	sst s1  }
0xa: {  	[smem:$0x3FAC] =	sst s2  }
0xb: {  	[smem:$0x3FAD] =	sst s3  }
0xc: {  	[smem:$0x3FAE] =	sst s4  }
0xd: {  	[smem:$0x3FAF] =	sst s5  }
0xe: {  	[smem:$0x3FB0] =	sst s6  }
0xf: {  	[smem:$0x3FB1] =	sst s7  }
0x10: {  	[smem:$0x3FB2] =	sst s8  }
0x11: {  	[smem:$0x3FB3] =	sst s9;
	s0 =	simm.s32 @!p0 $0x0  }
0x12: {  	s1 =	sld [smem:$0x3F99];
	s0 =	simm.s32 @p0 $0x1  }
0x13: {  	[smem:$0x3FB4] =	sst s0;
	s0 =	simm.s32 @!p1 $0x0  }
0x14: {  	s2 =	sld [smem:$0x3F98];
	s0 =	simm.s32 @p1 $0x1  }
0x15: {  	[smem:$0x3FB5] =	sst s0;
	s0 =	simm.s32 @!p2 $0x0  }
0x16: {  	s3 =	sld [smem:$0x3FDB];
	s0 =	simm.s32 @p2 $0x1  }
0x17: {  	s4 =	simm.s32 $0x1BF5;
	[smem:$0x3FB7] =	sst s0  }
0x18: {  	s0 =	sld [smem:$0x3F9A];
	_ =	swait.ge [sflag:s4], $0x0  }
0x19: {  	s7 =	sld [smem:$0x3F9B]  }
0x1a: {  	s8 =	sadd.s32 $0xFFFFE003, lr  }
0x1b: {  	s9 =	sadd.s32 $0xFFFFFEF7, lr;
	s5 =	simm.s32 $0xFFFFFFFF;
	p2 =	slt.u32 s8, $0xFFFFF086  }
0x1c: {  	p1 =	slt.u32 s9, $0xF7A;
	s5 =	simm.s32 @!p2 $0x0  }
0x1d: {  	s5 =	simm.s32 @p1 $0x1;
	p0 =	seq.s32 s7, s2  }
0x1e: {  	s7 =	smul.u32 @!p0 $0xF7A, s2;
	p2 =	seq.s32 @!p0 s5, $0x0  }
0x1f: {  	s9 =	smul.u32 $0xF7A, s1;
	s8 =	simm.s32 @!p0 $0x1BF5;
	p2 =	por !p2, p0  }
0x20: {  	[sflag:s8] =	ssyncset.s32 @!p0 $0xFFFFF086;
	s6 =	sadd.s32 @!p0 s3, s7;
	s7 =	simm.s32 @!p0 $0x108  }
0x21: {  	s3 =	sadd.s32 s3, s9;
	s6 =	sadd.s32 @!p0 $0x88, s6;
	s7 =	simm.s32 @p2 $0x1082  }
0x22: {  	[simem:s7], [sflag:s8] =	dma.local @!p0 [hbm:s6], $0xF7A  }
0x23: {  	s9 =	sor.u32 $0xD0000000, s2;
	s6 =	simm.s32 $0x108;
	_ =	swait.ge @!p0 [sflag:s8], $0x0  }
0x24: {  	s3 =	sadd.s32 $0x88, s3;
	s6 =	simm.s32 @!p1 $0x1082;
	[sflag:s4] =	ssyncset.s32 $0xFFFFF086  }
0x25: {  	[simem:s6], [sflag:s4] =	dma.local [hbm:s3], $0xF7A  }
0x26: {  	[smem:$0x3F9B] =	sst s1;
	(tag) =	ssettag s2;
	_ =	strace s9  }
0x27: {  	s1 =	sld [smem:$0x3FAB]  }
0x28: {  	s2 =	sld [smem:$0x3FAC]  }
0x29: {  	s4 =	sld [smem:$0x3FAE]  }
0x2a: {  	p0 =	seq.s32 s5, $0x0;
	s5 =	sld [smem:$0x3FAF]  }
0x2b: {  	s6 =	sld [smem:$0x3FB0]  }
0x2c: {  	s7 =	sld [smem:$0x3FB1]  }
0x2d: {  	s3 =	simm.s32 $0x108;
	s8 =	sld [smem:$0x3FB2]  }
0x2e: {  	s3 =	simm.s32 @!p0 $0x1082;
	s9 =	sld [smem:$0x3FB3]  }
0x2f: {  	lr =	sadd.s32 s0, s3;
	s0 =	sld [smem:$0x3FAA]  }
0x30: {  	s3 =	sld [smem:$0x3FAD]  }
0x31: {  	[smem:$0x3FB6] =	sst s10  }
0x32: {  	s10 =	sld [smem:$0x3FB4];
	_ =	sdelay $0x3  }
0x33: {  	p0 =	seq.s32 s10, $0x1;
	s10 =	sld [smem:$0x3FB6];
	_ =	sdelay $0x3  }
0x34: {  	[smem:$0x3FB6] =	sst s10  }
0x35: {  	s10 =	sld [smem:$0x3FB5];
	_ =	sdelay $0x3  }
0x36: {  	p1 =	seq.s32 s10, $0x1;
	s10 =	sld [smem:$0x3FB6];
	_ =	sdelay $0x3  }
0x37: {  	[smem:$0x3FB6] =	sst s10  }
0x38: {  	s10 =	sld [smem:$0x3FB7]  }
0x39: {  	_ = 	snop;
	(pc) =	sbr.ind lr, $3  }
0x3a: {  	_ = 	snop  }
0x3b: {  	_ = 	snop  }
0x3c: {  	p2 =	seq.s32 s10, $0x1;
	s10 =	sld [smem:$0x3FB6]  }
0x3d: {  	_ =	shalt  }
0x3e: {  	_ =	shalt  }
0x3f: {  	_ =	shalt  }
0x40: {  	_ =	shalt  }
0x41: {  	_ =	shalt  }
0x42: {  	_ =	shalt  }
0x43: {  	_ =	shalt  }
0x44: {  	_ =	shalt  }
0x45: {  	_ =	shalt  }
0x46: {  	_ =	shalt  }
0x47: {  	_ =	shalt  }
0x48: {  	_ =	shalt  }
0x49: {  	_ =	shalt  }
0x4a: {  	_ =	shalt  }
0x4b: {  	_ =	shalt  }
0x4c: {  	_ =	shalt  }
0x4d: {  	_ =	shalt  }
0x4e: {  	_ =	shalt  }
0x4f: {  	_ =	shalt  }
0x50: {  	_ =	shalt  }
0x51: {  	_ =	shalt  }
0x52: {  	_ =	shalt  }
0x53: {  	_ =	shalt  }
0x54: {  	_ =	shalt  }
0x55: {  	_ =	shalt  }
0x56: {  	_ =	shalt  }
0x57: {  	_ =	shalt  }
0x58: {  	_ =	shalt  }
0x59: {  	_ =	shalt  }
0x5a: {  	_ =	shalt  }
0x5b: {  	_ =	shalt  }
0x5c: {  	_ =	shalt  }
0x5d: {  	_ =	shalt  }
0x5e: {  	_ =	shalt  }
0x5f: {  	_ =	shalt  }
0x60: {  	_ =	shalt  }
0x61: {  	_ =	shalt  }
0x62: {  	_ =	shalt  }
0x63: {  	_ =	shalt  }
0x64: {  	_ =	shalt  }
0x65: {  	_ =	shalt  }
0x66: {  	_ =	shalt  }
0x67: {  	_ =	shalt  }
0x68: {  	_ =	shalt  }
0x69: {  	_ =	shalt  }
0x6a: {  	_ =	shalt  }
0x6b: {  	_ =	shalt  }
0x6c: {  	_ =	shalt  }
0x6d: {  	_ =	shalt  }
0x6e: {  	_ =	shalt  }
0x6f: {  	_ =	shalt  }
0x70: {  	_ =	shalt  }
0x71: {  	_ =	shalt  }
0x72: {  	_ =	shalt  }
0x73: {  	_ =	shalt  }
0x74: {  	_ =	shalt  }
0x75: {  	_ =	shalt  }
0x76: {  	_ =	shalt  }
0x77: {  	_ =	shalt  }
0x78: {  	_ =	shalt  }
0x79: {  	_ =	shalt  }
0x7a: {  	_ =	shalt  }
0x7b: {  	_ =	shalt  }
0x7c: {  	_ =	shalt  }
0x7d: {  	_ =	shalt  }
0x7e: {  	_ =	shalt  }
0x7f: {  	_ =	shalt  }
0x80: {  	_ =	shalt  }
0x81: {  	_ =	shalt  }
0x82: {  	_ =	shalt  }
0x83: {  	_ =	shalt  }
0x84: {  	_ =	shalt  }
0x85: {  	_ =	shalt  }
0x86: {  	_ =	shalt  }
0x87: {  	_ =	shalt  }
.Lfunc_end0:
.L_simem_size_0:
called_computation_lowered:
.L_overlay_start_0:
0x88: {  	s2 =	sld [smem:$0x3FD9]  }
0x89: {  	s3 =	sld [smem:$0x3FFE];
	_ =	sdelay $0x1  }
0x8a: {  	s1 =	srdreg.scid  }
0x8b: {  	s0 =	sand.u32 $0x1, s1  }
0x8c: {  	s17 =	sshll.u32 s0, $0xA;
	s2 =	sadd.s32 s3, s2  }
0x8d: {  	s2 =	sadd.s32 s2, s17  }
0x8e: {  	[smem:$0x3FC2] =	sst s2  }
0x8f: {  	_ = 	snop  }
0x90: {  	s2 =	sld [smem:$0x3FD0];
	(tm) =	ssettm $0x1  }
0x91: {  	s18 =	sld [smem:$0x3FFB];
	_ =	sdelay $0x3  }
0x92: {  	_ =	strace s18  }
0x93: {  	s3 =	sld [smem:$0x3FFC];
	_ =	sdelay $0x3  }
0x94: {  	_ =	strace s3  }
0x95: {  	s3 =	sld [smem:$0x3FFD];
	_ =	sdelay $0x3  }
0x96: {  	_ =	strace s3  }
0x97: {  	_ =	strace $0x8FFFFFFF  }
0x98: {  	s19 =	sld [smem:$0x3FDB];
	_ =	sdelay $0x1  }
0x99: {  	s4 =	simm.s32 $_scs_section_size  }
0x9a: {  	s5 =	simm.s32 $_size__tile_overlayer_lowered;
	s6 =	simm.s32 $_tile_overlayer_lowered  }
0x9b: {  	s22 =	simm.s32 $0x1BFF;
	s21 =	sshll.u32 s6, $0x1;
	s3 =	sadd.s32 s4, s19  }
0x9c: {  	s7 =	simm.s32 $0x0;
	s20 =	sshll.u32 s5, $0x1;
	s5 =	sadd.s32 s21, s3  }
0x9d: {  	[timem:s7], [sflag:s22] =	dma.local [hbm:s5], s20  }
0x9e: {  	_ =	swait.ge [sflag:s22], s20  }
0x9f: {  	s4 =	ssub.s32 $0x0, s20;
	[sflag:s22] =	ssyncset.done $0x0  }
0xa0: {  	[sflag:s22] =	ssyncadd.s32 s4;
	_ =	sdelay $0x1  }
0xa1: {  	s23 =	simm.s32 $0x1B8B  }
0xa2: {  	_ =	swait.ge [sflag:s23], $0x1  }
0xa3: {  	[sflag:s23] =	ssyncset.done $0x0  }
0xa4: {  	s25 =	simm.s32 $0x1B8E;
	s24 =	sld [smem:$0x3FFE];
	[sflag:s23] =	ssyncadd.s32 $0xFFFFFFFF  }
0xa5: {  	s26 =	simm.s32 $execute0_lowered;
	[smem:$0x3FD2] =	sst s25  }
0xa6: {  	s5 =	sshll.u32 s26, $0x1;
	_ =	strace $0x80000046;
	[dreg:$0x1] =	wrdreg $0xFFFFFFFF  }
0xa7: {  	s28 =	simm.s32 $_size_execute0_lowered;
	s3 =	sadd.s32 s3, s5;
	[dreg:$0x0] =	wrdreg $0x0  }
0xa8: {  	s5 =	sshll.u32 s28, $0x1;
	[dreg:$0x2] =	wrdreg s3  }
0xa9: {  	[dreg:$0x3] =	wrdreg s5  }
0xaa: {  	[dreg:$0x4] =	wrdreg $0xC0  }
0xab: {  	_ =	task [dreg:s7], $0x5FFFF  }
0xac: {  	[dreg:$0x1] =	wrdreg $0xFFFFFFFF  }
0xad: {  	[dreg:$0x0] =	wrdreg $0x60  }
0xae: {  	[dreg:$0x2] =	wrdreg s24  }
0xaf: {  	[dreg:$0x3] =	wrdreg s2  }
0xb0: {  	[dreg:$0x4] =	wrdreg $0x7C900  }
0xb1: {  	[dreg:$0x5] =	wrdreg $0x9  }
0xb2: {  	_ =	task.clear_ibuf [dreg:s7], $0x6FFFF;
	_ =	strace $0x90000046  }
0xb3: {  	s29 =	simm.s32 $0x9;
	_ =	strace $0x80000048  }
0xb4: {  	_ =	swait.ge [sflag:s29], $0x1  }
0xb5: {  	[sflag:s29] =	ssyncadd.s32 $0xFFFFFFFF  }
0xb6: {  	_ =	strace $0x90000048  }
0xb7: {  	_ =	sfence  }
0xb8: {  	s30 =	sld [smem:$0x0];
	_ =	sdelay $0x2  }
0xb9: {  	s31 =	sshll.u32 s1, $0xD;
	s1 =	sshrl.u32 s1, $0x2  }
0xba: {  	s3 =	sand.u32 $0x4000, s31;
	s1 =	sadd.s32 s1, s30  }
0xbb: {  	s0 =	sor.u32 s3, s0;
	s1 =	sshll.u32 s1, $0x11  }
0xbc: {  	s0 =	sor.u32 s1, s0  }
0xbd: {  	s0 =	sadd.s32 $0x8F2B, s0  }
0xbe: {  	[sflag:s0] =	ssyncadd.remote.s32 $0x1  }
0xbf: {  	_ =	sfence.sel $0xFFFF  }
0xc0: {  	[dreg:$0x0] =	wrdreg $0xFFFFFFFF;
	(pc) =	sbr.abs _section_cstart, $3  }
0xc1: {  	[dreg:$0x1] =	wrdreg $0xFFFFFFFF  }
0xc2: {  	_ =	task.clear_ibuf [dreg:s7], $0x2FFFF;
	_ =	strace $0x9FFFFFFF  }
0xc3: {  	(tm) =	ssettm $0x7FFFFFFF  }
tec
execute0_lowered:
.L_overlay_start_1:
0x0: {  	(tag) =	ssettag $0x1  }
0x1: {  	s5 =	rddreg [dreg:$0x0]  }
0x2: {  	s6 =	rddreg [dreg:$0x1]  }
0x3: {  	s0 =	srdreg.scid;
	s2 =	rddreg [dreg:$0x2]  }
0x4: {  	s3 =	simm.s32 $0x0;
	s4 =	sand.u32 $0x1, s0;
	s0 =	stileid.u32  }
0x5: {  	s11 =	simm.s32 $0x500;
	s12 =	simm.s32 $0x7790;
	s8 =	smul.u32 $0x500, s0  }
0x6: {  	[smem:$0x7FF] =	sst s3;
	s1 =	sshll.u32 s4, $0x4;
	s10 =	smul.u32 $0x5000, s4  }
0x7: {  	s9 =	ssub.s32 $0x2, s4;
	s29 =	smul.u32 $0x2710, s0;
	s1 =	sor.u32 s0, s1  }
0x8: {  	s28 =	sshrl.u32 s9, $0x1;
	s7 =	smul.u32 $0x2710, s1;
	s1 =	rddreg [dreg:$0x3]  }
0x9: {  	_ =	strace $0x80000047;
	s9 =	ssub.s32 s9, s28;
	s31 =	sand.u32 $0x70, s29  }
0xa: {  	s10 =	sadd.s32 s8, s10;
	s13 =	sadd.s32 $0xC0, s31;
	s7 =	sshrl.u32 s7, $0x3  }
0xb: {  	s30 =	sshrl.u32 s10, $0x3;
	s10 =	simm.s32 $0x1;
	v3 =	vmov s13;
	s7 =	sadd.s32 $0x9C40, s7  }
0xc: {  	s6 =	sadd.s32 s6, s30;
	s13 =	simm.s32 $0x0;
	s7 =	sand.u32 $0x1FFF0, s7  }
0xd: {  	s26 =	sadd.s32 s7, s5;
	s5 =	sadd.s32 s8, s2;
	s7 =	smax.u32 s9, $0x1  }
0xe: {  	v0 =	vimm.f32 $0.0e+00;
	v1 =	vimm.f32 $1.000000000e+00;
	v2 =	vlaneseq.u32;
	s8 =	simm.s32 $0x2790;
	s9 =	simm.s32 $0x2;
	s4 =	sadd.s32 $0x2800, s26  }
.LBB2_1:
0xf: {  	[tilespmem:s3], [sflag:$0x1] =	stream.linear.gather [hbm4b:s4+s3], $0x2790, $0x38;
	[tilespmem:$0x8190] =	vst v63  }
0x10: {  	s14 =	simm.s32 $0x0;
	s15 =	simm.s32 $0x200  }
.LBB2_2:
0x11: {  	p0 =	sne.s32 s15, $0x13E00;
	[tilespmem:s14+$0x2800] =	vst v0  }
0x12: {  	[tilespmem:s14+$0x2790] =	vst v0  }
0x13: {  	[tilespmem:s14+$0x27A0] =	vst v0  }
.Ltmp0:
0x14: {  	[tilespmem:s14+$0x27B0] =	vst v0;
	(pc) =	sbr.rel @p0 .LBB2_2-.Ltmp0, $4  }
0x15: {  	[tilespmem:s14+$0x27C0] =	vst v0  }
0x16: {  	[tilespmem:s14+$0x27D0] =	vst v0  }
0x17: {  	[tilespmem:s14+$0x27E0] =	vst v0  }
0x18: {  	[tilespmem:s14+$0x27F0] =	vst v0;
	s14 =	sshra.s32 s15, $0x2;
	s15 =	sadd.s32 $0x200, s15  }
0x19: {  	[tilespmem:s14+$0x2800] =	vst v0  }
0x1a: {  	[tilespmem:s14+$0x2790] =	vst v0  }
0x1b: {  	[tilespmem:s14+$0x27A0] =	vst v0  }
0x1c: {  	[tilespmem:s14+$0x27B0] =	vst v0  }
0x1d: {  	[tilespmem:s14+$0x27C0] =	vst v0  }
0x1e: {  	[tilespmem:s14+$0x27D0] =	vst v0  }
0x1f: {  	[tilespmem:s14+$0x27E0] =	vst v0  }
0x20: {  	[tilespmem:s14+$0x27F0] =	vst v0  }
0x21: {  	[spmem:s5] =	stream.linear.scatter [tilespmem:s8], [sflag:$0x2], $0x500, $0x38;
	[tilespmem:$0x8190] =	vst v63  }
0x22: {  	_ =	swait.ge [sflag:s9], $0x500  }
0x23: {  	[sflag:s9] =	ssyncset.done $0x0  }
0x24: {  	[sflag:s9] =	ssyncadd.s32 $0xFFFFFB00  }
0x25: {  	_ =	swait.ge [sflag:s10], $0x2790  }
0x26: {  	[sflag:s10] =	ssyncset.done $0x0  }
0x27: {  	s14 =	simm.s32 $0x0;
	s15 =	simm.s32 $0x0;
	[sflag:s10] =	ssyncadd.s32 $0xFFFFD870  }
.LBB2_4:
0x28: {  	s16 =	sshra.s32 s15, $0x2  }
0x29: {  	v4 =	vld.idx.msk [tilespmem:v3+s16+$0xFFFFFF40 ss:$0x1], $0xffff;
	_ =	sdelay $0x4  }
0x2a: {  	v5 =	vshll.u32 v4, $0x1  }
0x2b: {  	v4 =	vand.u32 $0x7, v4;
	v5 =	vand.u32 $0xFFFFFFF0, v5  }
0x2c: {  	v4 =	vor.u32 v4, v5;
	_ =	sdelay $0x4  }
0x2d: {  	[tilespmem:v4+s8+$0x0] =	vst.idx.add.f32.msk $0xffff, v1  }
0x2e: {  	v4 =	vld.idx.msk [tilespmem:v3+s16+$0xFFFFFF50 ss:$0x1], $0xffff;
	_ =	sdelay $0x4  }
0x2f: {  	v5 =	vshll.u32 v4, $0x1  }
0x30: {  	v4 =	vand.u32 $0x7, v4;
	v5 =	vand.u32 $0xFFFFFFF0, v5  }
0x31: {  	v4 =	vor.u32 v4, v5;
	_ =	sdelay $0x4  }
0x32: {  	[tilespmem:v4+s8+$0x0] =	vst.idx.add.f32.msk $0xffff, v1  }
0x33: {  	v4 =	vld.idx.msk [tilespmem:v3+s16+$0xFFFFFF60 ss:$0x1], $0xffff;
	_ =	sdelay $0x4  }
0x34: {  	v5 =	vshll.u32 v4, $0x1  }
0x35: {  	v4 =	vand.u32 $0x7, v4;
	v5 =	vand.u32 $0xFFFFFFF0, v5  }
0x36: {  	v4 =	vor.u32 v4, v5;
	_ =	sdelay $0x4  }
0x37: {  	[tilespmem:v4+s8+$0x0] =	vst.idx.add.f32.msk $0xffff, v1  }
0x38: {  	v4 =	vld.idx.msk [tilespmem:v3+s16+$0xFFFFFF70 ss:$0x1], $0xffff;
	_ =	sdelay $0x4  }
0x39: {  	v5 =	vshll.u32 v4, $0x1  }
0x3a: {  	v4 =	vand.u32 $0x7, v4;
	v5 =	vand.u32 $0xFFFFFFF0, v5  }
0x3b: {  	v4 =	vor.u32 v4, v5;
	_ =	sdelay $0x4  }
0x3c: {  	[tilespmem:v4+s8+$0x0] =	vst.idx.add.f32.msk $0xffff, v1  }
0x3d: {  	v4 =	vld.idx.msk [tilespmem:v3+s16+$0xFFFFFF80 ss:$0x1], $0xffff;
	_ =	sdelay $0x4  }
0x3e: {  	v5 =	vshll.u32 v4, $0x1  }
0x3f: {  	v4 =	vand.u32 $0x7, v4;
	v5 =	vand.u32 $0xFFFFFFF0, v5  }
0x40: {  	v4 =	vor.u32 v4, v5;
	_ =	sdelay $0x4  }
0x41: {  	[tilespmem:v4+s8+$0x0] =	vst.idx.add.f32.msk $0xffff, v1  }
0x42: {  	v4 =	vld.idx.msk [tilespmem:v3+s16+$0xFFFFFF90 ss:$0x1], $0xffff;
	_ =	sdelay $0x4  }
0x43: {  	v5 =	vshll.u32 v4, $0x1  }
0x44: {  	v4 =	vand.u32 $0x7, v4;
	v5 =	vand.u32 $0xFFFFFFF0, v5  }
0x45: {  	v4 =	vor.u32 v4, v5;
	_ =	sdelay $0x4  }
0x46: {  	[tilespmem:v4+s8+$0x0] =	vst.idx.add.f32.msk $0xffff, v1  }
0x47: {  	v4 =	vld.idx.msk [tilespmem:v3+s16+$0xFFFFFFA0 ss:$0x1], $0xffff;
	_ =	sdelay $0x4  }
0x48: {  	v5 =	vshll.u32 v4, $0x1  }
0x49: {  	v4 =	vand.u32 $0x7, v4;
	v5 =	vand.u32 $0xFFFFFFF0, v5  }
0x4a: {  	v4 =	vor.u32 v4, v5;
	_ =	sdelay $0x4  }
0x4b: {  	[tilespmem:v4+s8+$0x0] =	vst.idx.add.f32.msk $0xffff, v1  }
0x4c: {  	v4 =	vld.idx.msk [tilespmem:v3+s16+$0xFFFFFFB0 ss:$0x1], $0xffff;
	_ =	sdelay $0x4  }
0x4d: {  	v5 =	vshll.u32 v4, $0x1  }
0x4e: {  	v4 =	vand.u32 $0x7, v4;
	v5 =	vand.u32 $0xFFFFFFF0, v5  }
0x4f: {  	v4 =	vor.u32 v4, v5;
	_ =	sdelay $0x4  }
0x50: {  	[tilespmem:v4+s8+$0x0] =	vst.idx.add.f32.msk $0xffff, v1  }
0x51: {  	v4 =	vld.idx.msk [tilespmem:v3+s16+$0xFFFFFFC0 ss:$0x1], $0xffff;
	_ =	sdelay $0x4  }
0x52: {  	v5 =	vshll.u32 v4, $0x1  }
0x53: {  	v4 =	vand.u32 $0x7, v4;
	v5 =	vand.u32 $0xFFFFFFF0, v5  }
0x54: {  	v4 =	vor.u32 v4, v5;
	_ =	sdelay $0x4  }
0x55: {  	[tilespmem:v4+s8+$0x0] =	vst.idx.add.f32.msk $0xffff, v1  }
0x56: {  	v4 =	vld.idx.msk [tilespmem:v3+s16+$0xFFFFFFD0 ss:$0x1], $0xffff;
	_ =	sdelay $0x4  }
0x57: {  	v5 =	vshll.u32 v4, $0x1  }
0x58: {  	v4 =	vand.u32 $0x7, v4;
	v5 =	vand.u32 $0xFFFFFFF0, v5  }
0x59: {  	v4 =	vor.u32 v4, v5;
	_ =	sdelay $0x4  }
0x5a: {  	[tilespmem:v4+s8+$0x0] =	vst.idx.add.f32.msk $0xffff, v1  }
0x5b: {  	v4 =	vld.idx.msk [tilespmem:v3+s16+$0xFFFFFFE0 ss:$0x1], $0xffff;
	_ =	sdelay $0x4  }
0x5c: {  	v5 =	vshll.u32 v4, $0x1  }
0x5d: {  	v4 =	vand.u32 $0x7, v4;
	v5 =	vand.u32 $0xFFFFFFF0, v5  }
0x5e: {  	v4 =	vor.u32 v4, v5;
	_ =	sdelay $0x4  }
0x5f: {  	[tilespmem:v4+s8+$0x0] =	vst.idx.add.f32.msk $0xffff, v1  }
0x60: {  	v4 =	vld.idx.msk [tilespmem:v3+s16+$0xFFFFFFF0 ss:$0x1], $0xffff;
	_ =	sdelay $0x4  }
0x61: {  	v5 =	vshll.u32 v4, $0x1  }
0x62: {  	v4 =	vand.u32 $0x7, v4;
	v5 =	vand.u32 $0xFFFFFFF0, v5  }
0x63: {  	v4 =	vor.u32 v4, v5;
	_ =	sdelay $0x4  }
0x64: {  	[tilespmem:v4+s8+$0x0] =	vst.idx.add.f32.msk $0xffff, v1  }
0x65: {  	v4 =	vld.idx.msk [tilespmem:v3+s16+$0x0 ss:$0x1], $0xffff;
	_ =	sdelay $0x4  }
0x66: {  	v5 =	vshll.u32 v4, $0x1  }
0x67: {  	v4 =	vand.u32 $0x7, v4;
	v5 =	vand.u32 $0xFFFFFFF0, v5  }
0x68: {  	v4 =	vor.u32 v4, v5;
	_ =	sdelay $0x4  }
0x69: {  	[tilespmem:v4+s8+$0x0] =	vst.idx.add.f32.msk $0xffff, v1  }
0x6a: {  	v4 =	vld.idx.msk [tilespmem:v3+s16+$0x10 ss:$0x1], $0xffff;
	_ =	sdelay $0x4  }
0x6b: {  	v5 =	vshll.u32 v4, $0x1  }
0x6c: {  	v4 =	vand.u32 $0x7, v4;
	v5 =	vand.u32 $0xFFFFFFF0, v5  }
0x6d: {  	v4 =	vor.u32 v4, v5;
	_ =	sdelay $0x4  }
0x6e: {  	[tilespmem:v4+s8+$0x0] =	vst.idx.add.f32.msk $0xffff, v1  }
0x6f: {  	v4 =	vld.idx.msk [tilespmem:v3+s16+$0x20 ss:$0x1], $0xffff;
	_ =	sdelay $0x4  }
0x70: {  	v5 =	vshll.u32 v4, $0x1  }
0x71: {  	v4 =	vand.u32 $0x7, v4;
	v5 =	vand.u32 $0xFFFFFFF0, v5  }
0x72: {  	v4 =	vor.u32 v4, v5;
	_ =	sdelay $0x4  }
0x73: {  	[tilespmem:v4+s8+$0x0] =	vst.idx.add.f32.msk $0xffff, v1  }
0x74: {  	v4 =	vld.idx.msk [tilespmem:v3+s16+$0x30 ss:$0x1], $0xffff;
	_ =	sdelay $0x4  }
0x75: {  	v5 =	vshll.u32 v4, $0x1  }
0x76: {  	v4 =	vand.u32 $0x7, v4;
	v5 =	vand.u32 $0xFFFFFFF0, v5  }
0x77: {  	v4 =	vor.u32 v4, v5;
	_ =	sdelay $0x4  }
0x78: {  	[tilespmem:v4+s8+$0x0] =	vst.idx.add.f32.msk $0xffff, v1  }
0x79: {  	v4 =	vld.idx.msk [tilespmem:v3+s16+$0x40 ss:$0x1], $0xffff;
	_ =	sdelay $0x4  }
0x7a: {  	v5 =	vshll.u32 v4, $0x1  }
0x7b: {  	v4 =	vand.u32 $0x7, v4;
	v5 =	vand.u32 $0xFFFFFFF0, v5  }
0x7c: {  	v4 =	vor.u32 v4, v5;
	_ =	sdelay $0x4  }
0x7d: {  	[tilespmem:v4+s8+$0x0] =	vst.idx.add.f32.msk $0xffff, v1  }
0x7e: {  	v4 =	vld.idx.msk [tilespmem:v3+s16+$0x50 ss:$0x1], $0xffff;
	_ =	sdelay $0x4  }
0x7f: {  	v5 =	vshll.u32 v4, $0x1  }
0x80: {  	v4 =	vand.u32 $0x7, v4;
	v5 =	vand.u32 $0xFFFFFFF0, v5  }
0x81: {  	v4 =	vor.u32 v4, v5;
	_ =	sdelay $0x4  }
0x82: {  	[tilespmem:v4+s8+$0x0] =	vst.idx.add.f32.msk $0xffff, v1  }
0x83: {  	v4 =	vld.idx.msk [tilespmem:v3+s16+$0x60 ss:$0x1], $0xffff;
	_ =	sdelay $0x4  }
0x84: {  	v5 =	vshll.u32 v4, $0x1  }
0x85: {  	v4 =	vand.u32 $0x7, v4;
	v5 =	vand.u32 $0xFFFFFFF0, v5  }
0x86: {  	v4 =	vor.u32 v4, v5;
	_ =	sdelay $0x4  }
0x87: {  	[tilespmem:v4+s8+$0x0] =	vst.idx.add.f32.msk $0xffff, v1  }
0x88: {  	v4 =	vld.idx.msk [tilespmem:v3+s16+$0x70 ss:$0x1], $0xffff;
	_ =	sdelay $0x4  }
0x89: {  	v5 =	vshll.u32 v4, $0x1  }
0x8a: {  	v4 =	vand.u32 $0x7, v4;
	v5 =	vand.u32 $0xFFFFFFF0, v5  }
0x8b: {  	v4 =	vor.u32 v4, v5;
	_ =	sdelay $0x4  }
0x8c: {  	[tilespmem:v4+s8+$0x0] =	vst.idx.add.f32.msk $0xffff, v1  }
0x8d: {  	v4 =	vld.idx.msk [tilespmem:v3+s16+$0x80 ss:$0x1], $0xffff;
	_ =	sdelay $0x4  }
0x8e: {  	v5 =	vshll.u32 v4, $0x1  }
0x8f: {  	v4 =	vand.u32 $0x7, v4;
	v5 =	vand.u32 $0xFFFFFFF0, v5  }
0x90: {  	v4 =	vor.u32 v4, v5;
	_ =	sdelay $0x4  }
0x91: {  	[tilespmem:v4+s8+$0x0] =	vst.idx.add.f32.msk $0xffff, v1  }
0x92: {  	v4 =	vld.idx.msk [tilespmem:v3+s16+$0x90 ss:$0x1], $0xffff;
	_ =	sdelay $0x4  }
0x93: {  	v5 =	vshll.u32 v4, $0x1  }
0x94: {  	v4 =	vand.u32 $0x7, v4;
	v5 =	vand.u32 $0xFFFFFFF0, v5  }
0x95: {  	v4 =	vor.u32 v4, v5;
	_ =	sdelay $0x4  }
0x96: {  	[tilespmem:v4+s8+$0x0] =	vst.idx.add.f32.msk $0xffff, v1  }
0x97: {  	v4 =	vld.idx.msk [tilespmem:v3+s16+$0xA0 ss:$0x1], $0xffff;
	_ =	sdelay $0x4  }
0x98: {  	v5 =	vshll.u32 v4, $0x1  }
0x99: {  	v4 =	vand.u32 $0x7, v4;
	v5 =	vand.u32 $0xFFFFFFF0, v5  }
0x9a: {  	v4 =	vor.u32 v4, v5;
	_ =	sdelay $0x4  }
0x9b: {  	[tilespmem:v4+s8+$0x0] =	vst.idx.add.f32.msk $0xffff, v1  }
0x9c: {  	v4 =	vld.idx.msk [tilespmem:v3+s16+$0xB0 ss:$0x1], $0xffff;
	_ =	sdelay $0x4  }
0x9d: {  	v5 =	vshll.u32 v4, $0x1  }
0x9e: {  	v4 =	vand.u32 $0x7, v4;
	v5 =	vand.u32 $0xFFFFFFF0, v5  }
0x9f: {  	v4 =	vor.u32 v4, v5;
	_ =	sdelay $0x4  }
0xa0: {  	[tilespmem:v4+s8+$0x0] =	vst.idx.add.f32.msk $0xffff, v1  }
0xa1: {  	v4 =	vld.idx.msk [tilespmem:v3+s16+$0xC0 ss:$0x1], $0xffff;
	_ =	sdelay $0x4  }
0xa2: {  	v5 =	vshll.u32 v4, $0x1  }
0xa3: {  	v4 =	vand.u32 $0x7, v4;
	v5 =	vand.u32 $0xFFFFFFF0, v5  }
0xa4: {  	p0 =	sne.s32 s15, $0x9600;
	v4 =	vor.u32 v4, v5  }
.Ltmp1:
0xa5: {  	_ = 	snop;
	(pc) =	sbr.rel @p0 .LBB2_4-.Ltmp1, $2  }
0xa6: {  	_ =	sdelay $0x2  }
0xa7: {  	s15 =	sadd.s32 $0x640, s15;
	[tilespmem:v4+s8+$0x0] =	vst.idx.add.f32.msk $0xffff, v1  }
0xa8: {  	s15 =	simm.s32 $0x7790;
	v4 =	vor.u32 s14, v2  }
0xa9: {  	s14 =	simm.s32 $0x10;
	[tilespmem:s15+$0x0] =	vst v4  }
.LBB2_6:
0xaa: {  	p0 =	sne.s32 s14, $0x4F0  }
.Ltmp2:
0xab: {  	_ = 	snop;
	(pc) =	sbr.rel @p0 .LBB2_6-.Ltmp2, $3  }
0xac: {  	_ =	sdelay $0x1  }
0xad: {  	v4 =	vor.u32 s14, v2;
	s14 =	sadd.s32 $0x10, s14;
	s15 =	sadd.s32 $0x10, s15  }
0xae: {  	[tilespmem:s15+$0x0] =	vst v4  }
0xaf: {  	[bflag:$0x0] =	sbarrier.arrive $0xFFFF  }
0xb0: {  	[spmem:s2] =	stream.indirect.scatter.add.f32 [tilespmem:s8], [sflag:$0x2], $0x10, s12, s11, $0xb8;
	[tilespmem:$0x8190] =	vst v63  }
0xb1: {  	_ =	swait.ge [sflag:s9], $0x5000  }
0xb2: {  	[sflag:s9] =	ssyncset.done $0x0  }
0xb3: {  	[sflag:s9] =	ssyncadd.s32 $0xFFFFB000  }
0xb4: {  	[bflag:$0x0] =	sbarrier.arrive $0xFFFF  }
0xb5: {  	[tilespmem:s8], [sflag:$0x2] =	stream.linear.gather [spmem:s5], $0x500, $0x38;
	[tilespmem:$0x8190] =	vst v63  }
0xb6: {  	s13 =	sadd.s32 $0x1, s13;
	_ =	swait.ge [sflag:s9], $0x500  }
0xb7: {  	p0 =	sne.s32 s13, s7;
	[sflag:s9] =	ssyncset.done $0x0  }
.Ltmp3:
0xb8: {  	[sflag:s9] =	ssyncadd.s32 $0xFFFFFB00;
	(pc) =	sbr.rel @p0 .LBB2_1-.Ltmp3, $4  }
0xb9: {  	[hbm4b:s6+s3] =	stream.linear.scatter [tilespmem:s8], [sflag:$0x2], $0x500, $0x38;
	[tilespmem:$0x8190] =	vst v63  }
0xba: {  	_ =	swait.ge [sflag:s9], $0x500  }
0xbb: {  	[sflag:s9] =	ssyncset.done $0x0  }
0xbc: {  	[sflag:s9] =	ssyncadd.s32 $0xFFFFFB00  }
0xbd: {  	_ =	sfence.sel $0x180000  }
0xbe: {  	[bflag:$0x0] =	sbarrier.arrive $0xFFFF  }
0xbf: {  	p0 =	sne.s32 s0, $0x0;
	_ =	strace $0x90000047  }
0xc0: {  	s0 =	sadd.s32 @!p0 $0x100000, s1;
	[bflag:$0x2] =	sbarrier.arrive $0xFFFF  }
0xc1: {  	[sflag:s0] =	ssyncadd.tile.s32 @!p0 $0x1;
	_ =	shalt  }
.Lfunc_end2:
_tile_overlayer_lowered:
.L_overlay_start_2:
0xc2: {  	(tag) =	ssettag $0x2  }
0xc3: {  	s0 =	rddreg [dreg:$0x0];
	s2 =	stileid.u32  }
0xc4: {  	s1 =	rddreg [dreg:$0x1];
	p0 =	sne.s32 s2, $0x0  }
0xc5: {  	s3 =	rddreg [dreg:$0x2];
	[bflag:$0x3] =	sbarrier.arrive $0xFFFF;
	s2 =	simm.s32 @!p0 $0x1C02  }
0xc6: {  	[timem:s3], [sflag:s2] =	dma.local @!p0 [hbm:s0], s1  }
0xc7: {  	s0 =	simm.s32 @!p0 $0x2  }
0xc8: {  	_ =	swait.ge @!p0 [sflag:s0], s1  }
0xc9: {  	s1 =	ssub.s32 @!p0 $0x0, s1;
	[sflag:s0] =	ssyncset.done @!p0 $0x0  }
0xca: {  	[sflag:s0] =	ssyncadd.s32 @!p0 s1  }
0xcb: {  	[bflag:$0x3] =	sbarrier.arrive $0xFFFF  }
0xcc: {  	_ =	shalt  }

</sc_bundles>
